<compile_context>
chip_gen: v7x
topology: tpu7x:2x2x1
jax: 0.10.2.dev20260603
libtpu: 0.0.44.dev20260713+nightly
codegen_flags: <defaults>
</compile_context>

<pallas_src>
import jax
import jax.numpy as jnp
from jax import lax
from jax.experimental import pallas as pl
from jax.experimental.pallas import tpu as pltpu
from jax.experimental.pallas import tpu_sc as plsc

_LAMB = 0.7
_N = 10000
_D = 128
_LANES = 16

_NC = 2
_NS = 16
_NW = _NC * _NS
_PER_W = _N // _NW
_EXTRA = (_N - _NW * _PER_W) // 8
_MAXROWS = _PER_W + 8
_CHUNKS = (24, 128, 128, 32)
_OFFS = tuple(sum(_CHUNKS[:i]) for i in range(len(_CHUNKS)))
_NFULL = len(_CHUNKS)
_DEPTH = 2


def _mix_rows(a_v, b_v, lo, hi):
    @plsc.parallel_loop(lo, hi, unroll=4)
    def _(i):
        for j in range(_D // _LANES):
            sl = pl.ds(j * _LANES, _LANES)
            a_v[i, sl] = a_v[i, sl] * _LAMB + b_v[i, sl] * (1.0 - _LAMB)


def _mix_body(x_hbm, pair_hbm, out_hbm, idx_v, a_v, b_v, sems, esem, osem):
    wid = lax.axis_index("s") * _NC + lax.axis_index("c")
    has_extra = wid < _EXTRA
    base = wid * _PER_W + 8 * jnp.minimum(wid, _EXTRA)

    pltpu.sync_copy(pair_hbm.at[pl.ds(base, _PER_W)],
                    idx_v.at[pl.ds(0, _PER_W)])

    @pl.when(has_extra)
    def _():
        pltpu.sync_copy(pair_hbm.at[pl.ds(base + _PER_W, 8)],
                        idx_v.at[pl.ds(_PER_W, 8)])

    def fire(k):
        sl = pl.ds(_OFFS[k], _CHUNKS[k])
        return (
            pltpu.async_copy(x_hbm.at[idx_v.at[sl]], b_v.at[sl], sems[k]),
            pltpu.async_copy(x_hbm.at[pl.ds(base + _OFFS[k], _CHUNKS[k])],
                             a_v.at[sl], sems[k]),
        )

    def extra_descs(make):
        sl = pl.ds(_PER_W, 8)
        return (
            make(x_hbm.at[idx_v.at[sl]], b_v.at[sl], esem),
            make(x_hbm.at[pl.ds(base + _PER_W, 8)], a_v.at[sl], esem),
        )

    waves = [fire(k) for k in range(_DEPTH)]

    @pl.when(has_extra)
    def _():
        extra_descs(pltpu.async_copy)

    stores = []
    for k in range(_NFULL):
        for c in waves[k]:
            c.wait()
        if k + _DEPTH < _NFULL:
            waves.append(fire(k + _DEPTH))
        _mix_rows(a_v, b_v, _OFFS[k], _OFFS[k] + _CHUNKS[k])
        stores.append(pltpu.async_copy(
            a_v.at[pl.ds(_OFFS[k], _CHUNKS[k])],
            out_hbm.at[pl.ds(base + _OFFS[k], _CHUNKS[k])], osem))

    @pl.when(has_extra)
    def _():
        for c in extra_descs(pltpu.make_async_copy):
            c.wait()
        _mix_rows(a_v, b_v, _PER_W, _MAXROWS)
        pltpu.sync_copy(a_v.at[pl.ds(_PER_W, 8)],
                        out_hbm.at[pl.ds(base + _PER_W, 8)])

    for s in stores:
        s.wait()


@jax.jit
def _node_mixup_sc(x, pair_idx):
    mesh = plsc.VectorSubcoreMesh(core_axis_name="c", subcore_axis_name="s")
    call = pl.kernel(
        _mix_body,
        out_type=jax.ShapeDtypeStruct((_N, _D), jnp.float32),
        mesh=mesh,
        scratch_types=[
            pltpu.VMEM((_MAXROWS,), jnp.int32),
            pltpu.VMEM((_MAXROWS, _D), jnp.float32),
            pltpu.VMEM((_MAXROWS, _D), jnp.float32),
            [pltpu.SemaphoreType.DMA] * _NFULL,
            pltpu.SemaphoreType.DMA,
            pltpu.SemaphoreType.DMA,
        ],
    )
    return call(x, pair_idx)


def kernel(x, y, edge_index, pair_idx):
    x_mix = _node_mixup_sc(x, pair_idx)
    new_y = y.astype(jnp.int32)
    return (x_mix, new_y, edge_index)

# --- scband reference (transcript-rebuilt; emitter-appended) ---
"""Pipeline reference for scband-node-mix-up-17806934409277 (READ-ONLY COPY).

The authoritative reference and input builder live on the scoring server;
editing this copy changes nothing except your own understanding.
"""

import jax, jax.numpy as jnp
import numpy as np

LAMB = 0.7
CLASSES = 40
N = 10000
D = 128
E = 320000

def setup_inputs(seed: int = 0) -> dict:
    key = jax.random.key(seed)
    k_x, k_y, k_e, k_p = (jax.random.fold_in(key, i) for i in range(4))
    x = jax.random.normal(k_x, (N, D), dtype=jnp.float32)
    y = jax.random.randint(k_y, (N,), 0, CLASSES, dtype=jnp.int64) if jax.config.read('jax_enable_x64') else jax.random.randint(k_y, (N,), 0, CLASSES).astype(jnp.int32)
    edge_index = jax.random.randint(k_e, (2, E), 0, N).astype(jnp.int32)
    pair_idx = jax.random.permutation(k_p, N).astype(jnp.int32)
    return {"x": x, "y": y, "edge_index": edge_index, "pair_idx": pair_idx}

def reference(x, y, edge_index, pair_idx):
    # NodeMixUp.forward: mix node features and one-hot labels with a random node pairing
    x_b = jnp.take(x, pair_idx, axis=0)          # x[pair_idx] gather
    y_b = jnp.take(y, pair_idx, axis=0)          # y[pair_idx] gather
    y_a_oh = jax.nn.one_hot(y, CLASSES, dtype=jnp.float32)
    y_b_oh = jax.nn.one_hot(y_b, CLASSES, dtype=jnp.float32)
    x_mix = LAMB * x + (1.0 - LAMB) * x_b
    y_mix = LAMB * y_a_oh + (1.0 - LAMB) * y_b_oh
    new_y = jnp.argmax(y_mix, axis=1)
    # torch_geometric Data(x=x_mix, y=new_y, edge_index=edge_idx) -> return the tensors
    return (x_mix, new_y, edge_index)

if __name__ == "__main__":
    import jax
    _d = setup_inputs()
    print(jax.jit(kernel)(*tuple(_d.values())))

</pallas_src>

<mosaic_0001>
#map = affine_map<(d0, d1) -> (0, 0)>
#map1 = affine_map<(d0, d1) -> (0)>
module attributes {stable_mosaic.version = 14 : i64} {
  func.func @_mix_body(%arg0: i32, %arg1: i32, %arg2: memref<10000x128xf32, #tpu.memory_space<hbm>>, %arg3: memref<10000xi32, #tpu.memory_space<hbm>>, %arg4: memref<10000x128xf32, #tpu.memory_space<hbm>>, %arg5: memref<320xi32, #tpu.memory_space<vmem>>, %arg6: memref<320x128xf32, #tpu.memory_space<vmem>>, %arg7: memref<320x128xf32, #tpu.memory_space<vmem>>, %arg8: memref<!tpu.dma_semaphore, #tpu.memory_space<semaphore_mem>>, %arg9: memref<!tpu.dma_semaphore, #tpu.memory_space<semaphore_mem>>, %arg10: memref<!tpu.dma_semaphore, #tpu.memory_space<semaphore_mem>>, %arg11: memref<!tpu.dma_semaphore, #tpu.memory_space<semaphore_mem>>, %arg12: memref<!tpu.dma_semaphore, #tpu.memory_space<semaphore_mem>>, %arg13: memref<!tpu.dma_semaphore, #tpu.memory_space<semaphore_mem>>) attributes {dimension_semantics = [#tpu.dimension_semantics<core_parallel>, #tpu.dimension_semantics<subcore_parallel>], iteration_bounds = array<i64: 2, 16>, scalar_prefetch = 0 : i64, scratch_operands = 9 : i64, tpu.core_type = #tpu.core_type<sc_vector_subcore>, window_params = [{transform_indices = #map}, {transform_indices = #map1}, {transform_indices = #map}]} {
    %mul3A = arith.constant 2 : i32
    %mul3A_0 = arith.muli %arg1, %mul3A : i32
    %add3A = arith.addi %mul3A_0, %arg0 : i32
    %lt3A = arith.constant 2 : i32
    %lt3A_1 = arith.cmpi slt, %add3A, %lt3A : i32
    %mul3A_2 = arith.constant 312 : i32
    %mul3A_3 = arith.muli %add3A, %mul3A_2 : i32
    %min3A = arith.constant 2 : i32
    %min3A_4 = arith.minsi %add3A, %min3A : i32
    %mul3A_5 = arith.constant 8 : i32
    %mul3A_6 = arith.muli %mul3A_5, %min3A_4 : i32
    %add3A_7 = arith.addi %mul3A_3, %mul3A_6 : i32
    "tpu.region"() ({
      %run_scoped3A = tpu.sem_alloc : memref<!tpu.dma_semaphore, #tpu.memory_space<semaphore_mem>>
      %dma_start3A_264 = arith.constant 0 : i32
      %dma_start3A_265 = tpu.memref_slice %arg5[%dma_start3A_264] : memref<320xi32, #tpu.memory_space<vmem>> -> memref<312xi32, #tpu.memory_space<vmem>>
      %dma_start3A_266 = tpu.memref_slice %arg3[%add3A_7] : memref<10000xi32, #tpu.memory_space<hbm>> -> memref<312xi32, #tpu.memory_space<hbm>>
      %dma_start3A_267 = arith.constant 0 : i32
      %dma_start3A_268 = tpu.memref_slice %arg5[%dma_start3A_267] : memref<320xi32, #tpu.memory_space<vmem>> -> memref<312xi32, #tpu.memory_space<vmem>>
      %dma_start3A_269 = tpu.memref_slice %arg3[%add3A_7] : memref<10000xi32, #tpu.memory_space<hbm>> -> memref<312xi32, #tpu.memory_space<hbm>>
      tpu.enqueue_dma source(%dma_start3A_269 : memref<312xi32, #tpu.memory_space<hbm>>) target(%dma_start3A_268 : memref<312xi32, #tpu.memory_space<vmem>>) target_semaphore(%run_scoped3A : memref<!tpu.dma_semaphore, #tpu.memory_space<semaphore_mem>>)
      %dma_wait3A_270 = arith.constant 0 : i32
      %dma_wait3A_271 = tpu.memref_slice %arg5[%dma_wait3A_270] : memref<320xi32, #tpu.memory_space<vmem>> -> memref<312xi32, #tpu.memory_space<vmem>>
      %dma_wait3A_272 = tpu.memref_slice %arg3[%add3A_7] : memref<10000xi32, #tpu.memory_space<hbm>> -> memref<312xi32, #tpu.memory_space<hbm>>
      %dma_wait3A_273 = arith.constant 0 : i32
      %dma_wait3A_274 = tpu.memref_slice %arg5[%dma_wait3A_273] : memref<320xi32, #tpu.memory_space<vmem>> -> memref<312xi32, #tpu.memory_space<vmem>>
      %dma_wait3A_275 = tpu.memref_slice %arg3[%add3A_7] : memref<10000xi32, #tpu.memory_space<hbm>> -> memref<312xi32, #tpu.memory_space<hbm>>
      tpu.wait_dma2 semaphore(%run_scoped3A : memref<!tpu.dma_semaphore, #tpu.memory_space<semaphore_mem>>) src(%dma_wait3A_275 : memref<312xi32, #tpu.memory_space<hbm>>) dst(%dma_wait3A_274 : memref<312xi32, #tpu.memory_space<vmem>>)
      tpu.yield
    }) : () -> ()
    %convert_element_type3A = arith.extui %lt3A_1 : i1 to i32
    %cond3A = arith.constant 0 : i32
    %cond3A_8 = arith.cmpi ne, %convert_element_type3A, %cond3A : i32
    scf.if %cond3A_8 {
      %add3A_264 = arith.constant 312 : i32
      %add3A_265 = arith.addi %add3A_7, %add3A_264 : i32
      "tpu.region"() ({
        %run_scoped3A = tpu.sem_alloc : memref<!tpu.dma_semaphore, #tpu.memory_space<semaphore_mem>>
        %dma_start3A_266 = arith.constant 312 : i32
        %dma_start3A_267 = tpu.memref_slice %arg5[%dma_start3A_266] : memref<320xi32, #tpu.memory_space<vmem>> -> memref<8xi32, #tpu.memory_space<vmem>>
        %dma_start3A_268 = tpu.memref_slice %arg3[%add3A_265] : memref<10000xi32, #tpu.memory_space<hbm>> -> memref<8xi32, #tpu.memory_space<hbm>>
        %dma_start3A_269 = arith.constant 312 : i32
        %dma_start3A_270 = tpu.memref_slice %arg5[%dma_start3A_269] : memref<320xi32, #tpu.memory_space<vmem>> -> memref<8xi32, #tpu.memory_space<vmem>>
        %dma_start3A_271 = tpu.memref_slice %arg3[%add3A_265] : memref<10000xi32, #tpu.memory_space<hbm>> -> memref<8xi32, #tpu.memory_space<hbm>>
        tpu.enqueue_dma source(%dma_start3A_271 : memref<8xi32, #tpu.memory_space<hbm>>) target(%dma_start3A_270 : memref<8xi32, #tpu.memory_space<vmem>>) target_semaphore(%run_scoped3A : memref<!tpu.dma_semaphore, #tpu.memory_space<semaphore_mem>>)
        %dma_wait3A_272 = arith.constant 312 : i32
        %dma_wait3A_273 = tpu.memref_slice %arg5[%dma_wait3A_272] : memref<320xi32, #tpu.memory_space<vmem>> -> memref<8xi32, #tpu.memory_space<vmem>>
        %dma_wait3A_274 = tpu.memref_slice %arg3[%add3A_265] : memref<10000xi32, #tpu.memory_space<hbm>> -> memref<8xi32, #tpu.memory_space<hbm>>
        %dma_wait3A_275 = arith.constant 312 : i32
        %dma_wait3A_276 = tpu.memref_slice %arg5[%dma_wait3A_275] : memref<320xi32, #tpu.memory_space<vmem>> -> memref<8xi32, #tpu.memory_space<vmem>>
        %dma_wait3A_277 = tpu.memref_slice %arg3[%add3A_265] : memref<10000xi32, #tpu.memory_space<hbm>> -> memref<8xi32, #tpu.memory_space<hbm>>
        tpu.wait_dma2 semaphore(%run_scoped3A : memref<!tpu.dma_semaphore, #tpu.memory_space<semaphore_mem>>) src(%dma_wait3A_277 : memref<8xi32, #tpu.memory_space<hbm>>) dst(%dma_wait3A_276 : memref<8xi32, #tpu.memory_space<vmem>>)
        tpu.yield
      }) : () -> ()
    } else {
    }
    %dma_start3A = arith.constant 0 : i32
    %dma_start3A_9 = arith.constant 0 : i32
    %dma_start3A_10 = tpu.memref_slice %arg7[%dma_start3A, %dma_start3A_9] : memref<320x128xf32, #tpu.memory_space<vmem>> -> memref<24x128xf32, #tpu.memory_space<vmem>>
    %dma_start3A_11 = arith.constant 0 : i32
    %dma_start3A_12 = tpu.memref_slice %arg5[%dma_start3A_11] : memref<320xi32, #tpu.memory_space<vmem>> -> memref<24xi32, #tpu.memory_space<vmem>>
    %dma_start3A_13 = arith.constant 0 : i32
    %dma_start3A_14 = arith.constant 0 : i32
    %dma_start3A_15 = tpu.memref_slice %arg2[%dma_start3A_13, %dma_start3A_14] : memref<10000x128xf32, #tpu.memory_space<hbm>> -> memref<10000x128xf32, #tpu.memory_space<hbm>>
    tpu.enqueue_indirect_dma source(%dma_start3A_15 : memref<10000x128xf32, #tpu.memory_space<hbm>>) target(%dma_start3A_10 : memref<24x128xf32, #tpu.memory_space<vmem>>) offsets(%dma_start3A_12 : memref<24xi32, #tpu.memory_space<vmem>>) semaphore(%arg8 : memref<!tpu.dma_semaphore, #tpu.memory_space<semaphore_mem>>)
    %add3A_16 = arith.constant 0 : i32
    %add3A_17 = arith.addi %add3A_7, %add3A_16 : i32
    %dma_start3A_18 = arith.constant 0 : i32
    %dma_start3A_19 = arith.constant 0 : i32
    %dma_start3A_20 = tpu.memref_slice %arg6[%dma_start3A_18, %dma_start3A_19] : memref<320x128xf32, #tpu.memory_space<vmem>> -> memref<24x128xf32, #tpu.memory_space<vmem>>
    %dma_start3A_21 = arith.constant 0 : i32
    %dma_start3A_22 = tpu.memref_slice %arg2[%add3A_17, %dma_start3A_21] : memref<10000x128xf32, #tpu.memory_space<hbm>> -> memref<24x128xf32, #tpu.memory_space<hbm>>
    %dma_start3A_23 = arith.constant 0 : i32
    %dma_start3A_24 = arith.constant 0 : i32
    %dma_start3A_25 = tpu.memref_slice %arg6[%dma_start3A_23, %dma_start3A_24] : memref<320x128xf32, #tpu.memory_space<vmem>> -> memref<24x128xf32, #tpu.memory_space<vmem>>
    %dma_start3A_26 = arith.constant 0 : i32
    %dma_start3A_27 = tpu.memref_slice %arg2[%add3A_17, %dma_start3A_26] : memref<10000x128xf32, #tpu.memory_space<hbm>> -> memref<24x128xf32, #tpu.memory_space<hbm>>
    tpu.enqueue_dma source(%dma_start3A_27 : memref<24x128xf32, #tpu.memory_space<hbm>>) target(%dma_start3A_25 : memref<24x128xf32, #tpu.memory_space<vmem>>) target_semaphore(%arg8 : memref<!tpu.dma_semaphore, #tpu.memory_space<semaphore_mem>>)
    %dma_start3A_28 = arith.constant 24 : i32
    %dma_start3A_29 = arith.constant 0 : i32
    %dma_start3A_30 = tpu.memref_slice %arg7[%dma_start3A_28, %dma_start3A_29] : memref<320x128xf32, #tpu.memory_space<vmem>> -> memref<128x128xf32, #tpu.memory_space<vmem>>
    %dma_start3A_31 = arith.constant 24 : i32
    %dma_start3A_32 = tpu.memref_slice %arg5[%dma_start3A_31] : memref<320xi32, #tpu.memory_space<vmem>> -> memref<128xi32, #tpu.memory_space<vmem>>
    %dma_start3A_33 = arith.constant 0 : i32
    %dma_start3A_34 = arith.constant 0 : i32
    %dma_start3A_35 = tpu.memref_slice %arg2[%dma_start3A_33, %dma_start3A_34] : memref<10000x128xf32, #tpu.memory_space<hbm>> -> memref<10000x128xf32, #tpu.memory_space<hbm>>
    tpu.enqueue_indirect_dma source(%dma_start3A_35 : memref<10000x128xf32, #tpu.memory_space<hbm>>) target(%dma_start3A_30 : memref<128x128xf32, #tpu.memory_space<vmem>>) offsets(%dma_start3A_32 : memref<128xi32, #tpu.memory_space<vmem>>) semaphore(%arg9 : memref<!tpu.dma_semaphore, #tpu.memory_space<semaphore_mem>>)
    %add3A_36 = arith.constant 24 : i32
    %add3A_37 = arith.addi %add3A_7, %add3A_36 : i32
    %dma_start3A_38 = arith.constant 24 : i32
    %dma_start3A_39 = arith.constant 0 : i32
    %dma_start3A_40 = tpu.memref_slice %arg6[%dma_start3A_38, %dma_start3A_39] : memref<320x128xf32, #tpu.memory_space<vmem>> -> memref<128x128xf32, #tpu.memory_space<vmem>>
    %dma_start3A_41 = arith.constant 0 : i32
    %dma_start3A_42 = tpu.memref_slice %arg2[%add3A_37, %dma_start3A_41] : memref<10000x128xf32, #tpu.memory_space<hbm>> -> memref<128x128xf32, #tpu.memory_space<hbm>>
    %dma_start3A_43 = arith.constant 24 : i32
    %dma_start3A_44 = arith.constant 0 : i32
    %dma_start3A_45 = tpu.memref_slice %arg6[%dma_start3A_43, %dma_start3A_44] : memref<320x128xf32, #tpu.memory_space<vmem>> -> memref<128x128xf32, #tpu.memory_space<vmem>>
    %dma_start3A_46 = arith.constant 0 : i32
    %dma_start3A_47 = tpu.memref_slice %arg2[%add3A_37, %dma_start3A_46] : memref<10000x128xf32, #tpu.memory_space<hbm>> -> memref<128x128xf32, #tpu.memory_space<hbm>>
    tpu.enqueue_dma source(%dma_start3A_47 : memref<128x128xf32, #tpu.memory_space<hbm>>) target(%dma_start3A_45 : memref<128x128xf32, #tpu.memory_space<vmem>>) target_semaphore(%arg9 : memref<!tpu.dma_semaphore, #tpu.memory_space<semaphore_mem>>)
    %convert_element_type3A_48 = arith.extui %lt3A_1 : i1 to i32
    %cond3A_49 = arith.constant 0 : i32
    %cond3A_50 = arith.cmpi ne, %convert_element_type3A_48, %cond3A_49 : i32
    scf.if %cond3A_50 {
      %dma_start3A_264 = arith.constant 312 : i32
      %dma_start3A_265 = arith.constant 0 : i32
      %dma_start3A_266 = tpu.memref_slice %arg7[%dma_start3A_264, %dma_start3A_265] : memref<320x128xf32, #tpu.memory_space<vmem>> -> memref<8x128xf32, #tpu.memory_space<vmem>>
      %dma_start3A_267 = arith.constant 312 : i32
      %dma_start3A_268 = tpu.memref_slice %arg5[%dma_start3A_267] : memref<320xi32, #tpu.memory_space<vmem>> -> memref<8xi32, #tpu.memory_space<vmem>>
      %dma_start3A_269 = arith.constant 0 : i32
      %dma_start3A_270 = arith.constant 0 : i32
      %dma_start3A_271 = tpu.memref_slice %arg2[%dma_start3A_269, %dma_start3A_270] : memref<10000x128xf32, #tpu.memory_space<hbm>> -> memref<10000x128xf32, #tpu.memory_space<hbm>>
      tpu.enqueue_indirect_dma source(%dma_start3A_271 : memref<10000x128xf32, #tpu.memory_space<hbm>>) target(%dma_start3A_266 : memref<8x128xf32, #tpu.memory_space<vmem>>) offsets(%dma_start3A_268 : memref<8xi32, #tpu.memory_space<vmem>>) semaphore(%arg12 : memref<!tpu.dma_semaphore, #tpu.memory_space<semaphore_mem>>)
      %add3A_272 = arith.constant 312 : i32
      %add3A_273 = arith.addi %add3A_7, %add3A_272 : i32
      %dma_start3A_274 = arith.constant 312 : i32
      %dma_start3A_275 = arith.constant 0 : i32
      %dma_start3A_276 = tpu.memref_slice %arg6[%dma_start3A_274, %dma_start3A_275] : memref<320x128xf32, #tpu.memory_space<vmem>> -> memref<8x128xf32, #tpu.memory_space<vmem>>
      %dma_start3A_277 = arith.constant 0 : i32
      %dma_start3A_278 = tpu.memref_slice %arg2[%add3A_273, %dma_start3A_277] : memref<10000x128xf32, #tpu.memory_space<hbm>> -> memref<8x128xf32, #tpu.memory_space<hbm>>
      %dma_start3A_279 = arith.constant 312 : i32
      %dma_start3A_280 = arith.constant 0 : i32
      %dma_start3A_281 = tpu.memref_slice %arg6[%dma_start3A_279, %dma_start3A_280] : memref<320x128xf32, #tpu.memory_space<vmem>> -> memref<8x128xf32, #tpu.memory_space<vmem>>
      %dma_start3A_282 = arith.constant 0 : i32
      %dma_start3A_283 = tpu.memref_slice %arg2[%add3A_273, %dma_start3A_282] : memref<10000x128xf32, #tpu.memory_space<hbm>> -> memref<8x128xf32, #tpu.memory_space<hbm>>
      tpu.enqueue_dma source(%dma_start3A_283 : memref<8x128xf32, #tpu.memory_space<hbm>>) target(%dma_start3A_281 : memref<8x128xf32, #tpu.memory_space<vmem>>) target_semaphore(%arg12 : memref<!tpu.dma_semaphore, #tpu.memory_space<semaphore_mem>>)
    } else {
    }
    %dma_wait3A = arith.constant 0 : i32
    %dma_wait3A_51 = arith.constant 0 : i32
    %dma_wait3A_52 = tpu.memref_slice %arg7[%dma_wait3A, %dma_wait3A_51] : memref<320x128xf32, #tpu.memory_space<vmem>> -> memref<24x128xf32, #tpu.memory_space<vmem>>
    %dma_wait3A_53 = arith.constant 0 : i32
    %dma_wait3A_54 = tpu.memref_slice %arg5[%dma_wait3A_53] : memref<320xi32, #tpu.memory_space<vmem>> -> memref<24xi32, #tpu.memory_space<vmem>>
    %dma_wait3A_55 = arith.constant 0 : i32
    %dma_wait3A_56 = arith.constant 0 : i32
    %dma_wait3A_57 = tpu.memref_slice %arg2[%dma_wait3A_55, %dma_wait3A_56] : memref<10000x128xf32, #tpu.memory_space<hbm>> -> memref<10000x128xf32, #tpu.memory_space<hbm>>
    tpu.wait_indirect_dma semaphore(%arg8 : memref<!tpu.dma_semaphore, #tpu.memory_space<semaphore_mem>>) src(%dma_wait3A_57 : memref<10000x128xf32, #tpu.memory_space<hbm>>) dst(%dma_wait3A_52 : memref<24x128xf32, #tpu.memory_space<vmem>>)
    %dma_wait3A_58 = arith.constant 0 : i32
    %dma_wait3A_59 = arith.constant 0 : i32
    %dma_wait3A_60 = tpu.memref_slice %arg6[%dma_wait3A_58, %dma_wait3A_59] : memref<320x128xf32, #tpu.memory_space<vmem>> -> memref<24x128xf32, #tpu.memory_space<vmem>>
    %dma_wait3A_61 = arith.constant 0 : i32
    %dma_wait3A_62 = tpu.memref_slice %arg2[%add3A_17, %dma_wait3A_61] : memref<10000x128xf32, #tpu.memory_space<hbm>> -> memref<24x128xf32, #tpu.memory_space<hbm>>
    %dma_wait3A_63 = arith.constant 0 : i32
    %dma_wait3A_64 = arith.constant 0 : i32
    %dma_wait3A_65 = tpu.memref_slice %arg6[%dma_wait3A_63, %dma_wait3A_64] : memref<320x128xf32, #tpu.memory_space<vmem>> -> memref<24x128xf32, #tpu.memory_space<vmem>>
    %dma_wait3A_66 = arith.constant 0 : i32
    %dma_wait3A_67 = tpu.memref_slice %arg2[%add3A_17, %dma_wait3A_66] : memref<10000x128xf32, #tpu.memory_space<hbm>> -> memref<24x128xf32, #tpu.memory_space<hbm>>
    tpu.wait_dma2 semaphore(%arg8 : memref<!tpu.dma_semaphore, #tpu.memory_space<semaphore_mem>>) src(%dma_wait3A_67 : memref<24x128xf32, #tpu.memory_space<hbm>>) dst(%dma_wait3A_65 : memref<24x128xf32, #tpu.memory_space<vmem>>)
    %dma_start3A_68 = arith.constant 152 : i32
    %dma_start3A_69 = arith.constant 0 : i32
    %dma_start3A_70 = tpu.memref_slice %arg7[%dma_start3A_68, %dma_start3A_69] : memref<320x128xf32, #tpu.memory_space<vmem>> -> memref<128x128xf32, #tpu.memory_space<vmem>>
    %dma_start3A_71 = arith.constant 152 : i32
    %dma_start3A_72 = tpu.memref_slice %arg5[%dma_start3A_71] : memref<320xi32, #tpu.memory_space<vmem>> -> memref<128xi32, #tpu.memory_space<vmem>>
    %dma_start3A_73 = arith.constant 0 : i32
    %dma_start3A_74 = arith.constant 0 : i32
    %dma_start3A_75 = tpu.memref_slice %arg2[%dma_start3A_73, %dma_start3A_74] : memref<10000x128xf32, #tpu.memory_space<hbm>> -> memref<10000x128xf32, #tpu.memory_space<hbm>>
    tpu.enqueue_indirect_dma source(%dma_start3A_75 : memref<10000x128xf32, #tpu.memory_space<hbm>>) target(%dma_start3A_70 : memref<128x128xf32, #tpu.memory_space<vmem>>) offsets(%dma_start3A_72 : memref<128xi32, #tpu.memory_space<vmem>>) semaphore(%arg10 : memref<!tpu.dma_semaphore, #tpu.memory_space<semaphore_mem>>)
    %add3A_76 = arith.constant 152 : i32
    %add3A_77 = arith.addi %add3A_7, %add3A_76 : i32
    %dma_start3A_78 = arith.constant 152 : i32
    %dma_start3A_79 = arith.constant 0 : i32
    %dma_start3A_80 = tpu.memref_slice %arg6[%dma_start3A_78, %dma_start3A_79] : memref<320x128xf32, #tpu.memory_space<vmem>> -> memref<128x128xf32, #tpu.memory_space<vmem>>
    %dma_start3A_81 = arith.constant 0 : i32
    %dma_start3A_82 = tpu.memref_slice %arg2[%add3A_77, %dma_start3A_81] : memref<10000x128xf32, #tpu.memory_space<hbm>> -> memref<128x128xf32, #tpu.memory_space<hbm>>
    %dma_start3A_83 = arith.constant 152 : i32
    %dma_start3A_84 = arith.constant 0 : i32
    %dma_start3A_85 = tpu.memref_slice %arg6[%dma_start3A_83, %dma_start3A_84] : memref<320x128xf32, #tpu.memory_space<vmem>> -> memref<128x128xf32, #tpu.memory_space<vmem>>
    %dma_start3A_86 = arith.constant 0 : i32
    %dma_start3A_87 = tpu.memref_slice %arg2[%add3A_77, %dma_start3A_86] : memref<10000x128xf32, #tpu.memory_space<hbm>> -> memref<128x128xf32, #tpu.memory_space<hbm>>
    tpu.enqueue_dma source(%dma_start3A_87 : memref<128x128xf32, #tpu.memory_space<hbm>>) target(%dma_start3A_85 : memref<128x128xf32, #tpu.memory_space<vmem>>) target_semaphore(%arg10 : memref<!tpu.dma_semaphore, #tpu.memory_space<semaphore_mem>>)
    %parallel_loop3A = arith.constant 0 : i32
    %parallel_loop3A_88 = arith.constant 24 : i32
    %parallel_loop3A_89 = arith.constant 1 : i32
    scf.for %parallel_loop3A_264 = %parallel_loop3A to %parallel_loop3A_88 step %parallel_loop3A_89  : i32 {
      %parallel_loop3A_265 = arith.index_cast %parallel_loop3A_264 : i32 to index
      %parallel_loop3A_266 = arith.constant 0 : index
      %parallel_loop3A_267 = tpu.vector_load %arg6[%parallel_loop3A_265, %parallel_loop3A_266] {strides = array<i32>} : memref<320x128xf32, #tpu.memory_space<vmem>>, vector<1x16xf32>,
      %parallel_loop3A_268 = vector.shape_cast %parallel_loop3A_267 : vector<1x16xf32> to vector<16xf32>
      %parallel_loop3A_269 = arith.constant 0.699999988 : f32
      %parallel_loop3A_270 = vector.broadcast %parallel_loop3A_269 : f32 to vector<16xf32>
      %parallel_loop3A_271 = arith.mulf %parallel_loop3A_268, %parallel_loop3A_270 : vector<16xf32>
      %parallel_loop3A_272 = arith.index_cast %parallel_loop3A_264 : i32 to index
      %parallel_loop3A_273 = arith.constant 0 : index
      %parallel_loop3A_274 = tpu.vector_load %arg7[%parallel_loop3A_272, %parallel_loop3A_273] {strides = array<i32>} : memref<320x128xf32, #tpu.memory_space<vmem>>, vector<1x16xf32>,
      %parallel_loop3A_275 = vector.shape_cast %parallel_loop3A_274 : vector<1x16xf32> to vector<16xf32>
      %parallel_loop3A_276 = arith.constant 3.000000e-01 : f32
      %parallel_loop3A_277 = vector.broadcast %parallel_loop3A_276 : f32 to vector<16xf32>
      %parallel_loop3A_278 = arith.mulf %parallel_loop3A_275, %parallel_loop3A_277 : vector<16xf32>
      %parallel_loop3A_279 = arith.addf %parallel_loop3A_271, %parallel_loop3A_278 : vector<16xf32>
      %parallel_loop3A_280 = arith.index_cast %parallel_loop3A_264 : i32 to index
      %parallel_loop3A_281 = arith.constant 0 : index
      %parallel_loop3A_282 = tpu.vector_load %arg6[%parallel_loop3A_280, %parallel_loop3A_281] {strides = array<i32>} : memref<320x128xf32, #tpu.memory_space<vmem>>, vector<1x16xf32>,
      %parallel_loop3A_283 = vector.shape_cast %parallel_loop3A_282 : vector<1x16xf32> to vector<16xf32>
      %parallel_loop3A_284 = vector.shape_cast %parallel_loop3A_279 : vector<16xf32> to vector<1x16xf32>
      tpu.vector_store %arg6[%parallel_loop3A_280, %parallel_loop3A_281], %parallel_loop3A_284 {strides = array<i32>} : memref<320x128xf32, #tpu.memory_space<vmem>>, vector<1x16xf32>,
      %parallel_loop3A_285 = arith.index_cast %parallel_loop3A_264 : i32 to index
      %parallel_loop3A_286 = arith.constant 16 : index
      %parallel_loop3A_287 = tpu.vector_load %arg6[%parallel_loop3A_285, %parallel_loop3A_286] {strides = array<i32>} : memref<320x128xf32, #tpu.memory_space<vmem>>, vector<1x16xf32>,
      %parallel_loop3A_288 = vector.shape_cast %parallel_loop3A_287 : vector<1x16xf32> to vector<16xf32>
      %parallel_loop3A_289 = arith.constant 0.699999988 : f32
      %parallel_loop3A_290 = vector.broadcast %parallel_loop3A_289 : f32 to vector<16xf32>
      %parallel_loop3A_291 = arith.mulf %parallel_loop3A_288, %parallel_loop3A_290 : vector<16xf32>
      %parallel_loop3A_292 = arith.index_cast %parallel_loop3A_264 : i32 to index
      %parallel_loop3A_293 = arith.constant 16 : index
      %parallel_loop3A_294 = tpu.vector_load %arg7[%parallel_loop3A_292, %parallel_loop3A_293] {strides = array<i32>} : memref<320x128xf32, #tpu.memory_space<vmem>>, vector<1x16xf32>,
      %parallel_loop3A_295 = vector.shape_cast %parallel_loop3A_294 : vector<1x16xf32> to vector<16xf32>
      %parallel_loop3A_296 = arith.constant 3.000000e-01 : f32
      %parallel_loop3A_297 = vector.broadcast %parallel_loop3A_296 : f32 to vector<16xf32>
      %parallel_loop3A_298 = arith.mulf %parallel_loop3A_295, %parallel_loop3A_297 : vector<16xf32>
      %parallel_loop3A_299 = arith.addf %parallel_loop3A_291, %parallel_loop3A_298 : vector<16xf32>
      %parallel_loop3A_300 = arith.index_cast %parallel_loop3A_264 : i32 to index
      %parallel_loop3A_301 = arith.constant 16 : index
      %parallel_loop3A_302 = tpu.vector_load %arg6[%parallel_loop3A_300, %parallel_loop3A_301] {strides = array<i32>} : memref<320x128xf32, #tpu.memory_space<vmem>>, vector<1x16xf32>,
      %parallel_loop3A_303 = vector.shape_cast %parallel_loop3A_302 : vector<1x16xf32> to vector<16xf32>
      %parallel_loop3A_304 = vector.shape_cast %parallel_loop3A_299 : vector<16xf32> to vector<1x16xf32>
      tpu.vector_store %arg6[%parallel_loop3A_300, %parallel_loop3A_301], %parallel_loop3A_304 {strides = array<i32>} : memref<320x128xf32, #tpu.memory_space<vmem>>, vector<1x16xf32>,
      %parallel_loop3A_305 = arith.index_cast %parallel_loop3A_264 : i32 to index
      %parallel_loop3A_306 = arith.constant 32 : index
      %parallel_loop3A_307 = tpu.vector_load %arg6[%parallel_loop3A_305, %parallel_loop3A_306] {strides = array<i32>} : memref<320x128xf32, #tpu.memory_space<vmem>>, vector<1x16xf32>,
      %parallel_loop3A_308 = vector.shape_cast %parallel_loop3A_307 : vector<1x16xf32> to vector<16xf32>
      %parallel_loop3A_309 = arith.constant 0.699999988 : f32
      %parallel_loop3A_310 = vector.broadcast %parallel_loop3A_309 : f32 to vector<16xf32>
      %parallel_loop3A_311 = arith.mulf %parallel_loop3A_308, %parallel_loop3A_310 : vector<16xf32>
      %parallel_loop3A_312 = arith.index_cast %parallel_loop3A_264 : i32 to index
      %parallel_loop3A_313 = arith.constant 32 : index
      %parallel_loop3A_314 = tpu.vector_load %arg7[%parallel_loop3A_312, %parallel_loop3A_313] {strides = array<i32>} : memref<320x128xf32, #tpu.memory_space<vmem>>, vector<1x16xf32>,
      %parallel_loop3A_315 = vector.shape_cast %parallel_loop3A_314 : vector<1x16xf32> to vector<16xf32>
      %parallel_loop3A_316 = arith.constant 3.000000e-01 : f32
      %parallel_loop3A_317 = vector.broadcast %parallel_loop3A_316 : f32 to vector<16xf32>
      %parallel_loop3A_318 = arith.mulf %parallel_loop3A_315, %parallel_loop3A_317 : vector<16xf32>
      %parallel_loop3A_319 = arith.addf %parallel_loop3A_311, %parallel_loop3A_318 : vector<16xf32>
      %parallel_loop3A_320 = arith.index_cast %parallel_loop3A_264 : i32 to index
      %parallel_loop3A_321 = arith.constant 32 : index
      %parallel_loop3A_322 = tpu.vector_load %arg6[%parallel_loop3A_320, %parallel_loop3A_321] {strides = array<i32>} : memref<320x128xf32, #tpu.memory_space<vmem>>, vector<1x16xf32>,
      %parallel_loop3A_323 = vector.shape_cast %parallel_loop3A_322 : vector<1x16xf32> to vector<16xf32>
      %parallel_loop3A_324 = vector.shape_cast %parallel_loop3A_319 : vector<16xf32> to vector<1x16xf32>
      tpu.vector_store %arg6[%parallel_loop3A_320, %parallel_loop3A_321], %parallel_loop3A_324 {strides = array<i32>} : memref<320x128xf32, #tpu.memory_space<vmem>>, vector<1x16xf32>,
      %parallel_loop3A_325 = arith.index_cast %parallel_loop3A_264 : i32 to index
      %parallel_loop3A_326 = arith.constant 48 : index
      %parallel_loop3A_327 = tpu.vector_load %arg6[%parallel_loop3A_325, %parallel_loop3A_326] {strides = array<i32>} : memref<320x128xf32, #tpu.memory_space<vmem>>, vector<1x16xf32>,
      %parallel_loop3A_328 = vector.shape_cast %parallel_loop3A_327 : vector<1x16xf32> to vector<16xf32>
      %parallel_loop3A_329 = arith.constant 0.699999988 : f32
      %parallel_loop3A_330 = vector.broadcast %parallel_loop3A_329 : f32 to vector<16xf32>
      %parallel_loop3A_331 = arith.mulf %parallel_loop3A_328, %parallel_loop3A_330 : vector<16xf32>
      %parallel_loop3A_332 = arith.index_cast %parallel_loop3A_264 : i32 to index
      %parallel_loop3A_333 = arith.constant 48 : index
      %parallel_loop3A_334 = tpu.vector_load %arg7[%parallel_loop3A_332, %parallel_loop3A_333] {strides = array<i32>} : memref<320x128xf32, #tpu.memory_space<vmem>>, vector<1x16xf32>,
      %parallel_loop3A_335 = vector.shape_cast %parallel_loop3A_334 : vector<1x16xf32> to vector<16xf32>
      %parallel_loop3A_336 = arith.constant 3.000000e-01 : f32
      %parallel_loop3A_337 = vector.broadcast %parallel_loop3A_336 : f32 to vector<16xf32>
      %parallel_loop3A_338 = arith.mulf %parallel_loop3A_335, %parallel_loop3A_337 : vector<16xf32>
      %parallel_loop3A_339 = arith.addf %parallel_loop3A_331, %parallel_loop3A_338 : vector<16xf32>
      %parallel_loop3A_340 = arith.index_cast %parallel_loop3A_264 : i32 to index
      %parallel_loop3A_341 = arith.constant 48 : index
      %parallel_loop3A_342 = tpu.vector_load %arg6[%parallel_loop3A_340, %parallel_loop3A_341] {strides = array<i32>} : memref<320x128xf32, #tpu.memory_space<vmem>>, vector<1x16xf32>,
      %parallel_loop3A_343 = vector.shape_cast %parallel_loop3A_342 : vector<1x16xf32> to vector<16xf32>
      %parallel_loop3A_344 = vector.shape_cast %parallel_loop3A_339 : vector<16xf32> to vector<1x16xf32>
      tpu.vector_store %arg6[%parallel_loop3A_340, %parallel_loop3A_341], %parallel_loop3A_344 {strides = array<i32>} : memref<320x128xf32, #tpu.memory_space<vmem>>, vector<1x16xf32>,
      %parallel_loop3A_345 = arith.index_cast %parallel_loop3A_264 : i32 to index
      %parallel_loop3A_346 = arith.constant 64 : index
      %parallel_loop3A_347 = tpu.vector_load %arg6[%parallel_loop3A_345, %parallel_loop3A_346] {strides = array<i32>} : memref<320x128xf32, #tpu.memory_space<vmem>>, vector<1x16xf32>,
      %parallel_loop3A_348 = vector.shape_cast %parallel_loop3A_347 : vector<1x16xf32> to vector<16xf32>
      %parallel_loop3A_349 = arith.constant 0.699999988 : f32
      %parallel_loop3A_350 = vector.broadcast %parallel_loop3A_349 : f32 to vector<16xf32>
      %parallel_loop3A_351 = arith.mulf %parallel_loop3A_348, %parallel_loop3A_350 : vector<16xf32>
      %parallel_loop3A_352 = arith.index_cast %parallel_loop3A_264 : i32 to index
      %parallel_loop3A_353 = arith.constant 64 : index
      %parallel_loop3A_354 = tpu.vector_load %arg7[%parallel_loop3A_352, %parallel_loop3A_353] {strides = array<i32>} : memref<320x128xf32, #tpu.memory_space<vmem>>, vector<1x16xf32>,
      %parallel_loop3A_355 = vector.shape_cast %parallel_loop3A_354 : vector<1x16xf32> to vector<16xf32>
      %parallel_loop3A_356 = arith.constant 3.000000e-01 : f32
      %parallel_loop3A_357 = vector.broadcast %parallel_loop3A_356 : f32 to vector<16xf32>
      %parallel_loop3A_358 = arith.mulf %parallel_loop3A_355, %parallel_loop3A_357 : vector<16xf32>
      %parallel_loop3A_359 = arith.addf %parallel_loop3A_351, %parallel_loop3A_358 : vector<16xf32>
      %parallel_loop3A_360 = arith.index_cast %parallel_loop3A_264 : i32 to index
      %parallel_loop3A_361 = arith.constant 64 : index
      %parallel_loop3A_362 = tpu.vector_load %arg6[%parallel_loop3A_360, %parallel_loop3A_361] {strides = array<i32>} : memref<320x128xf32, #tpu.memory_space<vmem>>, vector<1x16xf32>,
      %parallel_loop3A_363 = vector.shape_cast %parallel_loop3A_362 : vector<1x16xf32> to vector<16xf32>
      %parallel_loop3A_364 = vector.shape_cast %parallel_loop3A_359 : vector<16xf32> to vector<1x16xf32>
      tpu.vector_store %arg6[%parallel_loop3A_360, %parallel_loop3A_361], %parallel_loop3A_364 {strides = array<i32>} : memref<320x128xf32, #tpu.memory_space<vmem>>, vector<1x16xf32>,
      %parallel_loop3A_365 = arith.index_cast %parallel_loop3A_264 : i32 to index
      %parallel_loop3A_366 = arith.constant 80 : index
      %parallel_loop3A_367 = tpu.vector_load %arg6[%parallel_loop3A_365, %parallel_loop3A_366] {strides = array<i32>} : memref<320x128xf32, #tpu.memory_space<vmem>>, vector<1x16xf32>,
      %parallel_loop3A_368 = vector.shape_cast %parallel_loop3A_367 : vector<1x16xf32> to vector<16xf32>
      %parallel_loop3A_369 = arith.constant 0.699999988 : f32
      %parallel_loop3A_370 = vector.broadcast %parallel_loop3A_369 : f32 to vector<16xf32>
      %parallel_loop3A_371 = arith.mulf %parallel_loop3A_368, %parallel_loop3A_370 : vector<16xf32>
      %parallel_loop3A_372 = arith.index_cast %parallel_loop3A_264 : i32 to index
      %parallel_loop3A_373 = arith.constant 80 : index
      %parallel_loop3A_374 = tpu.vector_load %arg7[%parallel_loop3A_372, %parallel_loop3A_373] {strides = array<i32>} : memref<320x128xf32, #tpu.memory_space<vmem>>, vector<1x16xf32>,
      %parallel_loop3A_375 = vector.shape_cast %parallel_loop3A_374 : vector<1x16xf32> to vector<16xf32>
      %parallel_loop3A_376 = arith.constant 3.000000e-01 : f32
      %parallel_loop3A_377 = vector.broadcast %parallel_loop3A_376 : f32 to vector<16xf32>
      %parallel_loop3A_378 = arith.mulf %parallel_loop3A_375, %parallel_loop3A_377 : vector<16xf32>
      %parallel_loop3A_379 = arith.addf %parallel_loop3A_371, %parallel_loop3A_378 : vector<16xf32>
      %parallel_loop3A_380 = arith.index_cast %parallel_loop3A_264 : i32 to index
      %parallel_loop3A_381 = arith.constant 80 : index
      %parallel_loop3A_382 = tpu.vector_load %arg6[%parallel_loop3A_380, %parallel_loop3A_381] {strides = array<i32>} : memref<320x128xf32, #tpu.memory_space<vmem>>, vector<1x16xf32>,
      %parallel_loop3A_383 = vector.shape_cast %parallel_loop3A_382 : vector<1x16xf32> to vector<16xf32>
      %parallel_loop3A_384 = vector.shape_cast %parallel_loop3A_379 : vector<16xf32> to vector<1x16xf32>
      tpu.vector_store %arg6[%parallel_loop3A_380, %parallel_loop3A_381], %parallel_loop3A_384 {strides = array<i32>} : memref<320x128xf32, #tpu.memory_space<vmem>>, vector<1x16xf32>,
      %parallel_loop3A_385 = arith.index_cast %parallel_loop3A_264 : i32 to index
      %parallel_loop3A_386 = arith.constant 96 : index
      %parallel_loop3A_387 = tpu.vector_load %arg6[%parallel_loop3A_385, %parallel_loop3A_386] {strides = array<i32>} : memref<320x128xf32, #tpu.memory_space<vmem>>, vector<1x16xf32>,
      %parallel_loop3A_388 = vector.shape_cast %parallel_loop3A_387 : vector<1x16xf32> to vector<16xf32>
      %parallel_loop3A_389 = arith.constant 0.699999988 : f32
      %parallel_loop3A_390 = vector.broadcast %parallel_loop3A_389 : f32 to vector<16xf32>
      %parallel_loop3A_391 = arith.mulf %parallel_loop3A_388, %parallel_loop3A_390 : vector<16xf32>
      %parallel_loop3A_392 = arith.index_cast %parallel_loop3A_264 : i32 to index
      %parallel_loop3A_393 = arith.constant 96 : index
      %parallel_loop3A_394 = tpu.vector_load %arg7[%parallel_loop3A_392, %parallel_loop3A_393] {strides = array<i32>} : memref<320x128xf32, #tpu.memory_space<vmem>>, vector<1x16xf32>,
      %parallel_loop3A_395 = vector.shape_cast %parallel_loop3A_394 : vector<1x16xf32> to vector<16xf32>
      %parallel_loop3A_396 = arith.constant 3.000000e-01 : f32
      %parallel_loop3A_397 = vector.broadcast %parallel_loop3A_396 : f32 to vector<16xf32>
      %parallel_loop3A_398 = arith.mulf %parallel_loop3A_395, %parallel_loop3A_397 : vector<16xf32>
      %parallel_loop3A_399 = arith.addf %parallel_loop3A_391, %parallel_loop3A_398 : vector<16xf32>
      %parallel_loop3A_400 = arith.index_cast %parallel_loop3A_264 : i32 to index
      %parallel_loop3A_401 = arith.constant 96 : index
      %parallel_loop3A_402 = tpu.vector_load %arg6[%parallel_loop3A_400, %parallel_loop3A_401] {strides = array<i32>} : memref<320x128xf32, #tpu.memory_space<vmem>>, vector<1x16xf32>,
      %parallel_loop3A_403 = vector.shape_cast %parallel_loop3A_402 : vector<1x16xf32> to vector<16xf32>
      %parallel_loop3A_404 = vector.shape_cast %parallel_loop3A_399 : vector<16xf32> to vector<1x16xf32>
      tpu.vector_store %arg6[%parallel_loop3A_400, %parallel_loop3A_401], %parallel_loop3A_404 {strides = array<i32>} : memref<320x128xf32, #tpu.memory_space<vmem>>, vector<1x16xf32>,
      %parallel_loop3A_405 = arith.index_cast %parallel_loop3A_264 : i32 to index
      %parallel_loop3A_406 = arith.constant 112 : index
      %parallel_loop3A_407 = tpu.vector_load %arg6[%parallel_loop3A_405, %parallel_loop3A_406] {strides = array<i32>} : memref<320x128xf32, #tpu.memory_space<vmem>>, vector<1x16xf32>,
      %parallel_loop3A_408 = vector.shape_cast %parallel_loop3A_407 : vector<1x16xf32> to vector<16xf32>
      %parallel_loop3A_409 = arith.constant 0.699999988 : f32
      %parallel_loop3A_410 = vector.broadcast %parallel_loop3A_409 : f32 to vector<16xf32>
      %parallel_loop3A_411 = arith.mulf %parallel_loop3A_408, %parallel_loop3A_410 : vector<16xf32>
      %parallel_loop3A_412 = arith.index_cast %parallel_loop3A_264 : i32 to index
      %parallel_loop3A_413 = arith.constant 112 : index
      %parallel_loop3A_414 = tpu.vector_load %arg7[%parallel_loop3A_412, %parallel_loop3A_413] {strides = array<i32>} : memref<320x128xf32, #tpu.memory_space<vmem>>, vector<1x16xf32>,
      %parallel_loop3A_415 = vector.shape_cast %parallel_loop3A_414 : vector<1x16xf32> to vector<16xf32>
      %parallel_loop3A_416 = arith.constant 3.000000e-01 : f32
      %parallel_loop3A_417 = vector.broadcast %parallel_loop3A_416 : f32 to vector<16xf32>
      %parallel_loop3A_418 = arith.mulf %parallel_loop3A_415, %parallel_loop3A_417 : vector<16xf32>
      %parallel_loop3A_419 = arith.addf %parallel_loop3A_411, %parallel_loop3A_418 : vector<16xf32>
      %parallel_loop3A_420 = arith.index_cast %parallel_loop3A_264 : i32 to index
      %parallel_loop3A_421 = arith.constant 112 : index
      %parallel_loop3A_422 = tpu.vector_load %arg6[%parallel_loop3A_420, %parallel_loop3A_421] {strides = array<i32>} : memref<320x128xf32, #tpu.memory_space<vmem>>, vector<1x16xf32>,
      %parallel_loop3A_423 = vector.shape_cast %parallel_loop3A_422 : vector<1x16xf32> to vector<16xf32>
      %parallel_loop3A_424 = vector.shape_cast %parallel_loop3A_419 : vector<16xf32> to vector<1x16xf32>
      tpu.vector_store %arg6[%parallel_loop3A_420, %parallel_loop3A_421], %parallel_loop3A_424 {strides = array<i32>} : memref<320x128xf32, #tpu.memory_space<vmem>>, vector<1x16xf32>,
    } {sc.loop_unroll_factor = 4 : i64, sc.parallel_access}
    %add3A_90 = arith.constant 0 : i32
    %add3A_91 = arith.addi %add3A_7, %add3A_90 : i32
    %dma_start3A_92 = arith.constant 0 : i32
    %dma_start3A_93 = arith.constant 0 : i32
    %dma_start3A_94 = tpu.memref_slice %arg6[%dma_start3A_92, %dma_start3A_93] : memref<320x128xf32, #tpu.memory_space<vmem>> -> memref<24x128xf32, #tpu.memory_space<vmem>>
    %dma_start3A_95 = arith.constant 0 : i32
    %dma_start3A_96 = tpu.memref_slice %arg4[%add3A_91, %dma_start3A_95] : memref<10000x128xf32, #tpu.memory_space<hbm>> -> memref<24x128xf32, #tpu.memory_space<hbm>>
    %dma_start3A_97 = arith.constant 0 : i32
    %dma_start3A_98 = tpu.memref_slice %arg4[%add3A_91, %dma_start3A_97] : memref<10000x128xf32, #tpu.memory_space<hbm>> -> memref<24x128xf32, #tpu.memory_space<hbm>>
    %dma_start3A_99 = arith.constant 0 : i32
    %dma_start3A_100 = arith.constant 0 : i32
    %dma_start3A_101 = tpu.memref_slice %arg6[%dma_start3A_99, %dma_start3A_100] : memref<320x128xf32, #tpu.memory_space<vmem>> -> memref<24x128xf32, #tpu.memory_space<vmem>>
    tpu.enqueue_dma source(%dma_start3A_101 : memref<24x128xf32, #tpu.memory_space<vmem>>) target(%dma_start3A_98 : memref<24x128xf32, #tpu.memory_space<hbm>>) target_semaphore(%arg13 : memref<!tpu.dma_semaphore, #tpu.memory_space<semaphore_mem>>)
    %dma_wait3A_102 = arith.constant 24 : i32
    %dma_wait3A_103 = arith.constant 0 : i32
    %dma_wait3A_104 = tpu.memref_slice %arg7[%dma_wait3A_102, %dma_wait3A_103] : memref<320x128xf32, #tpu.memory_space<vmem>> -> memref<128x128xf32, #tpu.memory_space<vmem>>
    %dma_wait3A_105 = arith.constant 24 : i32
    %dma_wait3A_106 = tpu.memref_slice %arg5[%dma_wait3A_105] : memref<320xi32, #tpu.memory_space<vmem>> -> memref<128xi32, #tpu.memory_space<vmem>>
    %dma_wait3A_107 = arith.constant 0 : i32
    %dma_wait3A_108 = arith.constant 0 : i32
    %dma_wait3A_109 = tpu.memref_slice %arg2[%dma_wait3A_107, %dma_wait3A_108] : memref<10000x128xf32, #tpu.memory_space<hbm>> -> memref<10000x128xf32, #tpu.memory_space<hbm>>
    tpu.wait_indirect_dma semaphore(%arg9 : memref<!tpu.dma_semaphore, #tpu.memory_space<semaphore_mem>>) src(%dma_wait3A_109 : memref<10000x128xf32, #tpu.memory_space<hbm>>) dst(%dma_wait3A_104 : memref<128x128xf32, #tpu.memory_space<vmem>>)
    %dma_wait3A_110 = arith.constant 24 : i32
    %dma_wait3A_111 = arith.constant 0 : i32
    %dma_wait3A_112 = tpu.memref_slice %arg6[%dma_wait3A_110, %dma_wait3A_111] : memref<320x128xf32, #tpu.memory_space<vmem>> -> memref<128x128xf32, #tpu.memory_space<vmem>>
    %dma_wait3A_113 = arith.constant 0 : i32
    %dma_wait3A_114 = tpu.memref_slice %arg2[%add3A_37, %dma_wait3A_113] : memref<10000x128xf32, #tpu.memory_space<hbm>> -> memref<128x128xf32, #tpu.memory_space<hbm>>
    %dma_wait3A_115 = arith.constant 24 : i32
    %dma_wait3A_116 = arith.constant 0 : i32
    %dma_wait3A_117 = tpu.memref_slice %arg6[%dma_wait3A_115, %dma_wait3A_116] : memref<320x128xf32, #tpu.memory_space<vmem>> -> memref<128x128xf32, #tpu.memory_space<vmem>>
    %dma_wait3A_118 = arith.constant 0 : i32
    %dma_wait3A_119 = tpu.memref_slice %arg2[%add3A_37, %dma_wait3A_118] : memref<10000x128xf32, #tpu.memory_space<hbm>> -> memref<128x128xf32, #tpu.memory_space<hbm>>
    tpu.wait_dma2 semaphore(%arg9 : memref<!tpu.dma_semaphore, #tpu.memory_space<semaphore_mem>>) src(%dma_wait3A_119 : memref<128x128xf32, #tpu.memory_space<hbm>>) dst(%dma_wait3A_117 : memref<128x128xf32, #tpu.memory_space<vmem>>)
    %dma_start3A_120 = arith.constant 280 : i32
    %dma_start3A_121 = arith.constant 0 : i32
    %dma_start3A_122 = tpu.memref_slice %arg7[%dma_start3A_120, %dma_start3A_121] : memref<320x128xf32, #tpu.memory_space<vmem>> -> memref<32x128xf32, #tpu.memory_space<vmem>>
    %dma_start3A_123 = arith.constant 280 : i32
    %dma_start3A_124 = tpu.memref_slice %arg5[%dma_start3A_123] : memref<320xi32, #tpu.memory_space<vmem>> -> memref<32xi32, #tpu.memory_space<vmem>>
    %dma_start3A_125 = arith.constant 0 : i32
    %dma_start3A_126 = arith.constant 0 : i32
    %dma_start3A_127 = tpu.memref_slice %arg2[%dma_start3A_125, %dma_start3A_126] : memref<10000x128xf32, #tpu.memory_space<hbm>> -> memref<10000x128xf32, #tpu.memory_space<hbm>>
    tpu.enqueue_indirect_dma source(%dma_start3A_127 : memref<10000x128xf32, #tpu.memory_space<hbm>>) target(%dma_start3A_122 : memref<32x128xf32, #tpu.memory_space<vmem>>) offsets(%dma_start3A_124 : memref<32xi32, #tpu.memory_space<vmem>>) semaphore(%arg11 : memref<!tpu.dma_semaphore, #tpu.memory_space<semaphore_mem>>)
    %add3A_128 = arith.constant 280 : i32
    %add3A_129 = arith.addi %add3A_7, %add3A_128 : i32
    %dma_start3A_130 = arith.constant 280 : i32
    %dma_start3A_131 = arith.constant 0 : i32
    %dma_start3A_132 = tpu.memref_slice %arg6[%dma_start3A_130, %dma_start3A_131] : memref<320x128xf32, #tpu.memory_space<vmem>> -> memref<32x128xf32, #tpu.memory_space<vmem>>
    %dma_start3A_133 = arith.constant 0 : i32
    %dma_start3A_134 = tpu.memref_slice %arg2[%add3A_129, %dma_start3A_133] : memref<10000x128xf32, #tpu.memory_space<hbm>> -> memref<32x128xf32, #tpu.memory_space<hbm>>
    %dma_start3A_135 = arith.constant 280 : i32
    %dma_start3A_136 = arith.constant 0 : i32
    %dma_start3A_137 = tpu.memref_slice %arg6[%dma_start3A_135, %dma_start3A_136] : memref<320x128xf32, #tpu.memory_space<vmem>> -> memref<32x128xf32, #tpu.memory_space<vmem>>
    %dma_start3A_138 = arith.constant 0 : i32
    %dma_start3A_139 = tpu.memref_slice %arg2[%add3A_129, %dma_start3A_138] : memref<10000x128xf32, #tpu.memory_space<hbm>> -> memref<32x128xf32, #tpu.memory_space<hbm>>
    tpu.enqueue_dma source(%dma_start3A_139 : memref<32x128xf32, #tpu.memory_space<hbm>>) target(%dma_start3A_137 : memref<32x128xf32, #tpu.memory_space<vmem>>) target_semaphore(%arg11 : memref<!tpu.dma_semaphore, #tpu.memory_space<semaphore_mem>>)
    %parallel_loop3A_140 = arith.constant 24 : i32
    %parallel_loop3A_141 = arith.constant 152 : i32
    %parallel_loop3A_142 = arith.constant 1 : i32
    scf.for %parallel_loop3A_264 = %parallel_loop3A_140 to %parallel_loop3A_141 step %parallel_loop3A_142  : i32 {
      %parallel_loop3A_265 = arith.index_cast %parallel_loop3A_264 : i32 to index
      %parallel_loop3A_266 = arith.constant 0 : index
      %parallel_loop3A_267 = tpu.vector_load %arg6[%parallel_loop3A_265, %parallel_loop3A_266] {strides = array<i32>} : memref<320x128xf32, #tpu.memory_space<vmem>>, vector<1x16xf32>,
      %parallel_loop3A_268 = vector.shape_cast %parallel_loop3A_267 : vector<1x16xf32> to vector<16xf32>
      %parallel_loop3A_269 = arith.constant 0.699999988 : f32
      %parallel_loop3A_270 = vector.broadcast %parallel_loop3A_269 : f32 to vector<16xf32>
      %parallel_loop3A_271 = arith.mulf %parallel_loop3A_268, %parallel_loop3A_270 : vector<16xf32>
      %parallel_loop3A_272 = arith.index_cast %parallel_loop3A_264 : i32 to index
      %parallel_loop3A_273 = arith.constant 0 : index
      %parallel_loop3A_274 = tpu.vector_load %arg7[%parallel_loop3A_272, %parallel_loop3A_273] {strides = array<i32>} : memref<320x128xf32, #tpu.memory_space<vmem>>, vector<1x16xf32>,
      %parallel_loop3A_275 = vector.shape_cast %parallel_loop3A_274 : vector<1x16xf32> to vector<16xf32>
      %parallel_loop3A_276 = arith.constant 3.000000e-01 : f32
      %parallel_loop3A_277 = vector.broadcast %parallel_loop3A_276 : f32 to vector<16xf32>
      %parallel_loop3A_278 = arith.mulf %parallel_loop3A_275, %parallel_loop3A_277 : vector<16xf32>
      %parallel_loop3A_279 = arith.addf %parallel_loop3A_271, %parallel_loop3A_278 : vector<16xf32>
      %parallel_loop3A_280 = arith.index_cast %parallel_loop3A_264 : i32 to index
      %parallel_loop3A_281 = arith.constant 0 : index
      %parallel_loop3A_282 = tpu.vector_load %arg6[%parallel_loop3A_280, %parallel_loop3A_281] {strides = array<i32>} : memref<320x128xf32, #tpu.memory_space<vmem>>, vector<1x16xf32>,
      %parallel_loop3A_283 = vector.shape_cast %parallel_loop3A_282 : vector<1x16xf32> to vector<16xf32>
      %parallel_loop3A_284 = vector.shape_cast %parallel_loop3A_279 : vector<16xf32> to vector<1x16xf32>
      tpu.vector_store %arg6[%parallel_loop3A_280, %parallel_loop3A_281], %parallel_loop3A_284 {strides = array<i32>} : memref<320x128xf32, #tpu.memory_space<vmem>>, vector<1x16xf32>,
      %parallel_loop3A_285 = arith.index_cast %parallel_loop3A_264 : i32 to index
      %parallel_loop3A_286 = arith.constant 16 : index
      %parallel_loop3A_287 = tpu.vector_load %arg6[%parallel_loop3A_285, %parallel_loop3A_286] {strides = array<i32>} : memref<320x128xf32, #tpu.memory_space<vmem>>, vector<1x16xf32>,
      %parallel_loop3A_288 = vector.shape_cast %parallel_loop3A_287 : vector<1x16xf32> to vector<16xf32>
      %parallel_loop3A_289 = arith.constant 0.699999988 : f32
      %parallel_loop3A_290 = vector.broadcast %parallel_loop3A_289 : f32 to vector<16xf32>
      %parallel_loop3A_291 = arith.mulf %parallel_loop3A_288, %parallel_loop3A_290 : vector<16xf32>
      %parallel_loop3A_292 = arith.index_cast %parallel_loop3A_264 : i32 to index
      %parallel_loop3A_293 = arith.constant 16 : index
      %parallel_loop3A_294 = tpu.vector_load %arg7[%parallel_loop3A_292, %parallel_loop3A_293] {strides = array<i32>} : memref<320x128xf32, #tpu.memory_space<vmem>>, vector<1x16xf32>,
      %parallel_loop3A_295 = vector.shape_cast %parallel_loop3A_294 : vector<1x16xf32> to vector<16xf32>
      %parallel_loop3A_296 = arith.constant 3.000000e-01 : f32
      %parallel_loop3A_297 = vector.broadcast %parallel_loop3A_296 : f32 to vector<16xf32>
      %parallel_loop3A_298 = arith.mulf %parallel_loop3A_295, %parallel_loop3A_297 : vector<16xf32>
      %parallel_loop3A_299 = arith.addf %parallel_loop3A_291, %parallel_loop3A_298 : vector<16xf32>
      %parallel_loop3A_300 = arith.index_cast %parallel_loop3A_264 : i32 to index
      %parallel_loop3A_301 = arith.constant 16 : index
      %parallel_loop3A_302 = tpu.vector_load %arg6[%parallel_loop3A_300, %parallel_loop3A_301] {strides = array<i32>} : memref<320x128xf32, #tpu.memory_space<vmem>>, vector<1x16xf32>,
      %parallel_loop3A_303 = vector.shape_cast %parallel_loop3A_302 : vector<1x16xf32> to vector<16xf32>
      %parallel_loop3A_304 = vector.shape_cast %parallel_loop3A_299 : vector<16xf32> to vector<1x16xf32>
      tpu.vector_store %arg6[%parallel_loop3A_300, %parallel_loop3A_301], %parallel_loop3A_304 {strides = array<i32>} : memref<320x128xf32, #tpu.memory_space<vmem>>, vector<1x16xf32>,
      %parallel_loop3A_305 = arith.index_cast %parallel_loop3A_264 : i32 to index
      %parallel_loop3A_306 = arith.constant 32 : index
      %parallel_loop3A_307 = tpu.vector_load %arg6[%parallel_loop3A_305, %parallel_loop3A_306] {strides = array<i32>} : memref<320x128xf32, #tpu.memory_space<vmem>>, vector<1x16xf32>,
      %parallel_loop3A_308 = vector.shape_cast %parallel_loop3A_307 : vector<1x16xf32> to vector<16xf32>
      %parallel_loop3A_309 = arith.constant 0.699999988 : f32
      %parallel_loop3A_310 = vector.broadcast %parallel_loop3A_309 : f32 to vector<16xf32>
      %parallel_loop3A_311 = arith.mulf %parallel_loop3A_308, %parallel_loop3A_310 : vector<16xf32>
      %parallel_loop3A_312 = arith.index_cast %parallel_loop3A_264 : i32 to index
      %parallel_loop3A_313 = arith.constant 32 : index
      %parallel_loop3A_314 = tpu.vector_load %arg7[%parallel_loop3A_312, %parallel_loop3A_313] {strides = array<i32>} : memref<320x128xf32, #tpu.memory_space<vmem>>, vector<1x16xf32>,
      %parallel_loop3A_315 = vector.shape_cast %parallel_loop3A_314 : vector<1x16xf32> to vector<16xf32>
      %parallel_loop3A_316 = arith.constant 3.000000e-01 : f32
      %parallel_loop3A_317 = vector.broadcast %parallel_loop3A_316 : f32 to vector<16xf32>
      %parallel_loop3A_318 = arith.mulf %parallel_loop3A_315, %parallel_loop3A_317 : vector<16xf32>
      %parallel_loop3A_319 = arith.addf %parallel_loop3A_311, %parallel_loop3A_318 : vector<16xf32>
      %parallel_loop3A_320 = arith.index_cast %parallel_loop3A_264 : i32 to index
      %parallel_loop3A_321 = arith.constant 32 : index
      %parallel_loop3A_322 = tpu.vector_load %arg6[%parallel_loop3A_320, %parallel_loop3A_321] {strides = array<i32>} : memref<320x128xf32, #tpu.memory_space<vmem>>, vector<1x16xf32>,
      %parallel_loop3A_323 = vector.shape_cast %parallel_loop3A_322 : vector<1x16xf32> to vector<16xf32>
      %parallel_loop3A_324 = vector.shape_cast %parallel_loop3A_319 : vector<16xf32> to vector<1x16xf32>
      tpu.vector_store %arg6[%parallel_loop3A_320, %parallel_loop3A_321], %parallel_loop3A_324 {strides = array<i32>} : memref<320x128xf32, #tpu.memory_space<vmem>>, vector<1x16xf32>,
      %parallel_loop3A_325 = arith.index_cast %parallel_loop3A_264 : i32 to index
      %parallel_loop3A_326 = arith.constant 48 : index
      %parallel_loop3A_327 = tpu.vector_load %arg6[%parallel_loop3A_325, %parallel_loop3A_326] {strides = array<i32>} : memref<320x128xf32, #tpu.memory_space<vmem>>, vector<1x16xf32>,
      %parallel_loop3A_328 = vector.shape_cast %parallel_loop3A_327 : vector<1x16xf32> to vector<16xf32>
      %parallel_loop3A_329 = arith.constant 0.699999988 : f32
      %parallel_loop3A_330 = vector.broadcast %parallel_loop3A_329 : f32 to vector<16xf32>
      %parallel_loop3A_331 = arith.mulf %parallel_loop3A_328, %parallel_loop3A_330 : vector<16xf32>
      %parallel_loop3A_332 = arith.index_cast %parallel_loop3A_264 : i32 to index
      %parallel_loop3A_333 = arith.constant 48 : index
      %parallel_loop3A_334 = tpu.vector_load %arg7[%parallel_loop3A_332, %parallel_loop3A_333] {strides = array<i32>} : memref<320x128xf32, #tpu.memory_space<vmem>>, vector<1x16xf32>,
      %parallel_loop3A_335 = vector.shape_cast %parallel_loop3A_334 : vector<1x16xf32> to vector<16xf32>
      %parallel_loop3A_336 = arith.constant 3.000000e-01 : f32
      %parallel_loop3A_337 = vector.broadcast %parallel_loop3A_336 : f32 to vector<16xf32>
      %parallel_loop3A_338 = arith.mulf %parallel_loop3A_335, %parallel_loop3A_337 : vector<16xf32>
      %parallel_loop3A_339 = arith.addf %parallel_loop3A_331, %parallel_loop3A_338 : vector<16xf32>
      %parallel_loop3A_340 = arith.index_cast %parallel_loop3A_264 : i32 to index
      %parallel_loop3A_341 = arith.constant 48 : index
      %parallel_loop3A_342 = tpu.vector_load %arg6[%parallel_loop3A_340, %parallel_loop3A_341] {strides = array<i32>} : memref<320x128xf32, #tpu.memory_space<vmem>>, vector<1x16xf32>,
      %parallel_loop3A_343 = vector.shape_cast %parallel_loop3A_342 : vector<1x16xf32> to vector<16xf32>
      %parallel_loop3A_344 = vector.shape_cast %parallel_loop3A_339 : vector<16xf32> to vector<1x16xf32>
      tpu.vector_store %arg6[%parallel_loop3A_340, %parallel_loop3A_341], %parallel_loop3A_344 {strides = array<i32>} : memref<320x128xf32, #tpu.memory_space<vmem>>, vector<1x16xf32>,
      %parallel_loop3A_345 = arith.index_cast %parallel_loop3A_264 : i32 to index
      %parallel_loop3A_346 = arith.constant 64 : index
      %parallel_loop3A_347 = tpu.vector_load %arg6[%parallel_loop3A_345, %parallel_loop3A_346] {strides = array<i32>} : memref<320x128xf32, #tpu.memory_space<vmem>>, vector<1x16xf32>,
      %parallel_loop3A_348 = vector.shape_cast %parallel_loop3A_347 : vector<1x16xf32> to vector<16xf32>
      %parallel_loop3A_349 = arith.constant 0.699999988 : f32
      %parallel_loop3A_350 = vector.broadcast %parallel_loop3A_349 : f32 to vector<16xf32>
      %parallel_loop3A_351 = arith.mulf %parallel_loop3A_348, %parallel_loop3A_350 : vector<16xf32>
      %parallel_loop3A_352 = arith.index_cast %parallel_loop3A_264 : i32 to index
      %parallel_loop3A_353 = arith.constant 64 : index
      %parallel_loop3A_354 = tpu.vector_load %arg7[%parallel_loop3A_352, %parallel_loop3A_353] {strides = array<i32>} : memref<320x128xf32, #tpu.memory_space<vmem>>, vector<1x16xf32>,
      %parallel_loop3A_355 = vector.shape_cast %parallel_loop3A_354 : vector<1x16xf32> to vector<16xf32>
      %parallel_loop3A_356 = arith.constant 3.000000e-01 : f32
      %parallel_loop3A_357 = vector.broadcast %parallel_loop3A_356 : f32 to vector<16xf32>
      %parallel_loop3A_358 = arith.mulf %parallel_loop3A_355, %parallel_loop3A_357 : vector<16xf32>
      %parallel_loop3A_359 = arith.addf %parallel_loop3A_351, %parallel_loop3A_358 : vector<16xf32>
      %parallel_loop3A_360 = arith.index_cast %parallel_loop3A_264 : i32 to index
      %parallel_loop3A_361 = arith.constant 64 : index
      %parallel_loop3A_362 = tpu.vector_load %arg6[%parallel_loop3A_360, %parallel_loop3A_361] {strides = array<i32>} : memref<320x128xf32, #tpu.memory_space<vmem>>, vector<1x16xf32>,
      %parallel_loop3A_363 = vector.shape_cast %parallel_loop3A_362 : vector<1x16xf32> to vector<16xf32>
      %parallel_loop3A_364 = vector.shape_cast %parallel_loop3A_359 : vector<16xf32> to vector<1x16xf32>
      tpu.vector_store %arg6[%parallel_loop3A_360, %parallel_loop3A_361], %parallel_loop3A_364 {strides = array<i32>} : memref<320x128xf32, #tpu.memory_space<vmem>>, vector<1x16xf32>,
      %parallel_loop3A_365 = arith.index_cast %parallel_loop3A_264 : i32 to index
      %parallel_loop3A_366 = arith.constant 80 : index
      %parallel_loop3A_367 = tpu.vector_load %arg6[%parallel_loop3A_365, %parallel_loop3A_366] {strides = array<i32>} : memref<320x128xf32, #tpu.memory_space<vmem>>, vector<1x16xf32>,
      %parallel_loop3A_368 = vector.shape_cast %parallel_loop3A_367 : vector<1x16xf32> to vector<16xf32>
      %parallel_loop3A_369 = arith.constant 0.699999988 : f32
      %parallel_loop3A_370 = vector.broadcast %parallel_loop3A_369 : f32 to vector<16xf32>
      %parallel_loop3A_371 = arith.mulf %parallel_loop3A_368, %parallel_loop3A_370 : vector<16xf32>
      %parallel_loop3A_372 = arith.index_cast %parallel_loop3A_264 : i32 to index
      %parallel_loop3A_373 = arith.constant 80 : index
      %parallel_loop3A_374 = tpu.vector_load %arg7[%parallel_loop3A_372, %parallel_loop3A_373] {strides = array<i32>} : memref<320x128xf32, #tpu.memory_space<vmem>>, vector<1x16xf32>,
      %parallel_loop3A_375 = vector.shape_cast %parallel_loop3A_374 : vector<1x16xf32> to vector<16xf32>
      %parallel_loop3A_376 = arith.constant 3.000000e-01 : f32
      %parallel_loop3A_377 = vector.broadcast %parallel_loop3A_376 : f32 to vector<16xf32>
      %parallel_loop3A_378 = arith.mulf %parallel_loop3A_375, %parallel_loop3A_377 : vector<16xf32>
      %parallel_loop3A_379 = arith.addf %parallel_loop3A_371, %parallel_loop3A_378 : vector<16xf32>
      %parallel_loop3A_380 = arith.index_cast %parallel_loop3A_264 : i32 to index
      %parallel_loop3A_381 = arith.constant 80 : index
      %parallel_loop3A_382 = tpu.vector_load %arg6[%parallel_loop3A_380, %parallel_loop3A_381] {strides = array<i32>} : memref<320x128xf32, #tpu.memory_space<vmem>>, vector<1x16xf32>,
      %parallel_loop3A_383 = vector.shape_cast %parallel_loop3A_382 : vector<1x16xf32> to vector<16xf32>
      %parallel_loop3A_384 = vector.shape_cast %parallel_loop3A_379 : vector<16xf32> to vector<1x16xf32>
      tpu.vector_store %arg6[%parallel_loop3A_380, %parallel_loop3A_381], %parallel_loop3A_384 {strides = array<i32>} : memref<320x128xf32, #tpu.memory_space<vmem>>, vector<1x16xf32>,
      %parallel_loop3A_385 = arith.index_cast %parallel_loop3A_264 : i32 to index
      %parallel_loop3A_386 = arith.constant 96 : index
      %parallel_loop3A_387 = tpu.vector_load %arg6[%parallel_loop3A_385, %parallel_loop3A_386] {strides = array<i32>} : memref<320x128xf32, #tpu.memory_space<vmem>>, vector<1x16xf32>,
      %parallel_loop3A_388 = vector.shape_cast %parallel_loop3A_387 : vector<1x16xf32> to vector<16xf32>
      %parallel_loop3A_389 = arith.constant 0.699999988 : f32
      %parallel_loop3A_390 = vector.broadcast %parallel_loop3A_389 : f32 to vector<16xf32>
      %parallel_loop3A_391 = arith.mulf %parallel_loop3A_388, %parallel_loop3A_390 : vector<16xf32>
      %parallel_loop3A_392 = arith.index_cast %parallel_loop3A_264 : i32 to index
      %parallel_loop3A_393 = arith.constant 96 : index
      %parallel_loop3A_394 = tpu.vector_load %arg7[%parallel_loop3A_392, %parallel_loop3A_393] {strides = array<i32>} : memref<320x128xf32, #tpu.memory_space<vmem>>, vector<1x16xf32>,
      %parallel_loop3A_395 = vector.shape_cast %parallel_loop3A_394 : vector<1x16xf32> to vector<16xf32>
      %parallel_loop3A_396 = arith.constant 3.000000e-01 : f32
      %parallel_loop3A_397 = vector.broadcast %parallel_loop3A_396 : f32 to vector<16xf32>
      %parallel_loop3A_398 = arith.mulf %parallel_loop3A_395, %parallel_loop3A_397 : vector<16xf32>
      %parallel_loop3A_399 = arith.addf %parallel_loop3A_391, %parallel_loop3A_398 : vector<16xf32>
      %parallel_loop3A_400 = arith.index_cast %parallel_loop3A_264 : i32 to index
      %parallel_loop3A_401 = arith.constant 96 : index
      %parallel_loop3A_402 = tpu.vector_load %arg6[%parallel_loop3A_400, %parallel_loop3A_401] {strides = array<i32>} : memref<320x128xf32, #tpu.memory_space<vmem>>, vector<1x16xf32>,
      %parallel_loop3A_403 = vector.shape_cast %parallel_loop3A_402 : vector<1x16xf32> to vector<16xf32>
      %parallel_loop3A_404 = vector.shape_cast %parallel_loop3A_399 : vector<16xf32> to vector<1x16xf32>
      tpu.vector_store %arg6[%parallel_loop3A_400, %parallel_loop3A_401], %parallel_loop3A_404 {strides = array<i32>} : memref<320x128xf32, #tpu.memory_space<vmem>>, vector<1x16xf32>,
      %parallel_loop3A_405 = arith.index_cast %parallel_loop3A_264 : i32 to index
      %parallel_loop3A_406 = arith.constant 112 : index
      %parallel_loop3A_407 = tpu.vector_load %arg6[%parallel_loop3A_405, %parallel_loop3A_406] {strides = array<i32>} : memref<320x128xf32, #tpu.memory_space<vmem>>, vector<1x16xf32>,
      %parallel_loop3A_408 = vector.shape_cast %parallel_loop3A_407 : vector<1x16xf32> to vector<16xf32>
      %parallel_loop3A_409 = arith.constant 0.699999988 : f32
      %parallel_loop3A_410 = vector.broadcast %parallel_loop3A_409 : f32 to vector<16xf32>
      %parallel_loop3A_411 = arith.mulf %parallel_loop3A_408, %parallel_loop3A_410 : vector<16xf32>
      %parallel_loop3A_412 = arith.index_cast %parallel_loop3A_264 : i32 to index
      %parallel_loop3A_413 = arith.constant 112 : index
      %parallel_loop3A_414 = tpu.vector_load %arg7[%parallel_loop3A_412, %parallel_loop3A_413] {strides = array<i32>} : memref<320x128xf32, #tpu.memory_space<vmem>>, vector<1x16xf32>,
      %parallel_loop3A_415 = vector.shape_cast %parallel_loop3A_414 : vector<1x16xf32> to vector<16xf32>
      %parallel_loop3A_416 = arith.constant 3.000000e-01 : f32
      %parallel_loop3A_417 = vector.broadcast %parallel_loop3A_416 : f32 to vector<16xf32>
      %parallel_loop3A_418 = arith.mulf %parallel_loop3A_415, %parallel_loop3A_417 : vector<16xf32>
      %parallel_loop3A_419 = arith.addf %parallel_loop3A_411, %parallel_loop3A_418 : vector<16xf32>
      %parallel_loop3A_420 = arith.index_cast %parallel_loop3A_264 : i32 to index
      %parallel_loop3A_421 = arith.constant 112 : index
      %parallel_loop3A_422 = tpu.vector_load %arg6[%parallel_loop3A_420, %parallel_loop3A_421] {strides = array<i32>} : memref<320x128xf32, #tpu.memory_space<vmem>>, vector<1x16xf32>,
      %parallel_loop3A_423 = vector.shape_cast %parallel_loop3A_422 : vector<1x16xf32> to vector<16xf32>
      %parallel_loop3A_424 = vector.shape_cast %parallel_loop3A_419 : vector<16xf32> to vector<1x16xf32>
      tpu.vector_store %arg6[%parallel_loop3A_420, %parallel_loop3A_421], %parallel_loop3A_424 {strides = array<i32>} : memref<320x128xf32, #tpu.memory_space<vmem>>, vector<1x16xf32>,
    } {sc.loop_unroll_factor = 4 : i64, sc.parallel_access}
    %add3A_143 = arith.constant 24 : i32
    %add3A_144 = arith.addi %add3A_7, %add3A_143 : i32
    %dma_start3A_145 = arith.constant 24 : i32
    %dma_start3A_146 = arith.constant 0 : i32
    %dma_start3A_147 = tpu.memref_slice %arg6[%dma_start3A_145, %dma_start3A_146] : memref<320x128xf32, #tpu.memory_space<vmem>> -> memref<128x128xf32, #tpu.memory_space<vmem>>
    %dma_start3A_148 = arith.constant 0 : i32
    %dma_start3A_149 = tpu.memref_slice %arg4[%add3A_144, %dma_start3A_148] : memref<10000x128xf32, #tpu.memory_space<hbm>> -> memref<128x128xf32, #tpu.memory_space<hbm>>
    %dma_start3A_150 = arith.constant 0 : i32
    %dma_start3A_151 = tpu.memref_slice %arg4[%add3A_144, %dma_start3A_150] : memref<10000x128xf32, #tpu.memory_space<hbm>> -> memref<128x128xf32, #tpu.memory_space<hbm>>
    %dma_start3A_152 = arith.constant 24 : i32
    %dma_start3A_153 = arith.constant 0 : i32
    %dma_start3A_154 = tpu.memref_slice %arg6[%dma_start3A_152, %dma_start3A_153] : memref<320x128xf32, #tpu.memory_space<vmem>> -> memref<128x128xf32, #tpu.memory_space<vmem>>
    tpu.enqueue_dma source(%dma_start3A_154 : memref<128x128xf32, #tpu.memory_space<vmem>>) target(%dma_start3A_151 : memref<128x128xf32, #tpu.memory_space<hbm>>) target_semaphore(%arg13 : memref<!tpu.dma_semaphore, #tpu.memory_space<semaphore_mem>>)
    %dma_wait3A_155 = arith.constant 152 : i32
    %dma_wait3A_156 = arith.constant 0 : i32
    %dma_wait3A_157 = tpu.memref_slice %arg7[%dma_wait3A_155, %dma_wait3A_156] : memref<320x128xf32, #tpu.memory_space<vmem>> -> memref<128x128xf32, #tpu.memory_space<vmem>>
    %dma_wait3A_158 = arith.constant 152 : i32
    %dma_wait3A_159 = tpu.memref_slice %arg5[%dma_wait3A_158] : memref<320xi32, #tpu.memory_space<vmem>> -> memref<128xi32, #tpu.memory_space<vmem>>
    %dma_wait3A_160 = arith.constant 0 : i32
    %dma_wait3A_161 = arith.constant 0 : i32
    %dma_wait3A_162 = tpu.memref_slice %arg2[%dma_wait3A_160, %dma_wait3A_161] : memref<10000x128xf32, #tpu.memory_space<hbm>> -> memref<10000x128xf32, #tpu.memory_space<hbm>>
    tpu.wait_indirect_dma semaphore(%arg10 : memref<!tpu.dma_semaphore, #tpu.memory_space<semaphore_mem>>) src(%dma_wait3A_162 : memref<10000x128xf32, #tpu.memory_space<hbm>>) dst(%dma_wait3A_157 : memref<128x128xf32, #tpu.memory_space<vmem>>)
    %dma_wait3A_163 = arith.constant 152 : i32
    %dma_wait3A_164 = arith.constant 0 : i32
    %dma_wait3A_165 = tpu.memref_slice %arg6[%dma_wait3A_163, %dma_wait3A_164] : memref<320x128xf32, #tpu.memory_space<vmem>> -> memref<128x128xf32, #tpu.memory_space<vmem>>
    %dma_wait3A_166 = arith.constant 0 : i32
    %dma_wait3A_167 = tpu.memref_slice %arg2[%add3A_77, %dma_wait3A_166] : memref<10000x128xf32, #tpu.memory_space<hbm>> -> memref<128x128xf32, #tpu.memory_space<hbm>>
    %dma_wait3A_168 = arith.constant 152 : i32
    %dma_wait3A_169 = arith.constant 0 : i32
    %dma_wait3A_170 = tpu.memref_slice %arg6[%dma_wait3A_168, %dma_wait3A_169] : memref<320x128xf32, #tpu.memory_space<vmem>> -> memref<128x128xf32, #tpu.memory_space<vmem>>
    %dma_wait3A_171 = arith.constant 0 : i32
    %dma_wait3A_172 = tpu.memref_slice %arg2[%add3A_77, %dma_wait3A_171] : memref<10000x128xf32, #tpu.memory_space<hbm>> -> memref<128x128xf32, #tpu.memory_space<hbm>>
    tpu.wait_dma2 semaphore(%arg10 : memref<!tpu.dma_semaphore, #tpu.memory_space<semaphore_mem>>) src(%dma_wait3A_172 : memref<128x128xf32, #tpu.memory_space<hbm>>) dst(%dma_wait3A_170 : memref<128x128xf32, #tpu.memory_space<vmem>>)
    %parallel_loop3A_173 = arith.constant 152 : i32
    %parallel_loop3A_174 = arith.constant 280 : i32
    %parallel_loop3A_175 = arith.constant 1 : i32
    scf.for %parallel_loop3A_264 = %parallel_loop3A_173 to %parallel_loop3A_174 step %parallel_loop3A_175  : i32 {
      %parallel_loop3A_265 = arith.index_cast %parallel_loop3A_264 : i32 to index
      %parallel_loop3A_266 = arith.constant 0 : index
      %parallel_loop3A_267 = tpu.vector_load %arg6[%parallel_loop3A_265, %parallel_loop3A_266] {strides = array<i32>} : memref<320x128xf32, #tpu.memory_space<vmem>>, vector<1x16xf32>,
      %parallel_loop3A_268 = vector.shape_cast %parallel_loop3A_267 : vector<1x16xf32> to vector<16xf32>
      %parallel_loop3A_269 = arith.constant 0.699999988 : f32
      %parallel_loop3A_270 = vector.broadcast %parallel_loop3A_269 : f32 to vector<16xf32>
      %parallel_loop3A_271 = arith.mulf %parallel_loop3A_268, %parallel_loop3A_270 : vector<16xf32>
      %parallel_loop3A_272 = arith.index_cast %parallel_loop3A_264 : i32 to index
      %parallel_loop3A_273 = arith.constant 0 : index
      %parallel_loop3A_274 = tpu.vector_load %arg7[%parallel_loop3A_272, %parallel_loop3A_273] {strides = array<i32>} : memref<320x128xf32, #tpu.memory_space<vmem>>, vector<1x16xf32>,
      %parallel_loop3A_275 = vector.shape_cast %parallel_loop3A_274 : vector<1x16xf32> to vector<16xf32>
      %parallel_loop3A_276 = arith.constant 3.000000e-01 : f32
      %parallel_loop3A_277 = vector.broadcast %parallel_loop3A_276 : f32 to vector<16xf32>
      %parallel_loop3A_278 = arith.mulf %parallel_loop3A_275, %parallel_loop3A_277 : vector<16xf32>
      %parallel_loop3A_279 = arith.addf %parallel_loop3A_271, %parallel_loop3A_278 : vector<16xf32>
      %parallel_loop3A_280 = arith.index_cast %parallel_loop3A_264 : i32 to index
      %parallel_loop3A_281 = arith.constant 0 : index
      %parallel_loop3A_282 = tpu.vector_load %arg6[%parallel_loop3A_280, %parallel_loop3A_281] {strides = array<i32>} : memref<320x128xf32, #tpu.memory_space<vmem>>, vector<1x16xf32>,
      %parallel_loop3A_283 = vector.shape_cast %parallel_loop3A_282 : vector<1x16xf32> to vector<16xf32>
      %parallel_loop3A_284 = vector.shape_cast %parallel_loop3A_279 : vector<16xf32> to vector<1x16xf32>
      tpu.vector_store %arg6[%parallel_loop3A_280, %parallel_loop3A_281], %parallel_loop3A_284 {strides = array<i32>} : memref<320x128xf32, #tpu.memory_space<vmem>>, vector<1x16xf32>,
      %parallel_loop3A_285 = arith.index_cast %parallel_loop3A_264 : i32 to index
      %parallel_loop3A_286 = arith.constant 16 : index
      %parallel_loop3A_287 = tpu.vector_load %arg6[%parallel_loop3A_285, %parallel_loop3A_286] {strides = array<i32>} : memref<320x128xf32, #tpu.memory_space<vmem>>, vector<1x16xf32>,
      %parallel_loop3A_288 = vector.shape_cast %parallel_loop3A_287 : vector<1x16xf32> to vector<16xf32>
      %parallel_loop3A_289 = arith.constant 0.699999988 : f32
      %parallel_loop3A_290 = vector.broadcast %parallel_loop3A_289 : f32 to vector<16xf32>
      %parallel_loop3A_291 = arith.mulf %parallel_loop3A_288, %parallel_loop3A_290 : vector<16xf32>
      %parallel_loop3A_292 = arith.index_cast %parallel_loop3A_264 : i32 to index
      %parallel_loop3A_293 = arith.constant 16 : index
      %parallel_loop3A_294 = tpu.vector_load %arg7[%parallel_loop3A_292, %parallel_loop3A_293] {strides = array<i32>} : memref<320x128xf32, #tpu.memory_space<vmem>>, vector<1x16xf32>,
      %parallel_loop3A_295 = vector.shape_cast %parallel_loop3A_294 : vector<1x16xf32> to vector<16xf32>
      %parallel_loop3A_296 = arith.constant 3.000000e-01 : f32
      %parallel_loop3A_297 = vector.broadcast %parallel_loop3A_296 : f32 to vector<16xf32>
      %parallel_loop3A_298 = arith.mulf %parallel_loop3A_295, %parallel_loop3A_297 : vector<16xf32>
      %parallel_loop3A_299 = arith.addf %parallel_loop3A_291, %parallel_loop3A_298 : vector<16xf32>
      %parallel_loop3A_300 = arith.index_cast %parallel_loop3A_264 : i32 to index
      %parallel_loop3A_301 = arith.constant 16 : index
      %parallel_loop3A_302 = tpu.vector_load %arg6[%parallel_loop3A_300, %parallel_loop3A_301] {strides = array<i32>} : memref<320x128xf32, #tpu.memory_space<vmem>>, vector<1x16xf32>,
      %parallel_loop3A_303 = vector.shape_cast %parallel_loop3A_302 : vector<1x16xf32> to vector<16xf32>
      %parallel_loop3A_304 = vector.shape_cast %parallel_loop3A_299 : vector<16xf32> to vector<1x16xf32>
      tpu.vector_store %arg6[%parallel_loop3A_300, %parallel_loop3A_301], %parallel_loop3A_304 {strides = array<i32>} : memref<320x128xf32, #tpu.memory_space<vmem>>, vector<1x16xf32>,
      %parallel_loop3A_305 = arith.index_cast %parallel_loop3A_264 : i32 to index
      %parallel_loop3A_306 = arith.constant 32 : index
      %parallel_loop3A_307 = tpu.vector_load %arg6[%parallel_loop3A_305, %parallel_loop3A_306] {strides = array<i32>} : memref<320x128xf32, #tpu.memory_space<vmem>>, vector<1x16xf32>,
      %parallel_loop3A_308 = vector.shape_cast %parallel_loop3A_307 : vector<1x16xf32> to vector<16xf32>
      %parallel_loop3A_309 = arith.constant 0.699999988 : f32
      %parallel_loop3A_310 = vector.broadcast %parallel_loop3A_309 : f32 to vector<16xf32>
      %parallel_loop3A_311 = arith.mulf %parallel_loop3A_308, %parallel_loop3A_310 : vector<16xf32>
      %parallel_loop3A_312 = arith.index_cast %parallel_loop3A_264 : i32 to index
      %parallel_loop3A_313 = arith.constant 32 : index
      %parallel_loop3A_314 = tpu.vector_load %arg7[%parallel_loop3A_312, %parallel_loop3A_313] {strides = array<i32>} : memref<320x128xf32, #tpu.memory_space<vmem>>, vector<1x16xf32>,
      %parallel_loop3A_315 = vector.shape_cast %parallel_loop3A_314 : vector<1x16xf32> to vector<16xf32>
      %parallel_loop3A_316 = arith.constant 3.000000e-01 : f32
      %parallel_loop3A_317 = vector.broadcast %parallel_loop3A_316 : f32 to vector<16xf32>
      %parallel_loop3A_318 = arith.mulf %parallel_loop3A_315, %parallel_loop3A_317 : vector<16xf32>
      %parallel_loop3A_319 = arith.addf %parallel_loop3A_311, %parallel_loop3A_318 : vector<16xf32>
      %parallel_loop3A_320 = arith.index_cast %parallel_loop3A_264 : i32 to index
      %parallel_loop3A_321 = arith.constant 32 : index
      %parallel_loop3A_322 = tpu.vector_load %arg6[%parallel_loop3A_320, %parallel_loop3A_321] {strides = array<i32>} : memref<320x128xf32, #tpu.memory_space<vmem>>, vector<1x16xf32>,
      %parallel_loop3A_323 = vector.shape_cast %parallel_loop3A_322 : vector<1x16xf32> to vector<16xf32>
      %parallel_loop3A_324 = vector.shape_cast %parallel_loop3A_319 : vector<16xf32> to vector<1x16xf32>
      tpu.vector_store %arg6[%parallel_loop3A_320, %parallel_loop3A_321], %parallel_loop3A_324 {strides = array<i32>} : memref<320x128xf32, #tpu.memory_space<vmem>>, vector<1x16xf32>,
      %parallel_loop3A_325 = arith.index_cast %parallel_loop3A_264 : i32 to index
      %parallel_loop3A_326 = arith.constant 48 : index
      %parallel_loop3A_327 = tpu.vector_load %arg6[%parallel_loop3A_325, %parallel_loop3A_326] {strides = array<i32>} : memref<320x128xf32, #tpu.memory_space<vmem>>, vector<1x16xf32>,
      %parallel_loop3A_328 = vector.shape_cast %parallel_loop3A_327 : vector<1x16xf32> to vector<16xf32>
      %parallel_loop3A_329 = arith.constant 0.699999988 : f32
      %parallel_loop3A_330 = vector.broadcast %parallel_loop3A_329 : f32 to vector<16xf32>
      %parallel_loop3A_331 = arith.mulf %parallel_loop3A_328, %parallel_loop3A_330 : vector<16xf32>
      %parallel_loop3A_332 = arith.index_cast %parallel_loop3A_264 : i32 to index
      %parallel_loop3A_333 = arith.constant 48 : index
      %parallel_loop3A_334 = tpu.vector_load %arg7[%parallel_loop3A_332, %parallel_loop3A_333] {strides = array<i32>} : memref<320x128xf32, #tpu.memory_space<vmem>>, vector<1x16xf32>,
      %parallel_loop3A_335 = vector.shape_cast %parallel_loop3A_334 : vector<1x16xf32> to vector<16xf32>
      %parallel_loop3A_336 = arith.constant 3.000000e-01 : f32
      %parallel_loop3A_337 = vector.broadcast %parallel_loop3A_336 : f32 to vector<16xf32>
      %parallel_loop3A_338 = arith.mulf %parallel_loop3A_335, %parallel_loop3A_337 : vector<16xf32>
      %parallel_loop3A_339 = arith.addf %parallel_loop3A_331, %parallel_loop3A_338 : vector<16xf32>
      %parallel_loop3A_340 = arith.index_cast %parallel_loop3A_264 : i32 to index
      %parallel_loop3A_341 = arith.constant 48 : index
      %parallel_loop3A_342 = tpu.vector_load %arg6[%parallel_loop3A_340, %parallel_loop3A_341] {strides = array<i32>} : memref<320x128xf32, #tpu.memory_space<vmem>>, vector<1x16xf32>,
      %parallel_loop3A_343 = vector.shape_cast %parallel_loop3A_342 : vector<1x16xf32> to vector<16xf32>
      %parallel_loop3A_344 = vector.shape_cast %parallel_loop3A_339 : vector<16xf32> to vector<1x16xf32>
      tpu.vector_store %arg6[%parallel_loop3A_340, %parallel_loop3A_341], %parallel_loop3A_344 {strides = array<i32>} : memref<320x128xf32, #tpu.memory_space<vmem>>, vector<1x16xf32>,
      %parallel_loop3A_345 = arith.index_cast %parallel_loop3A_264 : i32 to index
      %parallel_loop3A_346 = arith.constant 64 : index
      %parallel_loop3A_347 = tpu.vector_load %arg6[%parallel_loop3A_345, %parallel_loop3A_346] {strides = array<i32>} : memref<320x128xf32, #tpu.memory_space<vmem>>, vector<1x16xf32>,
      %parallel_loop3A_348 = vector.shape_cast %parallel_loop3A_347 : vector<1x16xf32> to vector<16xf32>
      %parallel_loop3A_349 = arith.constant 0.699999988 : f32
      %parallel_loop3A_350 = vector.broadcast %parallel_loop3A_349 : f32 to vector<16xf32>
      %parallel_loop3A_351 = arith.mulf %parallel_loop3A_348, %parallel_loop3A_350 : vector<16xf32>
      %parallel_loop3A_352 = arith.index_cast %parallel_loop3A_264 : i32 to index
      %parallel_loop3A_353 = arith.constant 64 : index
      %parallel_loop3A_354 = tpu.vector_load %arg7[%parallel_loop3A_352, %parallel_loop3A_353] {strides = array<i32>} : memref<320x128xf32, #tpu.memory_space<vmem>>, vector<1x16xf32>,
      %parallel_loop3A_355 = vector.shape_cast %parallel_loop3A_354 : vector<1x16xf32> to vector<16xf32>
      %parallel_loop3A_356 = arith.constant 3.000000e-01 : f32
      %parallel_loop3A_357 = vector.broadcast %parallel_loop3A_356 : f32 to vector<16xf32>
      %parallel_loop3A_358 = arith.mulf %parallel_loop3A_355, %parallel_loop3A_357 : vector<16xf32>
      %parallel_loop3A_359 = arith.addf %parallel_loop3A_351, %parallel_loop3A_358 : vector<16xf32>
      %parallel_loop3A_360 = arith.index_cast %parallel_loop3A_264 : i32 to index
      %parallel_loop3A_361 = arith.constant 64 : index
      %parallel_loop3A_362 = tpu.vector_load %arg6[%parallel_loop3A_360, %parallel_loop3A_361] {strides = array<i32>} : memref<320x128xf32, #tpu.memory_space<vmem>>, vector<1x16xf32>,
      %parallel_loop3A_363 = vector.shape_cast %parallel_loop3A_362 : vector<1x16xf32> to vector<16xf32>
      %parallel_loop3A_364 = vector.shape_cast %parallel_loop3A_359 : vector<16xf32> to vector<1x16xf32>
      tpu.vector_store %arg6[%parallel_loop3A_360, %parallel_loop3A_361], %parallel_loop3A_364 {strides = array<i32>} : memref<320x128xf32, #tpu.memory_space<vmem>>, vector<1x16xf32>,
      %parallel_loop3A_365 = arith.index_cast %parallel_loop3A_264 : i32 to index
      %parallel_loop3A_366 = arith.constant 80 : index
      %parallel_loop3A_367 = tpu.vector_load %arg6[%parallel_loop3A_365, %parallel_loop3A_366] {strides = array<i32>} : memref<320x128xf32, #tpu.memory_space<vmem>>, vector<1x16xf32>,
      %parallel_loop3A_368 = vector.shape_cast %parallel_loop3A_367 : vector<1x16xf32> to vector<16xf32>
      %parallel_loop3A_369 = arith.constant 0.699999988 : f32
      %parallel_loop3A_370 = vector.broadcast %parallel_loop3A_369 : f32 to vector<16xf32>
      %parallel_loop3A_371 = arith.mulf %parallel_loop3A_368, %parallel_loop3A_370 : vector<16xf32>
      %parallel_loop3A_372 = arith.index_cast %parallel_loop3A_264 : i32 to index
      %parallel_loop3A_373 = arith.constant 80 : index
      %parallel_loop3A_374 = tpu.vector_load %arg7[%parallel_loop3A_372, %parallel_loop3A_373] {strides = array<i32>} : memref<320x128xf32, #tpu.memory_space<vmem>>, vector<1x16xf32>,
      %parallel_loop3A_375 = vector.shape_cast %parallel_loop3A_374 : vector<1x16xf32> to vector<16xf32>
      %parallel_loop3A_376 = arith.constant 3.000000e-01 : f32
      %parallel_loop3A_377 = vector.broadcast %parallel_loop3A_376 : f32 to vector<16xf32>
      %parallel_loop3A_378 = arith.mulf %parallel_loop3A_375, %parallel_loop3A_377 : vector<16xf32>
      %parallel_loop3A_379 = arith.addf %parallel_loop3A_371, %parallel_loop3A_378 : vector<16xf32>
      %parallel_loop3A_380 = arith.index_cast %parallel_loop3A_264 : i32 to index
      %parallel_loop3A_381 = arith.constant 80 : index
      %parallel_loop3A_382 = tpu.vector_load %arg6[%parallel_loop3A_380, %parallel_loop3A_381] {strides = array<i32>} : memref<320x128xf32, #tpu.memory_space<vmem>>, vector<1x16xf32>,
      %parallel_loop3A_383 = vector.shape_cast %parallel_loop3A_382 : vector<1x16xf32> to vector<16xf32>
      %parallel_loop3A_384 = vector.shape_cast %parallel_loop3A_379 : vector<16xf32> to vector<1x16xf32>
      tpu.vector_store %arg6[%parallel_loop3A_380, %parallel_loop3A_381], %parallel_loop3A_384 {strides = array<i32>} : memref<320x128xf32, #tpu.memory_space<vmem>>, vector<1x16xf32>,
      %parallel_loop3A_385 = arith.index_cast %parallel_loop3A_264 : i32 to index
      %parallel_loop3A_386 = arith.constant 96 : index
      %parallel_loop3A_387 = tpu.vector_load %arg6[%parallel_loop3A_385, %parallel_loop3A_386] {strides = array<i32>} : memref<320x128xf32, #tpu.memory_space<vmem>>, vector<1x16xf32>,
      %parallel_loop3A_388 = vector.shape_cast %parallel_loop3A_387 : vector<1x16xf32> to vector<16xf32>
      %parallel_loop3A_389 = arith.constant 0.699999988 : f32
      %parallel_loop3A_390 = vector.broadcast %parallel_loop3A_389 : f32 to vector<16xf32>
      %parallel_loop3A_391 = arith.mulf %parallel_loop3A_388, %parallel_loop3A_390 : vector<16xf32>
      %parallel_loop3A_392 = arith.index_cast %parallel_loop3A_264 : i32 to index
      %parallel_loop3A_393 = arith.constant 96 : index
      %parallel_loop3A_394 = tpu.vector_load %arg7[%parallel_loop3A_392, %parallel_loop3A_393] {strides = array<i32>} : memref<320x128xf32, #tpu.memory_space<vmem>>, vector<1x16xf32>,
      %parallel_loop3A_395 = vector.shape_cast %parallel_loop3A_394 : vector<1x16xf32> to vector<16xf32>
      %parallel_loop3A_396 = arith.constant 3.000000e-01 : f32
      %parallel_loop3A_397 = vector.broadcast %parallel_loop3A_396 : f32 to vector<16xf32>
      %parallel_loop3A_398 = arith.mulf %parallel_loop3A_395, %parallel_loop3A_397 : vector<16xf32>
      %parallel_loop3A_399 = arith.addf %parallel_loop3A_391, %parallel_loop3A_398 : vector<16xf32>
      %parallel_loop3A_400 = arith.index_cast %parallel_loop3A_264 : i32 to index
      %parallel_loop3A_401 = arith.constant 96 : index
      %parallel_loop3A_402 = tpu.vector_load %arg6[%parallel_loop3A_400, %parallel_loop3A_401] {strides = array<i32>} : memref<320x128xf32, #tpu.memory_space<vmem>>, vector<1x16xf32>,
      %parallel_loop3A_403 = vector.shape_cast %parallel_loop3A_402 : vector<1x16xf32> to vector<16xf32>
      %parallel_loop3A_404 = vector.shape_cast %parallel_loop3A_399 : vector<16xf32> to vector<1x16xf32>
      tpu.vector_store %arg6[%parallel_loop3A_400, %parallel_loop3A_401], %parallel_loop3A_404 {strides = array<i32>} : memref<320x128xf32, #tpu.memory_space<vmem>>, vector<1x16xf32>,
      %parallel_loop3A_405 = arith.index_cast %parallel_loop3A_264 : i32 to index
      %parallel_loop3A_406 = arith.constant 112 : index
      %parallel_loop3A_407 = tpu.vector_load %arg6[%parallel_loop3A_405, %parallel_loop3A_406] {strides = array<i32>} : memref<320x128xf32, #tpu.memory_space<vmem>>, vector<1x16xf32>,
      %parallel_loop3A_408 = vector.shape_cast %parallel_loop3A_407 : vector<1x16xf32> to vector<16xf32>
      %parallel_loop3A_409 = arith.constant 0.699999988 : f32
      %parallel_loop3A_410 = vector.broadcast %parallel_loop3A_409 : f32 to vector<16xf32>
      %parallel_loop3A_411 = arith.mulf %parallel_loop3A_408, %parallel_loop3A_410 : vector<16xf32>
      %parallel_loop3A_412 = arith.index_cast %parallel_loop3A_264 : i32 to index
      %parallel_loop3A_413 = arith.constant 112 : index
      %parallel_loop3A_414 = tpu.vector_load %arg7[%parallel_loop3A_412, %parallel_loop3A_413] {strides = array<i32>} : memref<320x128xf32, #tpu.memory_space<vmem>>, vector<1x16xf32>,
      %parallel_loop3A_415 = vector.shape_cast %parallel_loop3A_414 : vector<1x16xf32> to vector<16xf32>
      %parallel_loop3A_416 = arith.constant 3.000000e-01 : f32
      %parallel_loop3A_417 = vector.broadcast %parallel_loop3A_416 : f32 to vector<16xf32>
      %parallel_loop3A_418 = arith.mulf %parallel_loop3A_415, %parallel_loop3A_417 : vector<16xf32>
      %parallel_loop3A_419 = arith.addf %parallel_loop3A_411, %parallel_loop3A_418 : vector<16xf32>
      %parallel_loop3A_420 = arith.index_cast %parallel_loop3A_264 : i32 to index
      %parallel_loop3A_421 = arith.constant 112 : index
      %parallel_loop3A_422 = tpu.vector_load %arg6[%parallel_loop3A_420, %parallel_loop3A_421] {strides = array<i32>} : memref<320x128xf32, #tpu.memory_space<vmem>>, vector<1x16xf32>,
      %parallel_loop3A_423 = vector.shape_cast %parallel_loop3A_422 : vector<1x16xf32> to vector<16xf32>
      %parallel_loop3A_424 = vector.shape_cast %parallel_loop3A_419 : vector<16xf32> to vector<1x16xf32>
      tpu.vector_store %arg6[%parallel_loop3A_420, %parallel_loop3A_421], %parallel_loop3A_424 {strides = array<i32>} : memref<320x128xf32, #tpu.memory_space<vmem>>, vector<1x16xf32>,
    } {sc.loop_unroll_factor = 4 : i64, sc.parallel_access}
    %add3A_176 = arith.constant 152 : i32
    %add3A_177 = arith.addi %add3A_7, %add3A_176 : i32
    %dma_start3A_178 = arith.constant 152 : i32
    %dma_start3A_179 = arith.constant 0 : i32
    %dma_start3A_180 = tpu.memref_slice %arg6[%dma_start3A_178, %dma_start3A_179] : memref<320x128xf32, #tpu.memory_space<vmem>> -> memref<128x128xf32, #tpu.memory_space<vmem>>
    %dma_start3A_181 = arith.constant 0 : i32
    %dma_start3A_182 = tpu.memref_slice %arg4[%add3A_177, %dma_start3A_181] : memref<10000x128xf32, #tpu.memory_space<hbm>> -> memref<128x128xf32, #tpu.memory_space<hbm>>
    %dma_start3A_183 = arith.constant 0 : i32
    %dma_start3A_184 = tpu.memref_slice %arg4[%add3A_177, %dma_start3A_183] : memref<10000x128xf32, #tpu.memory_space<hbm>> -> memref<128x128xf32, #tpu.memory_space<hbm>>
    %dma_start3A_185 = arith.constant 152 : i32
    %dma_start3A_186 = arith.constant 0 : i32
    %dma_start3A_187 = tpu.memref_slice %arg6[%dma_start3A_185, %dma_start3A_186] : memref<320x128xf32, #tpu.memory_space<vmem>> -> memref<128x128xf32, #tpu.memory_space<vmem>>
    tpu.enqueue_dma source(%dma_start3A_187 : memref<128x128xf32, #tpu.memory_space<vmem>>) target(%dma_start3A_184 : memref<128x128xf32, #tpu.memory_space<hbm>>) target_semaphore(%arg13 : memref<!tpu.dma_semaphore, #tpu.memory_space<semaphore_mem>>)
    %dma_wait3A_188 = arith.constant 280 : i32
    %dma_wait3A_189 = arith.constant 0 : i32
    %dma_wait3A_190 = tpu.memref_slice %arg7[%dma_wait3A_188, %dma_wait3A_189] : memref<320x128xf32, #tpu.memory_space<vmem>> -> memref<32x128xf32, #tpu.memory_space<vmem>>
    %dma_wait3A_191 = arith.constant 280 : i32
    %dma_wait3A_192 = tpu.memref_slice %arg5[%dma_wait3A_191] : memref<320xi32, #tpu.memory_space<vmem>> -> memref<32xi32, #tpu.memory_space<vmem>>
    %dma_wait3A_193 = arith.constant 0 : i32
    %dma_wait3A_194 = arith.constant 0 : i32
    %dma_wait3A_195 = tpu.memref_slice %arg2[%dma_wait3A_193, %dma_wait3A_194] : memref<10000x128xf32, #tpu.memory_space<hbm>> -> memref<10000x128xf32, #tpu.memory_space<hbm>>
    tpu.wait_indirect_dma semaphore(%arg11 : memref<!tpu.dma_semaphore, #tpu.memory_space<semaphore_mem>>) src(%dma_wait3A_195 : memref<10000x128xf32, #tpu.memory_space<hbm>>) dst(%dma_wait3A_190 : memref<32x128xf32, #tpu.memory_space<vmem>>)
    %dma_wait3A_196 = arith.constant 280 : i32
    %dma_wait3A_197 = arith.constant 0 : i32
    %dma_wait3A_198 = tpu.memref_slice %arg6[%dma_wait3A_196, %dma_wait3A_197] : memref<320x128xf32, #tpu.memory_space<vmem>> -> memref<32x128xf32, #tpu.memory_space<vmem>>
    %dma_wait3A_199 = arith.constant 0 : i32
    %dma_wait3A_200 = tpu.memref_slice %arg2[%add3A_129, %dma_wait3A_199] : memref<10000x128xf32, #tpu.memory_space<hbm>> -> memref<32x128xf32, #tpu.memory_space<hbm>>
    %dma_wait3A_201 = arith.constant 280 : i32
    %dma_wait3A_202 = arith.constant 0 : i32
    %dma_wait3A_203 = tpu.memref_slice %arg6[%dma_wait3A_201, %dma_wait3A_202] : memref<320x128xf32, #tpu.memory_space<vmem>> -> memref<32x128xf32, #tpu.memory_space<vmem>>
    %dma_wait3A_204 = arith.constant 0 : i32
    %dma_wait3A_205 = tpu.memref_slice %arg2[%add3A_129, %dma_wait3A_204] : memref<10000x128xf32, #tpu.memory_space<hbm>> -> memref<32x128xf32, #tpu.memory_space<hbm>>
    tpu.wait_dma2 semaphore(%arg11 : memref<!tpu.dma_semaphore, #tpu.memory_space<semaphore_mem>>) src(%dma_wait3A_205 : memref<32x128xf32, #tpu.memory_space<hbm>>) dst(%dma_wait3A_203 : memref<32x128xf32, #tpu.memory_space<vmem>>)
    %parallel_loop3A_206 = arith.constant 280 : i32
    %parallel_loop3A_207 = arith.constant 312 : i32
    %parallel_loop3A_208 = arith.constant 1 : i32
    scf.for %parallel_loop3A_264 = %parallel_loop3A_206 to %parallel_loop3A_207 step %parallel_loop3A_208  : i32 {
      %parallel_loop3A_265 = arith.index_cast %parallel_loop3A_264 : i32 to index
      %parallel_loop3A_266 = arith.constant 0 : index
      %parallel_loop3A_267 = tpu.vector_load %arg6[%parallel_loop3A_265, %parallel_loop3A_266] {strides = array<i32>} : memref<320x128xf32, #tpu.memory_space<vmem>>, vector<1x16xf32>,
      %parallel_loop3A_268 = vector.shape_cast %parallel_loop3A_267 : vector<1x16xf32> to vector<16xf32>
      %parallel_loop3A_269 = arith.constant 0.699999988 : f32
      %parallel_loop3A_270 = vector.broadcast %parallel_loop3A_269 : f32 to vector<16xf32>
      %parallel_loop3A_271 = arith.mulf %parallel_loop3A_268, %parallel_loop3A_270 : vector<16xf32>
      %parallel_loop3A_272 = arith.index_cast %parallel_loop3A_264 : i32 to index
      %parallel_loop3A_273 = arith.constant 0 : index
      %parallel_loop3A_274 = tpu.vector_load %arg7[%parallel_loop3A_272, %parallel_loop3A_273] {strides = array<i32>} : memref<320x128xf32, #tpu.memory_space<vmem>>, vector<1x16xf32>,
      %parallel_loop3A_275 = vector.shape_cast %parallel_loop3A_274 : vector<1x16xf32> to vector<16xf32>
      %parallel_loop3A_276 = arith.constant 3.000000e-01 : f32
      %parallel_loop3A_277 = vector.broadcast %parallel_loop3A_276 : f32 to vector<16xf32>
      %parallel_loop3A_278 = arith.mulf %parallel_loop3A_275, %parallel_loop3A_277 : vector<16xf32>
      %parallel_loop3A_279 = arith.addf %parallel_loop3A_271, %parallel_loop3A_278 : vector<16xf32>
      %parallel_loop3A_280 = arith.index_cast %parallel_loop3A_264 : i32 to index
      %parallel_loop3A_281 = arith.constant 0 : index
      %parallel_loop3A_282 = tpu.vector_load %arg6[%parallel_loop3A_280, %parallel_loop3A_281] {strides = array<i32>} : memref<320x128xf32, #tpu.memory_space<vmem>>, vector<1x16xf32>,
      %parallel_loop3A_283 = vector.shape_cast %parallel_loop3A_282 : vector<1x16xf32> to vector<16xf32>
      %parallel_loop3A_284 = vector.shape_cast %parallel_loop3A_279 : vector<16xf32> to vector<1x16xf32>
      tpu.vector_store %arg6[%parallel_loop3A_280, %parallel_loop3A_281], %parallel_loop3A_284 {strides = array<i32>} : memref<320x128xf32, #tpu.memory_space<vmem>>, vector<1x16xf32>,
      %parallel_loop3A_285 = arith.index_cast %parallel_loop3A_264 : i32 to index
      %parallel_loop3A_286 = arith.constant 16 : index
      %parallel_loop3A_287 = tpu.vector_load %arg6[%parallel_loop3A_285, %parallel_loop3A_286] {strides = array<i32>} : memref<320x128xf32, #tpu.memory_space<vmem>>, vector<1x16xf32>,
      %parallel_loop3A_288 = vector.shape_cast %parallel_loop3A_287 : vector<1x16xf32> to vector<16xf32>
      %parallel_loop3A_289 = arith.constant 0.699999988 : f32
      %parallel_loop3A_290 = vector.broadcast %parallel_loop3A_289 : f32 to vector<16xf32>
      %parallel_loop3A_291 = arith.mulf %parallel_loop3A_288, %parallel_loop3A_290 : vector<16xf32>
      %parallel_loop3A_292 = arith.index_cast %parallel_loop3A_264 : i32 to index
      %parallel_loop3A_293 = arith.constant 16 : index
      %parallel_loop3A_294 = tpu.vector_load %arg7[%parallel_loop3A_292, %parallel_loop3A_293] {strides = array<i32>} : memref<320x128xf32, #tpu.memory_space<vmem>>, vector<1x16xf32>,
      %parallel_loop3A_295 = vector.shape_cast %parallel_loop3A_294 : vector<1x16xf32> to vector<16xf32>
      %parallel_loop3A_296 = arith.constant 3.000000e-01 : f32
      %parallel_loop3A_297 = vector.broadcast %parallel_loop3A_296 : f32 to vector<16xf32>
      %parallel_loop3A_298 = arith.mulf %parallel_loop3A_295, %parallel_loop3A_297 : vector<16xf32>
      %parallel_loop3A_299 = arith.addf %parallel_loop3A_291, %parallel_loop3A_298 : vector<16xf32>
      %parallel_loop3A_300 = arith.index_cast %parallel_loop3A_264 : i32 to index
      %parallel_loop3A_301 = arith.constant 16 : index
      %parallel_loop3A_302 = tpu.vector_load %arg6[%parallel_loop3A_300, %parallel_loop3A_301] {strides = array<i32>} : memref<320x128xf32, #tpu.memory_space<vmem>>, vector<1x16xf32>,
      %parallel_loop3A_303 = vector.shape_cast %parallel_loop3A_302 : vector<1x16xf32> to vector<16xf32>
      %parallel_loop3A_304 = vector.shape_cast %parallel_loop3A_299 : vector<16xf32> to vector<1x16xf32>
      tpu.vector_store %arg6[%parallel_loop3A_300, %parallel_loop3A_301], %parallel_loop3A_304 {strides = array<i32>} : memref<320x128xf32, #tpu.memory_space<vmem>>, vector<1x16xf32>,
      %parallel_loop3A_305 = arith.index_cast %parallel_loop3A_264 : i32 to index
      %parallel_loop3A_306 = arith.constant 32 : index
      %parallel_loop3A_307 = tpu.vector_load %arg6[%parallel_loop3A_305, %parallel_loop3A_306] {strides = array<i32>} : memref<320x128xf32, #tpu.memory_space<vmem>>, vector<1x16xf32>,
      %parallel_loop3A_308 = vector.shape_cast %parallel_loop3A_307 : vector<1x16xf32> to vector<16xf32>
      %parallel_loop3A_309 = arith.constant 0.699999988 : f32
      %parallel_loop3A_310 = vector.broadcast %parallel_loop3A_309 : f32 to vector<16xf32>
      %parallel_loop3A_311 = arith.mulf %parallel_loop3A_308, %parallel_loop3A_310 : vector<16xf32>
      %parallel_loop3A_312 = arith.index_cast %parallel_loop3A_264 : i32 to index
      %parallel_loop3A_313 = arith.constant 32 : index
      %parallel_loop3A_314 = tpu.vector_load %arg7[%parallel_loop3A_312, %parallel_loop3A_313] {strides = array<i32>} : memref<320x128xf32, #tpu.memory_space<vmem>>, vector<1x16xf32>,
      %parallel_loop3A_315 = vector.shape_cast %parallel_loop3A_314 : vector<1x16xf32> to vector<16xf32>
      %parallel_loop3A_316 = arith.constant 3.000000e-01 : f32
      %parallel_loop3A_317 = vector.broadcast %parallel_loop3A_316 : f32 to vector<16xf32>
      %parallel_loop3A_318 = arith.mulf %parallel_loop3A_315, %parallel_loop3A_317 : vector<16xf32>
      %parallel_loop3A_319 = arith.addf %parallel_loop3A_311, %parallel_loop3A_318 : vector<16xf32>
      %parallel_loop3A_320 = arith.index_cast %parallel_loop3A_264 : i32 to index
      %parallel_loop3A_321 = arith.constant 32 : index
      %parallel_loop3A_322 = tpu.vector_load %arg6[%parallel_loop3A_320, %parallel_loop3A_321] {strides = array<i32>} : memref<320x128xf32, #tpu.memory_space<vmem>>, vector<1x16xf32>,
      %parallel_loop3A_323 = vector.shape_cast %parallel_loop3A_322 : vector<1x16xf32> to vector<16xf32>
      %parallel_loop3A_324 = vector.shape_cast %parallel_loop3A_319 : vector<16xf32> to vector<1x16xf32>
      tpu.vector_store %arg6[%parallel_loop3A_320, %parallel_loop3A_321], %parallel_loop3A_324 {strides = array<i32>} : memref<320x128xf32, #tpu.memory_space<vmem>>, vector<1x16xf32>,
      %parallel_loop3A_325 = arith.index_cast %parallel_loop3A_264 : i32 to index
      %parallel_loop3A_326 = arith.constant 48 : index
      %parallel_loop3A_327 = tpu.vector_load %arg6[%parallel_loop3A_325, %parallel_loop3A_326] {strides = array<i32>} : memref<320x128xf32, #tpu.memory_space<vmem>>, vector<1x16xf32>,
      %parallel_loop3A_328 = vector.shape_cast %parallel_loop3A_327 : vector<1x16xf32> to vector<16xf32>
      %parallel_loop3A_329 = arith.constant 0.699999988 : f32
      %parallel_loop3A_330 = vector.broadcast %parallel_loop3A_329 : f32 to vector<16xf32>
      %parallel_loop3A_331 = arith.mulf %parallel_loop3A_328, %parallel_loop3A_330 : vector<16xf32>
      %parallel_loop3A_332 = arith.index_cast %parallel_loop3A_264 : i32 to index
      %parallel_loop3A_333 = arith.constant 48 : index
      %parallel_loop3A_334 = tpu.vector_load %arg7[%parallel_loop3A_332, %parallel_loop3A_333] {strides = array<i32>} : memref<320x128xf32, #tpu.memory_space<vmem>>, vector<1x16xf32>,
      %parallel_loop3A_335 = vector.shape_cast %parallel_loop3A_334 : vector<1x16xf32> to vector<16xf32>
      %parallel_loop3A_336 = arith.constant 3.000000e-01 : f32
      %parallel_loop3A_337 = vector.broadcast %parallel_loop3A_336 : f32 to vector<16xf32>
      %parallel_loop3A_338 = arith.mulf %parallel_loop3A_335, %parallel_loop3A_337 : vector<16xf32>
      %parallel_loop3A_339 = arith.addf %parallel_loop3A_331, %parallel_loop3A_338 : vector<16xf32>
      %parallel_loop3A_340 = arith.index_cast %parallel_loop3A_264 : i32 to index
      %parallel_loop3A_341 = arith.constant 48 : index
      %parallel_loop3A_342 = tpu.vector_load %arg6[%parallel_loop3A_340, %parallel_loop3A_341] {strides = array<i32>} : memref<320x128xf32, #tpu.memory_space<vmem>>, vector<1x16xf32>,
      %parallel_loop3A_343 = vector.shape_cast %parallel_loop3A_342 : vector<1x16xf32> to vector<16xf32>
      %parallel_loop3A_344 = vector.shape_cast %parallel_loop3A_339 : vector<16xf32> to vector<1x16xf32>
      tpu.vector_store %arg6[%parallel_loop3A_340, %parallel_loop3A_341], %parallel_loop3A_344 {strides = array<i32>} : memref<320x128xf32, #tpu.memory_space<vmem>>, vector<1x16xf32>,
      %parallel_loop3A_345 = arith.index_cast %parallel_loop3A_264 : i32 to index
      %parallel_loop3A_346 = arith.constant 64 : index
      %parallel_loop3A_347 = tpu.vector_load %arg6[%parallel_loop3A_345, %parallel_loop3A_346] {strides = array<i32>} : memref<320x128xf32, #tpu.memory_space<vmem>>, vector<1x16xf32>,
      %parallel_loop3A_348 = vector.shape_cast %parallel_loop3A_347 : vector<1x16xf32> to vector<16xf32>
      %parallel_loop3A_349 = arith.constant 0.699999988 : f32
      %parallel_loop3A_350 = vector.broadcast %parallel_loop3A_349 : f32 to vector<16xf32>
      %parallel_loop3A_351 = arith.mulf %parallel_loop3A_348, %parallel_loop3A_350 : vector<16xf32>
      %parallel_loop3A_352 = arith.index_cast %parallel_loop3A_264 : i32 to index
      %parallel_loop3A_353 = arith.constant 64 : index
      %parallel_loop3A_354 = tpu.vector_load %arg7[%parallel_loop3A_352, %parallel_loop3A_353] {strides = array<i32>} : memref<320x128xf32, #tpu.memory_space<vmem>>, vector<1x16xf32>,
      %parallel_loop3A_355 = vector.shape_cast %parallel_loop3A_354 : vector<1x16xf32> to vector<16xf32>
      %parallel_loop3A_356 = arith.constant 3.000000e-01 : f32
      %parallel_loop3A_357 = vector.broadcast %parallel_loop3A_356 : f32 to vector<16xf32>
      %parallel_loop3A_358 = arith.mulf %parallel_loop3A_355, %parallel_loop3A_357 : vector<16xf32>
      %parallel_loop3A_359 = arith.addf %parallel_loop3A_351, %parallel_loop3A_358 : vector<16xf32>
      %parallel_loop3A_360 = arith.index_cast %parallel_loop3A_264 : i32 to index
      %parallel_loop3A_361 = arith.constant 64 : index
      %parallel_loop3A_362 = tpu.vector_load %arg6[%parallel_loop3A_360, %parallel_loop3A_361] {strides = array<i32>} : memref<320x128xf32, #tpu.memory_space<vmem>>, vector<1x16xf32>,
      %parallel_loop3A_363 = vector.shape_cast %parallel_loop3A_362 : vector<1x16xf32> to vector<16xf32>
      %parallel_loop3A_364 = vector.shape_cast %parallel_loop3A_359 : vector<16xf32> to vector<1x16xf32>
      tpu.vector_store %arg6[%parallel_loop3A_360, %parallel_loop3A_361], %parallel_loop3A_364 {strides = array<i32>} : memref<320x128xf32, #tpu.memory_space<vmem>>, vector<1x16xf32>,
      %parallel_loop3A_365 = arith.index_cast %parallel_loop3A_264 : i32 to index
      %parallel_loop3A_366 = arith.constant 80 : index
      %parallel_loop3A_367 = tpu.vector_load %arg6[%parallel_loop3A_365, %parallel_loop3A_366] {strides = array<i32>} : memref<320x128xf32, #tpu.memory_space<vmem>>, vector<1x16xf32>,
      %parallel_loop3A_368 = vector.shape_cast %parallel_loop3A_367 : vector<1x16xf32> to vector<16xf32>
      %parallel_loop3A_369 = arith.constant 0.699999988 : f32
      %parallel_loop3A_370 = vector.broadcast %parallel_loop3A_369 : f32 to vector<16xf32>
      %parallel_loop3A_371 = arith.mulf %parallel_loop3A_368, %parallel_loop3A_370 : vector<16xf32>
      %parallel_loop3A_372 = arith.index_cast %parallel_loop3A_264 : i32 to index
      %parallel_loop3A_373 = arith.constant 80 : index
      %parallel_loop3A_374 = tpu.vector_load %arg7[%parallel_loop3A_372, %parallel_loop3A_373] {strides = array<i32>} : memref<320x128xf32, #tpu.memory_space<vmem>>, vector<1x16xf32>,
      %parallel_loop3A_375 = vector.shape_cast %parallel_loop3A_374 : vector<1x16xf32> to vector<16xf32>
      %parallel_loop3A_376 = arith.constant 3.000000e-01 : f32
      %parallel_loop3A_377 = vector.broadcast %parallel_loop3A_376 : f32 to vector<16xf32>
      %parallel_loop3A_378 = arith.mulf %parallel_loop3A_375, %parallel_loop3A_377 : vector<16xf32>
      %parallel_loop3A_379 = arith.addf %parallel_loop3A_371, %parallel_loop3A_378 : vector<16xf32>
      %parallel_loop3A_380 = arith.index_cast %parallel_loop3A_264 : i32 to index
      %parallel_loop3A_381 = arith.constant 80 : index
      %parallel_loop3A_382 = tpu.vector_load %arg6[%parallel_loop3A_380, %parallel_loop3A_381] {strides = array<i32>} : memref<320x128xf32, #tpu.memory_space<vmem>>, vector<1x16xf32>,
      %parallel_loop3A_383 = vector.shape_cast %parallel_loop3A_382 : vector<1x16xf32> to vector<16xf32>
      %parallel_loop3A_384 = vector.shape_cast %parallel_loop3A_379 : vector<16xf32> to vector<1x16xf32>
      tpu.vector_store %arg6[%parallel_loop3A_380, %parallel_loop3A_381], %parallel_loop3A_384 {strides = array<i32>} : memref<320x128xf32, #tpu.memory_space<vmem>>, vector<1x16xf32>,
      %parallel_loop3A_385 = arith.index_cast %parallel_loop3A_264 : i32 to index
      %parallel_loop3A_386 = arith.constant 96 : index
      %parallel_loop3A_387 = tpu.vector_load %arg6[%parallel_loop3A_385, %parallel_loop3A_386] {strides = array<i32>} : memref<320x128xf32, #tpu.memory_space<vmem>>, vector<1x16xf32>,
      %parallel_loop3A_388 = vector.shape_cast %parallel_loop3A_387 : vector<1x16xf32> to vector<16xf32>
      %parallel_loop3A_389 = arith.constant 0.699999988 : f32
      %parallel_loop3A_390 = vector.broadcast %parallel_loop3A_389 : f32 to vector<16xf32>
      %parallel_loop3A_391 = arith.mulf %parallel_loop3A_388, %parallel_loop3A_390 : vector<16xf32>
      %parallel_loop3A_392 = arith.index_cast %parallel_loop3A_264 : i32 to index
      %parallel_loop3A_393 = arith.constant 96 : index
      %parallel_loop3A_394 = tpu.vector_load %arg7[%parallel_loop3A_392, %parallel_loop3A_393] {strides = array<i32>} : memref<320x128xf32, #tpu.memory_space<vmem>>, vector<1x16xf32>,
      %parallel_loop3A_395 = vector.shape_cast %parallel_loop3A_394 : vector<1x16xf32> to vector<16xf32>
      %parallel_loop3A_396 = arith.constant 3.000000e-01 : f32
      %parallel_loop3A_397 = vector.broadcast %parallel_loop3A_396 : f32 to vector<16xf32>
      %parallel_loop3A_398 = arith.mulf %parallel_loop3A_395, %parallel_loop3A_397 : vector<16xf32>
      %parallel_loop3A_399 = arith.addf %parallel_loop3A_391, %parallel_loop3A_398 : vector<16xf32>
      %parallel_loop3A_400 = arith.index_cast %parallel_loop3A_264 : i32 to index
      %parallel_loop3A_401 = arith.constant 96 : index
      %parallel_loop3A_402 = tpu.vector_load %arg6[%parallel_loop3A_400, %parallel_loop3A_401] {strides = array<i32>} : memref<320x128xf32, #tpu.memory_space<vmem>>, vector<1x16xf32>,
      %parallel_loop3A_403 = vector.shape_cast %parallel_loop3A_402 : vector<1x16xf32> to vector<16xf32>
      %parallel_loop3A_404 = vector.shape_cast %parallel_loop3A_399 : vector<16xf32> to vector<1x16xf32>
      tpu.vector_store %arg6[%parallel_loop3A_400, %parallel_loop3A_401], %parallel_loop3A_404 {strides = array<i32>} : memref<320x128xf32, #tpu.memory_space<vmem>>, vector<1x16xf32>,
      %parallel_loop3A_405 = arith.index_cast %parallel_loop3A_264 : i32 to index
      %parallel_loop3A_406 = arith.constant 112 : index
      %parallel_loop3A_407 = tpu.vector_load %arg6[%parallel_loop3A_405, %parallel_loop3A_406] {strides = array<i32>} : memref<320x128xf32, #tpu.memory_space<vmem>>, vector<1x16xf32>,
      %parallel_loop3A_408 = vector.shape_cast %parallel_loop3A_407 : vector<1x16xf32> to vector<16xf32>
      %parallel_loop3A_409 = arith.constant 0.699999988 : f32
      %parallel_loop3A_410 = vector.broadcast %parallel_loop3A_409 : f32 to vector<16xf32>
      %parallel_loop3A_411 = arith.mulf %parallel_loop3A_408, %parallel_loop3A_410 : vector<16xf32>
      %parallel_loop3A_412 = arith.index_cast %parallel_loop3A_264 : i32 to index
      %parallel_loop3A_413 = arith.constant 112 : index
      %parallel_loop3A_414 = tpu.vector_load %arg7[%parallel_loop3A_412, %parallel_loop3A_413] {strides = array<i32>} : memref<320x128xf32, #tpu.memory_space<vmem>>, vector<1x16xf32>,
      %parallel_loop3A_415 = vector.shape_cast %parallel_loop3A_414 : vector<1x16xf32> to vector<16xf32>
      %parallel_loop3A_416 = arith.constant 3.000000e-01 : f32
      %parallel_loop3A_417 = vector.broadcast %parallel_loop3A_416 : f32 to vector<16xf32>
      %parallel_loop3A_418 = arith.mulf %parallel_loop3A_415, %parallel_loop3A_417 : vector<16xf32>
      %parallel_loop3A_419 = arith.addf %parallel_loop3A_411, %parallel_loop3A_418 : vector<16xf32>
      %parallel_loop3A_420 = arith.index_cast %parallel_loop3A_264 : i32 to index
      %parallel_loop3A_421 = arith.constant 112 : index
      %parallel_loop3A_422 = tpu.vector_load %arg6[%parallel_loop3A_420, %parallel_loop3A_421] {strides = array<i32>} : memref<320x128xf32, #tpu.memory_space<vmem>>, vector<1x16xf32>,
      %parallel_loop3A_423 = vector.shape_cast %parallel_loop3A_422 : vector<1x16xf32> to vector<16xf32>
      %parallel_loop3A_424 = vector.shape_cast %parallel_loop3A_419 : vector<16xf32> to vector<1x16xf32>
      tpu.vector_store %arg6[%parallel_loop3A_420, %parallel_loop3A_421], %parallel_loop3A_424 {strides = array<i32>} : memref<320x128xf32, #tpu.memory_space<vmem>>, vector<1x16xf32>,
    } {sc.loop_unroll_factor = 4 : i64, sc.parallel_access}
    %add3A_209 = arith.constant 280 : i32
    %add3A_210 = arith.addi %add3A_7, %add3A_209 : i32
    %dma_start3A_211 = arith.constant 280 : i32
    %dma_start3A_212 = arith.constant 0 : i32
    %dma_start3A_213 = tpu.memref_slice %arg6[%dma_start3A_211, %dma_start3A_212] : memref<320x128xf32, #tpu.memory_space<vmem>> -> memref<32x128xf32, #tpu.memory_space<vmem>>
    %dma_start3A_214 = arith.constant 0 : i32
    %dma_start3A_215 = tpu.memref_slice %arg4[%add3A_210, %dma_start3A_214] : memref<10000x128xf32, #tpu.memory_space<hbm>> -> memref<32x128xf32, #tpu.memory_space<hbm>>
    %dma_start3A_216 = arith.constant 0 : i32
    %dma_start3A_217 = tpu.memref_slice %arg4[%add3A_210, %dma_start3A_216] : memref<10000x128xf32, #tpu.memory_space<hbm>> -> memref<32x128xf32, #tpu.memory_space<hbm>>
    %dma_start3A_218 = arith.constant 280 : i32
    %dma_start3A_219 = arith.constant 0 : i32
    %dma_start3A_220 = tpu.memref_slice %arg6[%dma_start3A_218, %dma_start3A_219] : memref<320x128xf32, #tpu.memory_space<vmem>> -> memref<32x128xf32, #tpu.memory_space<vmem>>
    tpu.enqueue_dma source(%dma_start3A_220 : memref<32x128xf32, #tpu.memory_space<vmem>>) target(%dma_start3A_217 : memref<32x128xf32, #tpu.memory_space<hbm>>) target_semaphore(%arg13 : memref<!tpu.dma_semaphore, #tpu.memory_space<semaphore_mem>>)
    %convert_element_type3A_221 = arith.extui %lt3A_1 : i1 to i32
    %cond3A_222 = arith.constant 0 : i32
    %cond3A_223 = arith.cmpi ne, %convert_element_type3A_221, %cond3A_222 : i32
    scf.if %cond3A_223 {
      %add3A_264 = arith.constant 312 : i32
      %add3A_265 = arith.addi %add3A_7, %add3A_264 : i32
      %dma_wait3A_266 = arith.constant 312 : i32
      %dma_wait3A_267 = arith.constant 0 : i32
      %dma_wait3A_268 = tpu.memref_slice %arg7[%dma_wait3A_266, %dma_wait3A_267] : memref<320x128xf32, #tpu.memory_space<vmem>> -> memref<8x128xf32, #tpu.memory_space<vmem>>
      %dma_wait3A_269 = arith.constant 312 : i32
      %dma_wait3A_270 = tpu.memref_slice %arg5[%dma_wait3A_269] : memref<320xi32, #tpu.memory_space<vmem>> -> memref<8xi32, #tpu.memory_space<vmem>>
      %dma_wait3A_271 = arith.constant 0 : i32
      %dma_wait3A_272 = arith.constant 0 : i32
      %dma_wait3A_273 = tpu.memref_slice %arg2[%dma_wait3A_271, %dma_wait3A_272] : memref<10000x128xf32, #tpu.memory_space<hbm>> -> memref<10000x128xf32, #tpu.memory_space<hbm>>
      tpu.wait_indirect_dma semaphore(%arg12 : memref<!tpu.dma_semaphore, #tpu.memory_space<semaphore_mem>>) src(%dma_wait3A_273 : memref<10000x128xf32, #tpu.memory_space<hbm>>) dst(%dma_wait3A_268 : memref<8x128xf32, #tpu.memory_space<vmem>>)
      %dma_wait3A_274 = arith.constant 312 : i32
      %dma_wait3A_275 = arith.constant 0 : i32
      %dma_wait3A_276 = tpu.memref_slice %arg6[%dma_wait3A_274, %dma_wait3A_275] : memref<320x128xf32, #tpu.memory_space<vmem>> -> memref<8x128xf32, #tpu.memory_space<vmem>>
      %dma_wait3A_277 = arith.constant 0 : i32
      %dma_wait3A_278 = tpu.memref_slice %arg2[%add3A_265, %dma_wait3A_277] : memref<10000x128xf32, #tpu.memory_space<hbm>> -> memref<8x128xf32, #tpu.memory_space<hbm>>
      %dma_wait3A_279 = arith.constant 312 : i32
      %dma_wait3A_280 = arith.constant 0 : i32
      %dma_wait3A_281 = tpu.memref_slice %arg6[%dma_wait3A_279, %dma_wait3A_280] : memref<320x128xf32, #tpu.memory_space<vmem>> -> memref<8x128xf32, #tpu.memory_space<vmem>>
      %dma_wait3A_282 = arith.constant 0 : i32
      %dma_wait3A_283 = tpu.memref_slice %arg2[%add3A_265, %dma_wait3A_282] : memref<10000x128xf32, #tpu.memory_space<hbm>> -> memref<8x128xf32, #tpu.memory_space<hbm>>
      tpu.wait_dma2 semaphore(%arg12 : memref<!tpu.dma_semaphore, #tpu.memory_space<semaphore_mem>>) src(%dma_wait3A_283 : memref<8x128xf32, #tpu.memory_space<hbm>>) dst(%dma_wait3A_281 : memref<8x128xf32, #tpu.memory_space<vmem>>)
      %parallel_loop3A_284 = arith.constant 312 : i32
      %parallel_loop3A_285 = arith.constant 320 : i32
      %parallel_loop3A_286 = arith.constant 1 : i32
      scf.for %parallel_loop3A_289 = %parallel_loop3A_284 to %parallel_loop3A_285 step %parallel_loop3A_286  : i32 {
        %parallel_loop3A_290 = arith.index_cast %parallel_loop3A_289 : i32 to index
        %parallel_loop3A_291 = arith.constant 0 : index
        %parallel_loop3A_292 = tpu.vector_load %arg6[%parallel_loop3A_290, %parallel_loop3A_291] {strides = array<i32>} : memref<320x128xf32, #tpu.memory_space<vmem>>, vector<1x16xf32>,
        %parallel_loop3A_293 = vector.shape_cast %parallel_loop3A_292 : vector<1x16xf32> to vector<16xf32>
        %parallel_loop3A_294 = arith.constant 0.699999988 : f32
        %parallel_loop3A_295 = vector.broadcast %parallel_loop3A_294 : f32 to vector<16xf32>
        %parallel_loop3A_296 = arith.mulf %parallel_loop3A_293, %parallel_loop3A_295 : vector<16xf32>
        %parallel_loop3A_297 = arith.index_cast %parallel_loop3A_289 : i32 to index
        %parallel_loop3A_298 = arith.constant 0 : index
        %parallel_loop3A_299 = tpu.vector_load %arg7[%parallel_loop3A_297, %parallel_loop3A_298] {strides = array<i32>} : memref<320x128xf32, #tpu.memory_space<vmem>>, vector<1x16xf32>,
        %parallel_loop3A_300 = vector.shape_cast %parallel_loop3A_299 : vector<1x16xf32> to vector<16xf32>
        %parallel_loop3A_301 = arith.constant 3.000000e-01 : f32
        %parallel_loop3A_302 = vector.broadcast %parallel_loop3A_301 : f32 to vector<16xf32>
        %parallel_loop3A_303 = arith.mulf %parallel_loop3A_300, %parallel_loop3A_302 : vector<16xf32>
        %parallel_loop3A_304 = arith.addf %parallel_loop3A_296, %parallel_loop3A_303 : vector<16xf32>
        %parallel_loop3A_305 = arith.index_cast %parallel_loop3A_289 : i32 to index
        %parallel_loop3A_306 = arith.constant 0 : index
        %parallel_loop3A_307 = tpu.vector_load %arg6[%parallel_loop3A_305, %parallel_loop3A_306] {strides = array<i32>} : memref<320x128xf32, #tpu.memory_space<vmem>>, vector<1x16xf32>,
        %parallel_loop3A_308 = vector.shape_cast %parallel_loop3A_307 : vector<1x16xf32> to vector<16xf32>
        %parallel_loop3A_309 = vector.shape_cast %parallel_loop3A_304 : vector<16xf32> to vector<1x16xf32>
        tpu.vector_store %arg6[%parallel_loop3A_305, %parallel_loop3A_306], %parallel_loop3A_309 {strides = array<i32>} : memref<320x128xf32, #tpu.memory_space<vmem>>, vector<1x16xf32>,
        %parallel_loop3A_310 = arith.index_cast %parallel_loop3A_289 : i32 to index
        %parallel_loop3A_311 = arith.constant 16 : index
        %parallel_loop3A_312 = tpu.vector_load %arg6[%parallel_loop3A_310, %parallel_loop3A_311] {strides = array<i32>} : memref<320x128xf32, #tpu.memory_space<vmem>>, vector<1x16xf32>,
        %parallel_loop3A_313 = vector.shape_cast %parallel_loop3A_312 : vector<1x16xf32> to vector<16xf32>
        %parallel_loop3A_314 = arith.constant 0.699999988 : f32
        %parallel_loop3A_315 = vector.broadcast %parallel_loop3A_314 : f32 to vector<16xf32>
        %parallel_loop3A_316 = arith.mulf %parallel_loop3A_313, %parallel_loop3A_315 : vector<16xf32>
        %parallel_loop3A_317 = arith.index_cast %parallel_loop3A_289 : i32 to index
        %parallel_loop3A_318 = arith.constant 16 : index
        %parallel_loop3A_319 = tpu.vector_load %arg7[%parallel_loop3A_317, %parallel_loop3A_318] {strides = array<i32>} : memref<320x128xf32, #tpu.memory_space<vmem>>, vector<1x16xf32>,
        %parallel_loop3A_320 = vector.shape_cast %parallel_loop3A_319 : vector<1x16xf32> to vector<16xf32>
        %parallel_loop3A_321 = arith.constant 3.000000e-01 : f32
        %parallel_loop3A_322 = vector.broadcast %parallel_loop3A_321 : f32 to vector<16xf32>
        %parallel_loop3A_323 = arith.mulf %parallel_loop3A_320, %parallel_loop3A_322 : vector<16xf32>
        %parallel_loop3A_324 = arith.addf %parallel_loop3A_316, %parallel_loop3A_323 : vector<16xf32>
        %parallel_loop3A_325 = arith.index_cast %parallel_loop3A_289 : i32 to index
        %parallel_loop3A_326 = arith.constant 16 : index
        %parallel_loop3A_327 = tpu.vector_load %arg6[%parallel_loop3A_325, %parallel_loop3A_326] {strides = array<i32>} : memref<320x128xf32, #tpu.memory_space<vmem>>, vector<1x16xf32>,
        %parallel_loop3A_328 = vector.shape_cast %parallel_loop3A_327 : vector<1x16xf32> to vector<16xf32>
        %parallel_loop3A_329 = vector.shape_cast %parallel_loop3A_324 : vector<16xf32> to vector<1x16xf32>
        tpu.vector_store %arg6[%parallel_loop3A_325, %parallel_loop3A_326], %parallel_loop3A_329 {strides = array<i32>} : memref<320x128xf32, #tpu.memory_space<vmem>>, vector<1x16xf32>,
        %parallel_loop3A_330 = arith.index_cast %parallel_loop3A_289 : i32 to index
        %parallel_loop3A_331 = arith.constant 32 : index
        %parallel_loop3A_332 = tpu.vector_load %arg6[%parallel_loop3A_330, %parallel_loop3A_331] {strides = array<i32>} : memref<320x128xf32, #tpu.memory_space<vmem>>, vector<1x16xf32>,
        %parallel_loop3A_333 = vector.shape_cast %parallel_loop3A_332 : vector<1x16xf32> to vector<16xf32>
        %parallel_loop3A_334 = arith.constant 0.699999988 : f32
        %parallel_loop3A_335 = vector.broadcast %parallel_loop3A_334 : f32 to vector<16xf32>
        %parallel_loop3A_336 = arith.mulf %parallel_loop3A_333, %parallel_loop3A_335 : vector<16xf32>
        %parallel_loop3A_337 = arith.index_cast %parallel_loop3A_289 : i32 to index
        %parallel_loop3A_338 = arith.constant 32 : index
        %parallel_loop3A_339 = tpu.vector_load %arg7[%parallel_loop3A_337, %parallel_loop3A_338] {strides = array<i32>} : memref<320x128xf32, #tpu.memory_space<vmem>>, vector<1x16xf32>,
        %parallel_loop3A_340 = vector.shape_cast %parallel_loop3A_339 : vector<1x16xf32> to vector<16xf32>
        %parallel_loop3A_341 = arith.constant 3.000000e-01 : f32
        %parallel_loop3A_342 = vector.broadcast %parallel_loop3A_341 : f32 to vector<16xf32>
        %parallel_loop3A_343 = arith.mulf %parallel_loop3A_340, %parallel_loop3A_342 : vector<16xf32>
        %parallel_loop3A_344 = arith.addf %parallel_loop3A_336, %parallel_loop3A_343 : vector<16xf32>
        %parallel_loop3A_345 = arith.index_cast %parallel_loop3A_289 : i32 to index
        %parallel_loop3A_346 = arith.constant 32 : index
        %parallel_loop3A_347 = tpu.vector_load %arg6[%parallel_loop3A_345, %parallel_loop3A_346] {strides = array<i32>} : memref<320x128xf32, #tpu.memory_space<vmem>>, vector<1x16xf32>,
        %parallel_loop3A_348 = vector.shape_cast %parallel_loop3A_347 : vector<1x16xf32> to vector<16xf32>
        %parallel_loop3A_349 = vector.shape_cast %parallel_loop3A_344 : vector<16xf32> to vector<1x16xf32>
        tpu.vector_store %arg6[%parallel_loop3A_345, %parallel_loop3A_346], %parallel_loop3A_349 {strides = array<i32>} : memref<320x128xf32, #tpu.memory_space<vmem>>, vector<1x16xf32>,
        %parallel_loop3A_350 = arith.index_cast %parallel_loop3A_289 : i32 to index
        %parallel_loop3A_351 = arith.constant 48 : index
        %parallel_loop3A_352 = tpu.vector_load %arg6[%parallel_loop3A_350, %parallel_loop3A_351] {strides = array<i32>} : memref<320x128xf32, #tpu.memory_space<vmem>>, vector<1x16xf32>,
        %parallel_loop3A_353 = vector.shape_cast %parallel_loop3A_352 : vector<1x16xf32> to vector<16xf32>
        %parallel_loop3A_354 = arith.constant 0.699999988 : f32
        %parallel_loop3A_355 = vector.broadcast %parallel_loop3A_354 : f32 to vector<16xf32>
        %parallel_loop3A_356 = arith.mulf %parallel_loop3A_353, %parallel_loop3A_355 : vector<16xf32>
        %parallel_loop3A_357 = arith.index_cast %parallel_loop3A_289 : i32 to index
        %parallel_loop3A_358 = arith.constant 48 : index
        %parallel_loop3A_359 = tpu.vector_load %arg7[%parallel_loop3A_357, %parallel_loop3A_358] {strides = array<i32>} : memref<320x128xf32, #tpu.memory_space<vmem>>, vector<1x16xf32>,
        %parallel_loop3A_360 = vector.shape_cast %parallel_loop3A_359 : vector<1x16xf32> to vector<16xf32>
        %parallel_loop3A_361 = arith.constant 3.000000e-01 : f32
        %parallel_loop3A_362 = vector.broadcast %parallel_loop3A_361 : f32 to vector<16xf32>
        %parallel_loop3A_363 = arith.mulf %parallel_loop3A_360, %parallel_loop3A_362 : vector<16xf32>
        %parallel_loop3A_364 = arith.addf %parallel_loop3A_356, %parallel_loop3A_363 : vector<16xf32>
        %parallel_loop3A_365 = arith.index_cast %parallel_loop3A_289 : i32 to index
        %parallel_loop3A_366 = arith.constant 48 : index
        %parallel_loop3A_367 = tpu.vector_load %arg6[%parallel_loop3A_365, %parallel_loop3A_366] {strides = array<i32>} : memref<320x128xf32, #tpu.memory_space<vmem>>, vector<1x16xf32>,
        %parallel_loop3A_368 = vector.shape_cast %parallel_loop3A_367 : vector<1x16xf32> to vector<16xf32>
        %parallel_loop3A_369 = vector.shape_cast %parallel_loop3A_364 : vector<16xf32> to vector<1x16xf32>
        tpu.vector_store %arg6[%parallel_loop3A_365, %parallel_loop3A_366], %parallel_loop3A_369 {strides = array<i32>} : memref<320x128xf32, #tpu.memory_space<vmem>>, vector<1x16xf32>,
        %parallel_loop3A_370 = arith.index_cast %parallel_loop3A_289 : i32 to index
        %parallel_loop3A_371 = arith.constant 64 : index
        %parallel_loop3A_372 = tpu.vector_load %arg6[%parallel_loop3A_370, %parallel_loop3A_371] {strides = array<i32>} : memref<320x128xf32, #tpu.memory_space<vmem>>, vector<1x16xf32>,
        %parallel_loop3A_373 = vector.shape_cast %parallel_loop3A_372 : vector<1x16xf32> to vector<16xf32>
        %parallel_loop3A_374 = arith.constant 0.699999988 : f32
        %parallel_loop3A_375 = vector.broadcast %parallel_loop3A_374 : f32 to vector<16xf32>
        %parallel_loop3A_376 = arith.mulf %parallel_loop3A_373, %parallel_loop3A_375 : vector<16xf32>
        %parallel_loop3A_377 = arith.index_cast %parallel_loop3A_289 : i32 to index
        %parallel_loop3A_378 = arith.constant 64 : index
        %parallel_loop3A_379 = tpu.vector_load %arg7[%parallel_loop3A_377, %parallel_loop3A_378] {strides = array<i32>} : memref<320x128xf32, #tpu.memory_space<vmem>>, vector<1x16xf32>,
        %parallel_loop3A_380 = vector.shape_cast %parallel_loop3A_379 : vector<1x16xf32> to vector<16xf32>
        %parallel_loop3A_381 = arith.constant 3.000000e-01 : f32
        %parallel_loop3A_382 = vector.broadcast %parallel_loop3A_381 : f32 to vector<16xf32>
        %parallel_loop3A_383 = arith.mulf %parallel_loop3A_380, %parallel_loop3A_382 : vector<16xf32>
        %parallel_loop3A_384 = arith.addf %parallel_loop3A_376, %parallel_loop3A_383 : vector<16xf32>
        %parallel_loop3A_385 = arith.index_cast %parallel_loop3A_289 : i32 to index
        %parallel_loop3A_386 = arith.constant 64 : index
        %parallel_loop3A_387 = tpu.vector_load %arg6[%parallel_loop3A_385, %parallel_loop3A_386] {strides = array<i32>} : memref<320x128xf32, #tpu.memory_space<vmem>>, vector<1x16xf32>,
        %parallel_loop3A_388 = vector.shape_cast %parallel_loop3A_387 : vector<1x16xf32> to vector<16xf32>
        %parallel_loop3A_389 = vector.shape_cast %parallel_loop3A_384 : vector<16xf32> to vector<1x16xf32>
        tpu.vector_store %arg6[%parallel_loop3A_385, %parallel_loop3A_386], %parallel_loop3A_389 {strides = array<i32>} : memref<320x128xf32, #tpu.memory_space<vmem>>, vector<1x16xf32>,
        %parallel_loop3A_390 = arith.index_cast %parallel_loop3A_289 : i32 to index
        %parallel_loop3A_391 = arith.constant 80 : index
        %parallel_loop3A_392 = tpu.vector_load %arg6[%parallel_loop3A_390, %parallel_loop3A_391] {strides = array<i32>} : memref<320x128xf32, #tpu.memory_space<vmem>>, vector<1x16xf32>,
        %parallel_loop3A_393 = vector.shape_cast %parallel_loop3A_392 : vector<1x16xf32> to vector<16xf32>
        %parallel_loop3A_394 = arith.constant 0.699999988 : f32
        %parallel_loop3A_395 = vector.broadcast %parallel_loop3A_394 : f32 to vector<16xf32>
        %parallel_loop3A_396 = arith.mulf %parallel_loop3A_393, %parallel_loop3A_395 : vector<16xf32>
        %parallel_loop3A_397 = arith.index_cast %parallel_loop3A_289 : i32 to index
        %parallel_loop3A_398 = arith.constant 80 : index
        %parallel_loop3A_399 = tpu.vector_load %arg7[%parallel_loop3A_397, %parallel_loop3A_398] {strides = array<i32>} : memref<320x128xf32, #tpu.memory_space<vmem>>, vector<1x16xf32>,
        %parallel_loop3A_400 = vector.shape_cast %parallel_loop3A_399 : vector<1x16xf32> to vector<16xf32>
        %parallel_loop3A_401 = arith.constant 3.000000e-01 : f32
        %parallel_loop3A_402 = vector.broadcast %parallel_loop3A_401 : f32 to vector<16xf32>
        %parallel_loop3A_403 = arith.mulf %parallel_loop3A_400, %parallel_loop3A_402 : vector<16xf32>
        %parallel_loop3A_404 = arith.addf %parallel_loop3A_396, %parallel_loop3A_403 : vector<16xf32>
        %parallel_loop3A_405 = arith.index_cast %parallel_loop3A_289 : i32 to index
        %parallel_loop3A_406 = arith.constant 80 : index
        %parallel_loop3A_407 = tpu.vector_load %arg6[%parallel_loop3A_405, %parallel_loop3A_406] {strides = array<i32>} : memref<320x128xf32, #tpu.memory_space<vmem>>, vector<1x16xf32>,
        %parallel_loop3A_408 = vector.shape_cast %parallel_loop3A_407 : vector<1x16xf32> to vector<16xf32>
        %parallel_loop3A_409 = vector.shape_cast %parallel_loop3A_404 : vector<16xf32> to vector<1x16xf32>
        tpu.vector_store %arg6[%parallel_loop3A_405, %parallel_loop3A_406], %parallel_loop3A_409 {strides = array<i32>} : memref<320x128xf32, #tpu.memory_space<vmem>>, vector<1x16xf32>,
        %parallel_loop3A_410 = arith.index_cast %parallel_loop3A_289 : i32 to index
        %parallel_loop3A_411 = arith.constant 96 : index
        %parallel_loop3A_412 = tpu.vector_load %arg6[%parallel_loop3A_410, %parallel_loop3A_411] {strides = array<i32>} : memref<320x128xf32, #tpu.memory_space<vmem>>, vector<1x16xf32>,
        %parallel_loop3A_413 = vector.shape_cast %parallel_loop3A_412 : vector<1x16xf32> to vector<16xf32>
        %parallel_loop3A_414 = arith.constant 0.699999988 : f32
        %parallel_loop3A_415 = vector.broadcast %parallel_loop3A_414 : f32 to vector<16xf32>
        %parallel_loop3A_416 = arith.mulf %parallel_loop3A_413, %parallel_loop3A_415 : vector<16xf32>
        %parallel_loop3A_417 = arith.index_cast %parallel_loop3A_289 : i32 to index
        %parallel_loop3A_418 = arith.constant 96 : index
        %parallel_loop3A_419 = tpu.vector_load %arg7[%parallel_loop3A_417, %parallel_loop3A_418] {strides = array<i32>} : memref<320x128xf32, #tpu.memory_space<vmem>>, vector<1x16xf32>,
        %parallel_loop3A_420 = vector.shape_cast %parallel_loop3A_419 : vector<1x16xf32> to vector<16xf32>
        %parallel_loop3A_421 = arith.constant 3.000000e-01 : f32
        %parallel_loop3A_422 = vector.broadcast %parallel_loop3A_421 : f32 to vector<16xf32>
        %parallel_loop3A_423 = arith.mulf %parallel_loop3A_420, %parallel_loop3A_422 : vector<16xf32>
        %parallel_loop3A_424 = arith.addf %parallel_loop3A_416, %parallel_loop3A_423 : vector<16xf32>
        %parallel_loop3A_425 = arith.index_cast %parallel_loop3A_289 : i32 to index
        %parallel_loop3A_426 = arith.constant 96 : index
        %parallel_loop3A_427 = tpu.vector_load %arg6[%parallel_loop3A_425, %parallel_loop3A_426] {strides = array<i32>} : memref<320x128xf32, #tpu.memory_space<vmem>>, vector<1x16xf32>,
        %parallel_loop3A_428 = vector.shape_cast %parallel_loop3A_427 : vector<1x16xf32> to vector<16xf32>
        %parallel_loop3A_429 = vector.shape_cast %parallel_loop3A_424 : vector<16xf32> to vector<1x16xf32>
        tpu.vector_store %arg6[%parallel_loop3A_425, %parallel_loop3A_426], %parallel_loop3A_429 {strides = array<i32>} : memref<320x128xf32, #tpu.memory_space<vmem>>, vector<1x16xf32>,
        %parallel_loop3A_430 = arith.index_cast %parallel_loop3A_289 : i32 to index
        %parallel_loop3A_431 = arith.constant 112 : index
        %parallel_loop3A_432 = tpu.vector_load %arg6[%parallel_loop3A_430, %parallel_loop3A_431] {strides = array<i32>} : memref<320x128xf32, #tpu.memory_space<vmem>>, vector<1x16xf32>,
        %parallel_loop3A_433 = vector.shape_cast %parallel_loop3A_432 : vector<1x16xf32> to vector<16xf32>
        %parallel_loop3A_434 = arith.constant 0.699999988 : f32
        %parallel_loop3A_435 = vector.broadcast %parallel_loop3A_434 : f32 to vector<16xf32>
        %parallel_loop3A_436 = arith.mulf %parallel_loop3A_433, %parallel_loop3A_435 : vector<16xf32>
        %parallel_loop3A_437 = arith.index_cast %parallel_loop3A_289 : i32 to index
        %parallel_loop3A_438 = arith.constant 112 : index
        %parallel_loop3A_439 = tpu.vector_load %arg7[%parallel_loop3A_437, %parallel_loop3A_438] {strides = array<i32>} : memref<320x128xf32, #tpu.memory_space<vmem>>, vector<1x16xf32>,
        %parallel_loop3A_440 = vector.shape_cast %parallel_loop3A_439 : vector<1x16xf32> to vector<16xf32>
        %parallel_loop3A_441 = arith.constant 3.000000e-01 : f32
        %parallel_loop3A_442 = vector.broadcast %parallel_loop3A_441 : f32 to vector<16xf32>
        %parallel_loop3A_443 = arith.mulf %parallel_loop3A_440, %parallel_loop3A_442 : vector<16xf32>
        %parallel_loop3A_444 = arith.addf %parallel_loop3A_436, %parallel_loop3A_443 : vector<16xf32>
        %parallel_loop3A_445 = arith.index_cast %parallel_loop3A_289 : i32 to index
        %parallel_loop3A_446 = arith.constant 112 : index
        %parallel_loop3A_447 = tpu.vector_load %arg6[%parallel_loop3A_445, %parallel_loop3A_446] {strides = array<i32>} : memref<320x128xf32, #tpu.memory_space<vmem>>, vector<1x16xf32>,
        %parallel_loop3A_448 = vector.shape_cast %parallel_loop3A_447 : vector<1x16xf32> to vector<16xf32>
        %parallel_loop3A_449 = vector.shape_cast %parallel_loop3A_444 : vector<16xf32> to vector<1x16xf32>
        tpu.vector_store %arg6[%parallel_loop3A_445, %parallel_loop3A_446], %parallel_loop3A_449 {strides = array<i32>} : memref<320x128xf32, #tpu.memory_space<vmem>>, vector<1x16xf32>,
      } {sc.loop_unroll_factor = 4 : i64, sc.parallel_access}
      %add3A_287 = arith.constant 312 : i32
      %add3A_288 = arith.addi %add3A_7, %add3A_287 : i32
      "tpu.region"() ({
        %run_scoped3A = tpu.sem_alloc : memref<!tpu.dma_semaphore, #tpu.memory_space<semaphore_mem>>
        %dma_start3A_289 = arith.constant 312 : i32
        %dma_start3A_290 = arith.constant 0 : i32
        %dma_start3A_291 = tpu.memref_slice %arg6[%dma_start3A_289, %dma_start3A_290] : memref<320x128xf32, #tpu.memory_space<vmem>> -> memref<8x128xf32, #tpu.memory_space<vmem>>
        %dma_start3A_292 = arith.constant 0 : i32
        %dma_start3A_293 = tpu.memref_slice %arg4[%add3A_288, %dma_start3A_292] : memref<10000x128xf32, #tpu.memory_space<hbm>> -> memref<8x128xf32, #tpu.memory_space<hbm>>
        %dma_start3A_294 = arith.constant 0 : i32
        %dma_start3A_295 = tpu.memref_slice %arg4[%add3A_288, %dma_start3A_294] : memref<10000x128xf32, #tpu.memory_space<hbm>> -> memref<8x128xf32, #tpu.memory_space<hbm>>
        %dma_start3A_296 = arith.constant 312 : i32
        %dma_start3A_297 = arith.constant 0 : i32
        %dma_start3A_298 = tpu.memref_slice %arg6[%dma_start3A_296, %dma_start3A_297] : memref<320x128xf32, #tpu.memory_space<vmem>> -> memref<8x128xf32, #tpu.memory_space<vmem>>
        tpu.enqueue_dma source(%dma_start3A_298 : memref<8x128xf32, #tpu.memory_space<vmem>>) target(%dma_start3A_295 : memref<8x128xf32, #tpu.memory_space<hbm>>) target_semaphore(%run_scoped3A : memref<!tpu.dma_semaphore, #tpu.memory_space<semaphore_mem>>)
        %dma_wait3A_299 = arith.constant 312 : i32
        %dma_wait3A_300 = arith.constant 0 : i32
        %dma_wait3A_301 = tpu.memref_slice %arg6[%dma_wait3A_299, %dma_wait3A_300] : memref<320x128xf32, #tpu.memory_space<vmem>> -> memref<8x128xf32, #tpu.memory_space<vmem>>
        %dma_wait3A_302 = arith.constant 0 : i32
        %dma_wait3A_303 = tpu.memref_slice %arg4[%add3A_288, %dma_wait3A_302] : memref<10000x128xf32, #tpu.memory_space<hbm>> -> memref<8x128xf32, #tpu.memory_space<hbm>>
        %dma_wait3A_304 = arith.constant 0 : i32
        %dma_wait3A_305 = tpu.memref_slice %arg4[%add3A_288, %dma_wait3A_304] : memref<10000x128xf32, #tpu.memory_space<hbm>> -> memref<8x128xf32, #tpu.memory_space<hbm>>
        %dma_wait3A_306 = arith.constant 312 : i32
        %dma_wait3A_307 = arith.constant 0 : i32
        %dma_wait3A_308 = tpu.memref_slice %arg6[%dma_wait3A_306, %dma_wait3A_307] : memref<320x128xf32, #tpu.memory_space<vmem>> -> memref<8x128xf32, #tpu.memory_space<vmem>>
        tpu.wait_dma2 semaphore(%run_scoped3A : memref<!tpu.dma_semaphore, #tpu.memory_space<semaphore_mem>>) src(%dma_wait3A_308 : memref<8x128xf32, #tpu.memory_space<vmem>>) dst(%dma_wait3A_305 : memref<8x128xf32, #tpu.memory_space<hbm>>)
        tpu.yield
      }) : () -> ()
    } else {
    }
    %dma_wait3A_224 = arith.constant 0 : i32
    %dma_wait3A_225 = arith.constant 0 : i32
    %dma_wait3A_226 = tpu.memref_slice %arg6[%dma_wait3A_224, %dma_wait3A_225] : memref<320x128xf32, #tpu.memory_space<vmem>> -> memref<24x128xf32, #tpu.memory_space<vmem>>
    %dma_wait3A_227 = arith.constant 0 : i32
    %dma_wait3A_228 = tpu.memref_slice %arg4[%add3A_91, %dma_wait3A_227] : memref<10000x128xf32, #tpu.memory_space<hbm>> -> memref<24x128xf32, #tpu.memory_space<hbm>>
    %dma_wait3A_229 = arith.constant 0 : i32
    %dma_wait3A_230 = tpu.memref_slice %arg4[%add3A_91, %dma_wait3A_229] : memref<10000x128xf32, #tpu.memory_space<hbm>> -> memref<24x128xf32, #tpu.memory_space<hbm>>
    %dma_wait3A_231 = arith.constant 0 : i32
    %dma_wait3A_232 = arith.constant 0 : i32
    %dma_wait3A_233 = tpu.memref_slice %arg6[%dma_wait3A_231, %dma_wait3A_232] : memref<320x128xf32, #tpu.memory_space<vmem>> -> memref<24x128xf32, #tpu.memory_space<vmem>>
    tpu.wait_dma2 semaphore(%arg13 : memref<!tpu.dma_semaphore, #tpu.memory_space<semaphore_mem>>) src(%dma_wait3A_233 : memref<24x128xf32, #tpu.memory_space<vmem>>) dst(%dma_wait3A_230 : memref<24x128xf32, #tpu.memory_space<hbm>>)
    %dma_wait3A_234 = arith.constant 24 : i32
    %dma_wait3A_235 = arith.constant 0 : i32
    %dma_wait3A_236 = tpu.memref_slice %arg6[%dma_wait3A_234, %dma_wait3A_235] : memref<320x128xf32, #tpu.memory_space<vmem>> -> memref<128x128xf32, #tpu.memory_space<vmem>>
    %dma_wait3A_237 = arith.constant 0 : i32
    %dma_wait3A_238 = tpu.memref_slice %arg4[%add3A_144, %dma_wait3A_237] : memref<10000x128xf32, #tpu.memory_space<hbm>> -> memref<128x128xf32, #tpu.memory_space<hbm>>
    %dma_wait3A_239 = arith.constant 0 : i32
    %dma_wait3A_240 = tpu.memref_slice %arg4[%add3A_144, %dma_wait3A_239] : memref<10000x128xf32, #tpu.memory_space<hbm>> -> memref<128x128xf32, #tpu.memory_space<hbm>>
    %dma_wait3A_241 = arith.constant 24 : i32
    %dma_wait3A_242 = arith.constant 0 : i32
    %dma_wait3A_243 = tpu.memref_slice %arg6[%dma_wait3A_241, %dma_wait3A_242] : memref<320x128xf32, #tpu.memory_space<vmem>> -> memref<128x128xf32, #tpu.memory_space<vmem>>
    tpu.wait_dma2 semaphore(%arg13 : memref<!tpu.dma_semaphore, #tpu.memory_space<semaphore_mem>>) src(%dma_wait3A_243 : memref<128x128xf32, #tpu.memory_space<vmem>>) dst(%dma_wait3A_240 : memref<128x128xf32, #tpu.memory_space<hbm>>)
    %dma_wait3A_244 = arith.constant 152 : i32
    %dma_wait3A_245 = arith.constant 0 : i32
    %dma_wait3A_246 = tpu.memref_slice %arg6[%dma_wait3A_244, %dma_wait3A_245] : memref<320x128xf32, #tpu.memory_space<vmem>> -> memref<128x128xf32, #tpu.memory_space<vmem>>
    %dma_wait3A_247 = arith.constant 0 : i32
    %dma_wait3A_248 = tpu.memref_slice %arg4[%add3A_177, %dma_wait3A_247] : memref<10000x128xf32, #tpu.memory_space<hbm>> -> memref<128x128xf32, #tpu.memory_space<hbm>>
    %dma_wait3A_249 = arith.constant 0 : i32
    %dma_wait3A_250 = tpu.memref_slice %arg4[%add3A_177, %dma_wait3A_249] : memref<10000x128xf32, #tpu.memory_space<hbm>> -> memref<128x128xf32, #tpu.memory_space<hbm>>
    %dma_wait3A_251 = arith.constant 152 : i32
    %dma_wait3A_252 = arith.constant 0 : i32
    %dma_wait3A_253 = tpu.memref_slice %arg6[%dma_wait3A_251, %dma_wait3A_252] : memref<320x128xf32, #tpu.memory_space<vmem>> -> memref<128x128xf32, #tpu.memory_space<vmem>>
    tpu.wait_dma2 semaphore(%arg13 : memref<!tpu.dma_semaphore, #tpu.memory_space<semaphore_mem>>) src(%dma_wait3A_253 : memref<128x128xf32, #tpu.memory_space<vmem>>) dst(%dma_wait3A_250 : memref<128x128xf32, #tpu.memory_space<hbm>>)
    %dma_wait3A_254 = arith.constant 280 : i32
    %dma_wait3A_255 = arith.constant 0 : i32
    %dma_wait3A_256 = tpu.memref_slice %arg6[%dma_wait3A_254, %dma_wait3A_255] : memref<320x128xf32, #tpu.memory_space<vmem>> -> memref<32x128xf32, #tpu.memory_space<vmem>>
    %dma_wait3A_257 = arith.constant 0 : i32
    %dma_wait3A_258 = tpu.memref_slice %arg4[%add3A_210, %dma_wait3A_257] : memref<10000x128xf32, #tpu.memory_space<hbm>> -> memref<32x128xf32, #tpu.memory_space<hbm>>
    %dma_wait3A_259 = arith.constant 0 : i32
    %dma_wait3A_260 = tpu.memref_slice %arg4[%add3A_210, %dma_wait3A_259] : memref<10000x128xf32, #tpu.memory_space<hbm>> -> memref<32x128xf32, #tpu.memory_space<hbm>>
    %dma_wait3A_261 = arith.constant 280 : i32
    %dma_wait3A_262 = arith.constant 0 : i32
    %dma_wait3A_263 = tpu.memref_slice %arg6[%dma_wait3A_261, %dma_wait3A_262] : memref<320x128xf32, #tpu.memory_space<vmem>> -> memref<32x128xf32, #tpu.memory_space<vmem>>
    tpu.wait_dma2 semaphore(%arg13 : memref<!tpu.dma_semaphore, #tpu.memory_space<semaphore_mem>>) src(%dma_wait3A_263 : memref<32x128xf32, #tpu.memory_space<vmem>>) dst(%dma_wait3A_260 : memref<32x128xf32, #tpu.memory_space<hbm>>)
    return
  }
}

</mosaic_0001>

<sc_bundles>
// kernel: _node_mixup_sc.3.cloned.1.call-start
scs
__scs_entry_jumppad:
0x0: {  	(pc) =	sbr.rel $0x88, $3  }
0x1: {  	(tag) =	ssettag $0x0;
	lr =	simm.s32 $0x1  }
0x2: {  	[smem:$0x3F9F] =	sst lr;
	_ =	strace $0xD0000000  }
0x3: {  	_ = 	snop  }
0x4: {  	_ = 	snop  }
0x5: {  	_ = 	snop  }
0x6: {  	_ = 	snop  }
0x7: {  	_ = 	snop  }
__scs_overlays_trampoline_lowered:
0x8: {  	[smem:$0x3FAE] =	sst s0  }
0x9: {  	[smem:$0x3FAF] =	sst s1  }
0xa: {  	[smem:$0x3FB0] =	sst s2  }
0xb: {  	[smem:$0x3FB1] =	sst s3  }
0xc: {  	[smem:$0x3FB2] =	sst s4  }
0xd: {  	[smem:$0x3FB3] =	sst s5  }
0xe: {  	[smem:$0x3FB4] =	sst s6  }
0xf: {  	[smem:$0x3FB5] =	sst s7  }
0x10: {  	[smem:$0x3FB6] =	sst s8  }
0x11: {  	[smem:$0x3FB7] =	sst s9;
	s0 =	simm.s32 @!p0 $0x0  }
0x12: {  	s1 =	sld [smem:$0x3F9D];
	s0 =	simm.s32 @p0 $0x1  }
0x13: {  	[smem:$0x3FB8] =	sst s0;
	s0 =	simm.s32 @!p1 $0x0  }
0x14: {  	s2 =	sld [smem:$0x3F9C];
	s0 =	simm.s32 @p1 $0x1  }
0x15: {  	[smem:$0x3FB9] =	sst s0;
	s0 =	simm.s32 @!p2 $0x0  }
0x16: {  	s3 =	sld [smem:$0x3FDB];
	s0 =	simm.s32 @p2 $0x1  }
0x17: {  	s4 =	simm.s32 $0x1BF5;
	[smem:$0x3FBB] =	sst s0  }
0x18: {  	s0 =	sld [smem:$0x3F9E];
	_ =	swait.ge [sflag:s4], $0x0  }
0x19: {  	s7 =	sld [smem:$0x3F9F]  }
0x1a: {  	s8 =	sadd.s32 $0xFFFFE003, lr  }
0x1b: {  	s9 =	sadd.s32 $0xFFFFFEF7, lr;
	s5 =	simm.s32 $0xFFFFFFFF;
	p2 =	slt.u32 s8, $0xFFFFF086  }
0x1c: {  	p1 =	slt.u32 s9, $0xF7A;
	s5 =	simm.s32 @!p2 $0x0  }
0x1d: {  	s5 =	simm.s32 @p1 $0x1;
	p0 =	seq.s32 s7, s2  }
0x1e: {  	s7 =	smul.u32 @!p0 $0xF7A, s2;
	p2 =	seq.s32 @!p0 s5, $0x0  }
0x1f: {  	s9 =	smul.u32 $0xF7A, s1;
	s8 =	simm.s32 @!p0 $0x1BF5;
	p2 =	por !p2, p0  }
0x20: {  	[sflag:s8] =	ssyncset.s32 @!p0 $0xFFFFF086;
	s6 =	sadd.s32 @!p0 s3, s7;
	s7 =	simm.s32 @!p0 $0x108  }
0x21: {  	s3 =	sadd.s32 s3, s9;
	s6 =	sadd.s32 @!p0 $0x88, s6;
	s7 =	simm.s32 @p2 $0x1082  }
0x22: {  	[simem:s7], [sflag:s8] =	dma.local @!p0 [hbm:s6], $0xF7A  }
0x23: {  	s9 =	sor.u32 $0xD0000000, s2;
	s6 =	simm.s32 $0x108;
	_ =	swait.ge @!p0 [sflag:s8], $0x0  }
0x24: {  	s3 =	sadd.s32 $0x88, s3;
	s6 =	simm.s32 @!p1 $0x1082;
	[sflag:s4] =	ssyncset.s32 $0xFFFFF086  }
0x25: {  	[simem:s6], [sflag:s4] =	dma.local [hbm:s3], $0xF7A  }
0x26: {  	[smem:$0x3F9F] =	sst s1;
	(tag) =	ssettag s2;
	_ =	strace s9  }
0x27: {  	s1 =	sld [smem:$0x3FAF]  }
0x28: {  	s2 =	sld [smem:$0x3FB0]  }
0x29: {  	s4 =	sld [smem:$0x3FB2]  }
0x2a: {  	p0 =	seq.s32 s5, $0x0;
	s5 =	sld [smem:$0x3FB3]  }
0x2b: {  	s6 =	sld [smem:$0x3FB4]  }
0x2c: {  	s7 =	sld [smem:$0x3FB5]  }
0x2d: {  	s3 =	simm.s32 $0x108;
	s8 =	sld [smem:$0x3FB6]  }
0x2e: {  	s3 =	simm.s32 @!p0 $0x1082;
	s9 =	sld [smem:$0x3FB7]  }
0x2f: {  	lr =	sadd.s32 s0, s3;
	s0 =	sld [smem:$0x3FAE]  }
0x30: {  	s3 =	sld [smem:$0x3FB1]  }
0x31: {  	[smem:$0x3FBA] =	sst s10  }
0x32: {  	s10 =	sld [smem:$0x3FB8];
	_ =	sdelay $0x3  }
0x33: {  	p0 =	seq.s32 s10, $0x1;
	s10 =	sld [smem:$0x3FBA];
	_ =	sdelay $0x3  }
0x34: {  	[smem:$0x3FBA] =	sst s10  }
0x35: {  	s10 =	sld [smem:$0x3FB9];
	_ =	sdelay $0x3  }
0x36: {  	p1 =	seq.s32 s10, $0x1;
	s10 =	sld [smem:$0x3FBA];
	_ =	sdelay $0x3  }
0x37: {  	[smem:$0x3FBA] =	sst s10  }
0x38: {  	s10 =	sld [smem:$0x3FBB]  }
0x39: {  	_ = 	snop;
	(pc) =	sbr.ind lr, $3  }
0x3a: {  	_ = 	snop  }
0x3b: {  	_ = 	snop  }
0x3c: {  	p2 =	seq.s32 s10, $0x1;
	s10 =	sld [smem:$0x3FBA]  }
0x3d: {  	_ =	shalt  }
0x3e: {  	_ =	shalt  }
0x3f: {  	_ =	shalt  }
0x40: {  	_ =	shalt  }
0x41: {  	_ =	shalt  }
0x42: {  	_ =	shalt  }
0x43: {  	_ =	shalt  }
0x44: {  	_ =	shalt  }
0x45: {  	_ =	shalt  }
0x46: {  	_ =	shalt  }
0x47: {  	_ =	shalt  }
0x48: {  	_ =	shalt  }
0x49: {  	_ =	shalt  }
0x4a: {  	_ =	shalt  }
0x4b: {  	_ =	shalt  }
0x4c: {  	_ =	shalt  }
0x4d: {  	_ =	shalt  }
0x4e: {  	_ =	shalt  }
0x4f: {  	_ =	shalt  }
0x50: {  	_ =	shalt  }
0x51: {  	_ =	shalt  }
0x52: {  	_ =	shalt  }
0x53: {  	_ =	shalt  }
0x54: {  	_ =	shalt  }
0x55: {  	_ =	shalt  }
0x56: {  	_ =	shalt  }
0x57: {  	_ =	shalt  }
0x58: {  	_ =	shalt  }
0x59: {  	_ =	shalt  }
0x5a: {  	_ =	shalt  }
0x5b: {  	_ =	shalt  }
0x5c: {  	_ =	shalt  }
0x5d: {  	_ =	shalt  }
0x5e: {  	_ =	shalt  }
0x5f: {  	_ =	shalt  }
0x60: {  	_ =	shalt  }
0x61: {  	_ =	shalt  }
0x62: {  	_ =	shalt  }
0x63: {  	_ =	shalt  }
0x64: {  	_ =	shalt  }
0x65: {  	_ =	shalt  }
0x66: {  	_ =	shalt  }
0x67: {  	_ =	shalt  }
0x68: {  	_ =	shalt  }
0x69: {  	_ =	shalt  }
0x6a: {  	_ =	shalt  }
0x6b: {  	_ =	shalt  }
0x6c: {  	_ =	shalt  }
0x6d: {  	_ =	shalt  }
0x6e: {  	_ =	shalt  }
0x6f: {  	_ =	shalt  }
0x70: {  	_ =	shalt  }
0x71: {  	_ =	shalt  }
0x72: {  	_ =	shalt  }
0x73: {  	_ =	shalt  }
0x74: {  	_ =	shalt  }
0x75: {  	_ =	shalt  }
0x76: {  	_ =	shalt  }
0x77: {  	_ =	shalt  }
0x78: {  	_ =	shalt  }
0x79: {  	_ =	shalt  }
0x7a: {  	_ =	shalt  }
0x7b: {  	_ =	shalt  }
0x7c: {  	_ =	shalt  }
0x7d: {  	_ =	shalt  }
0x7e: {  	_ =	shalt  }
0x7f: {  	_ =	shalt  }
0x80: {  	_ =	shalt  }
0x81: {  	_ =	shalt  }
0x82: {  	_ =	shalt  }
0x83: {  	_ =	shalt  }
0x84: {  	_ =	shalt  }
0x85: {  	_ =	shalt  }
0x86: {  	_ =	shalt  }
0x87: {  	_ =	shalt  }
.Lfunc_end0:
.L_simem_size_0:
called_computation_lowered:
.L_overlay_start_0:
0x88: {  	s2 =	sld [smem:$0x3FD9]  }
0x89: {  	s3 =	sld [smem:$0x3FFE];
	_ =	sdelay $0x1  }
0x8a: {  	s1 =	srdreg.scid  }
0x8b: {  	s0 =	sand.u32 $0x1, s1  }
0x8c: {  	s18 =	sshll.u32 s0, $0xA;
	s2 =	sadd.s32 s3, s2  }
0x8d: {  	s2 =	sadd.s32 s2, s18  }
0x8e: {  	[smem:$0x3FC6] =	sst s2  }
0x8f: {  	_ = 	snop  }
0x90: {  	s2 =	sld [smem:$0x3FC9]  }
0x91: {  	s19 =	sld [smem:$0x3FC8]  }
0x92: {  	s4 =	sld [smem:$0x3FD0];
	(tm) =	ssettm $0x1  }
0x93: {  	s5 =	sld [smem:$0x3FFB];
	_ =	sdelay $0x3  }
0x94: {  	_ =	strace s5  }
0x95: {  	s5 =	sld [smem:$0x3FFC];
	_ =	sdelay $0x3  }
0x96: {  	_ =	strace s5  }
0x97: {  	s5 =	sld [smem:$0x3FFD];
	_ =	sdelay $0x3  }
0x98: {  	_ =	strace s5  }
0x99: {  	_ =	strace $0x8FFFFFFF  }
0x9a: {  	s20 =	sld [smem:$0x3FDB];
	_ =	sdelay $0x1  }
0x9b: {  	s6 =	simm.s32 $_scs_section_size  }
0x9c: {  	s7 =	simm.s32 $_size__tile_overlayer_lowered;
	s8 =	simm.s32 $_tile_overlayer_lowered  }
0x9d: {  	s23 =	simm.s32 $0x1BFF;
	s22 =	sshll.u32 s8, $0x1;
	s5 =	sadd.s32 s6, s20  }
0x9e: {  	s9 =	simm.s32 $0x0;
	s21 =	sshll.u32 s7, $0x1;
	s7 =	sadd.s32 s22, s5  }
0x9f: {  	[timem:s9], [sflag:s23] =	dma.local [hbm:s7], s21  }
0xa0: {  	_ =	swait.ge [sflag:s23], s21  }
0xa1: {  	s6 =	ssub.s32 $0x0, s21;
	[sflag:s23] =	ssyncset.done $0x0  }
0xa2: {  	[sflag:s23] =	ssyncadd.s32 s6;
	_ =	sdelay $0x1  }
0xa3: {  	s24 =	simm.s32 $0x1B8B  }
0xa4: {  	_ =	swait.ge [sflag:s24], $0x1  }
0xa5: {  	[sflag:s24] =	ssyncset.done $0x0  }
0xa6: {  	s25 =	simm.s32 $0x1B8E;
	[sflag:s24] =	ssyncadd.s32 $0xFFFFFFFF  }
0xa7: {  	s26 =	simm.s32 $execute0_lowered;
	[smem:$0x3FD2] =	sst s25  }
0xa8: {  	s6 =	sshll.u32 s26, $0x1;
	_ =	strace $0x80000046;
	[dreg:$0x1] =	wrdreg $0xFFFFFFFF  }
0xa9: {  	s28 =	simm.s32 $_size_execute0_lowered;
	s5 =	sadd.s32 s5, s6;
	[dreg:$0x0] =	wrdreg $0x0  }
0xaa: {  	s6 =	sshll.u32 s28, $0x1;
	[dreg:$0x2] =	wrdreg s5  }
0xab: {  	[dreg:$0x3] =	wrdreg s6  }
0xac: {  	[dreg:$0x4] =	wrdreg $0xC0  }
0xad: {  	_ =	task [dreg:s9], $0x5FFFF  }
0xae: {  	[dreg:$0x1] =	wrdreg $0xFFFFFFFF  }
0xaf: {  	[dreg:$0x0] =	wrdreg $0x60  }
0xb0: {  	[dreg:$0x2] =	wrdreg s2  }
0xb1: {  	[dreg:$0x3] =	wrdreg s19  }
0xb2: {  	[dreg:$0x4] =	wrdreg s4  }
0xb3: {  	[dreg:$0x5] =	wrdreg $0x9  }
0xb4: {  	_ =	task.clear_ibuf [dreg:s9], $0x6FFFF;
	_ =	strace $0x90000046  }
0xb5: {  	s29 =	simm.s32 $0x9;
	_ =	strace $0x80000048  }
0xb6: {  	_ =	swait.ge [sflag:s29], $0x1  }
0xb7: {  	[sflag:s29] =	ssyncadd.s32 $0xFFFFFFFF  }
0xb8: {  	_ =	strace $0x90000048  }
0xb9: {  	_ =	sfence  }
0xba: {  	s30 =	sld [smem:$0x0];
	_ =	sdelay $0x2  }
0xbb: {  	s31 =	sshll.u32 s1, $0xD;
	s1 =	sshrl.u32 s1, $0x2  }
0xbc: {  	s3 =	sand.u32 $0x4000, s31;
	s1 =	sadd.s32 s1, s30  }
0xbd: {  	s0 =	sor.u32 s3, s0;
	s1 =	sshll.u32 s1, $0x11  }
0xbe: {  	s0 =	sor.u32 s1, s0  }
0xbf: {  	s0 =	sadd.s32 $0x8F2B, s0  }
0xc0: {  	[sflag:s0] =	ssyncadd.remote.s32 $0x1  }
0xc1: {  	_ =	sfence.sel $0xFFFF  }
0xc2: {  	[dreg:$0x0] =	wrdreg $0xFFFFFFFF;
	(pc) =	sbr.abs _section_cstart, $3  }
0xc3: {  	[dreg:$0x1] =	wrdreg $0xFFFFFFFF  }
0xc4: {  	_ =	task.clear_ibuf [dreg:s9], $0x2FFFF;
	_ =	strace $0x9FFFFFFF  }
0xc5: {  	(tm) =	ssettm $0x7FFFFFFF  }
tec
execute0_lowered:
.L_overlay_start_1:
0x0: {  	(tag) =	ssettag $0x1  }
0x1: {  	s0 =	rddreg [dreg:$0x0]  }
0x2: {  	s1 =	rddreg [dreg:$0x1];
	s2 =	srdreg.scid  }
0x3: {  	s14 =	stileid.u32;
	s15 =	rddreg [dreg:$0x2]  }
0x4: {  	s21 =	simm.s32 $0x4D80;
	s28 =	simm.s32 $0x8D80;
	s29 =	simm.s32 $0xD80  }
0x5: {  	s30 =	simm.s32 $0x3;
	s31 =	simm.s32 $0x4;
	s18 =	simm.s32 $0x0  }
0x6: {  	s3 =	sand.u32 $0x1, s2;
	s23 =	sshll.u32 s14, $0x1;
	s2 =	simm.s32 $0x0  }
0x7: {  	p0 =	sne.s32 s14, $0x0;
	s14 =	simm.s32 $0x6;
	s4 =	sor.u32 s3, s23  }
0x8: {  	[smem:$0x7FF] =	sst s2;
	s5 =	smul.u32 $0x138, s4;
	s4 =	smin.u32 s4, $0x2  }
0x9: {  	s3 =	ssub.s32 $0x2, s3;
	s23 =	simm.s32 $0x2;
	s4 =	sshll.u32 s4, $0x3  }
0xa: {  	_ =	strace $0x80000047;
	s6 =	sshrl.u32 s3, $0x1;
	s4 =	sadd.s32 s5, s4  }
0xb: {  	s16 =	ssub.s32 s3, s6;
	s24 =	sshrl.u32 s4, $0x3;
	s5 =	sadd.s32 $0x138, s4  }
0xc: {  	s9 =	sshll.u32 s4, $0x4;
	s3 =	sadd.s32 s1, s24;
	s5 =	sshrl.u32 s5, $0x3  }
0xd: {  	s25 =	sadd.s32 $0x180, s9;
	s17 =	sadd.s32 $0x1380, s9;
	s12 =	sadd.s32 $0x980, s9  }
0xe: {  	s13 =	sadd.s32 $0x1180, s9;
	s4 =	sadd.s32 s1, s5;
	s5 =	sadd.s32 s0, s9  }
.Ltmp0:
0xf: {  	s6 =	sadd.s32 s0, s25;
	s7 =	sadd.s32 s0, s17;
	(pc) =	sbr.rel .LBB2_1-.Ltmp0, $4  }
0x10: {  	s8 =	sadd.s32 s0, s12;
	s9 =	sadd.s32 s15, s9;
	s10 =	sadd.s32 s0, s13  }
0x11: {  	s11 =	sadd.s32 s15, s25;
	s12 =	sadd.s32 s15, s12;
	s13 =	sadd.s32 s15, s13  }
0x12: {  	s26 =	sadd.s32 s15, s17;
	s15 =	smax.u32 s16, $0x1;
	s16 =	simm.s32 $0x7  }
0x13: {  	s17 =	simm.s32 $0x1;
	s1 =	simm.s32 $0x5;
	[dreg:$0x4] =	wrdreg s26  }
.LBB2_12:
0x14: {  	v8 =	vld [tilespmem:s19+$0x13F60];
	_ =	sdelay $0x2  }
0x15: {  	v0 =	vmul.f32 $6.999999880e-01, v0;
	v1 =	vmul.f32 $3.000000120e-01, v1  }
0x16: {  	v5 =	vadd.f32 v7, v5;
	v2 =	vmul.f32 $6.999999880e-01, v2;
	v3 =	vmul.f32 $3.000000120e-01, v3  }
0x17: {  	[tilespmem:s19+$0x9F20] =	vst v6;
	v61 =	vmul.f32 $6.999999880e-01, v4;
	v0 =	vadd.f32 v1, v0;
	v62 =	vmul.f32 $3.000000120e-01, v8  }
0x18: {  	[tilespmem:s19+$0x9F30] =	vst v5;
	v2 =	vadd.f32 v3, v2  }
0x19: {  	[tilespmem:s19+$0x9F40] =	vst v0;
	v63 =	vadd.f32 v62, v61  }
0x1a: {  	[tilespmem:s19+$0x9F50] =	vst v2  }
0x1b: {  	[tilespmem:s19+$0x9F60] =	vst v63  }
0x1c: {  	s20 =	simm.s32 $0x9D80;
	s19 =	rddreg [dreg:$0x4]  }
0x1d: {  	[hbm4b:s19+s2] =	stream.linear.scatter [tilespmem:s20], [sflag:$0x7], $0x400, $0x38;
	[tilespmem:$0x14180] =	vst v63  }
0x1e: {  	_ =	swait.ge [sflag:s16], $0x400  }
0x1f: {  	[sflag:s16] =	ssyncset.done $0x0  }
0x20: {  	[sflag:s16] =	ssyncadd.s32 $0xFFFFFC00  }
.LBB2_13:
0x21: {  	_ =	swait.ge [sflag:s14], $0xC00  }
0x22: {  	[sflag:s14] =	ssyncset.done $0x0  }
0x23: {  	[sflag:s14] =	ssyncadd.s32 $0xFFFFF400  }
0x24: {  	_ =	swait.ge [sflag:s14], $0x4000  }
0x25: {  	[sflag:s14] =	ssyncset.done $0x0  }
0x26: {  	s18 =	sadd.s32 $0x1, s18;
	[sflag:s14] =	ssyncadd.s32 $0xFFFFC000  }
0x27: {  	p1 =	sne.s32 s18, s15;
	_ =	swait.ge [sflag:s14], $0x4000  }
.Ltmp1:
0x28: {  	[sflag:s14] =	ssyncset.done $0x0;
	(pc) =	sbr.rel @!p1 .LBB2_14-.Ltmp1, $4  }
0x29: {  	[sflag:s14] =	ssyncadd.s32 $0xFFFFC000  }
0x2a: {  	_ =	swait.ge [sflag:s14], $0x1000  }
0x2b: {  	[sflag:s14] =	ssyncset.done $0x0  }
0x2c: {  	[sflag:s14] =	ssyncadd.s32 $0xFFFFF000  }
.LBB2_1:
0x2d: {  	[tilespmem:s2], [sflag:$0x7] =	stream.linear.gather [hbm4b:s3+s2], $0x138, $0x38;
	[tilespmem:$0x14180] =	vst v63  }
0x2e: {  	_ =	swait.ge [sflag:s16], $0x138  }
0x2f: {  	s19 =	simm.s32 @p0 $0x18;
	[sflag:s16] =	ssyncset.done $0x0  }
0x30: {  	s20 =	simm.s32 @p0 $0x0;
	s22 =	simm.s32 @p0 $0xA180;
	[sflag:s16] =	ssyncadd.s32 $0xFFFFFEC8  }
0x31: {  	[tilespmem:s22], [sflag:$0x1] =	stream.indirect.gather @p0 [hbm4b:s0+s19], $0x80, s20, s19, $0xb8;
	[tilespmem:$0x14180] =	vst v63  }
0x32: {  	s22 =	simm.s32 @p0 $0x180  }
0x33: {  	[tilespmem:s22], [sflag:$0x1] =	stream.linear.gather @p0 [hbm4b:s5+s20], $0xC00, $0x38;
	[tilespmem:$0x14180] =	vst v63  }
0x34: {  	s24 =	simm.s32 @p0 $0xAD80;
	s22 =	simm.s32 @p0 $0x80  }
0x35: {  	[tilespmem:s24], [sflag:$0x2] =	stream.indirect.gather @p0 [hbm4b:s0+s22], $0x80, s19, s22, $0xb8;
	[tilespmem:$0x14180] =	vst v63  }
0x36: {  	s19 =	simm.s32 @p0 $0xD80  }
0x37: {  	[tilespmem:s19], [sflag:$0x2] =	stream.linear.gather @p0 [hbm4b:s6+s20], $0x4000, $0x38;
	[tilespmem:$0x14180] =	vst v63  }
0x38: {  	s22 =	simm.s32 @!p0 $0x7;
	s19 =	simm.s32 @!p0 $0x0;
	s20 =	simm.s32 @!p0 $0x138  }
0x39: {  	[tilespmem:s20], [sflag:$0x7] =	stream.linear.gather @!p0 [hbm4b:s4+s19], $0x8, $0x38;
	[tilespmem:$0x14180] =	vst v63  }
0x3a: {  	_ =	swait.ge @!p0 [sflag:s22], $0x8  }
0x3b: {  	[sflag:s22] =	ssyncset.done @!p0 $0x0  }
0x3c: {  	s24 =	simm.s32 @!p0 $0xA180;
	[sflag:s22] =	ssyncadd.s32 @!p0 $0xFFFFFFF8;
	s22 =	simm.s32 @!p0 $0x18  }
0x3d: {  	[tilespmem:s24], [sflag:$0x1] =	stream.indirect.gather @!p0 [hbm4b:s0+s22], $0x80, s19, s22, $0xb8;
	[tilespmem:$0x14180] =	vst v63  }
0x3e: {  	s24 =	simm.s32 @!p0 $0x180  }
0x3f: {  	[tilespmem:s24], [sflag:$0x1] =	stream.linear.gather @!p0 [hbm4b:s5+s19], $0xC00, $0x38;
	[tilespmem:$0x14180] =	vst v63  }
0x40: {  	s25 =	simm.s32 @!p0 $0xAD80;
	s24 =	simm.s32 @!p0 $0x80  }
0x41: {  	[tilespmem:s25], [sflag:$0x2] =	stream.indirect.gather @!p0 [hbm4b:s0+s24], $0x80, s22, s24, $0xb8;
	[tilespmem:$0x14180] =	vst v63  }
0x42: {  	s22 =	simm.s32 @!p0 $0xD80  }
0x43: {  	[tilespmem:s22], [sflag:$0x2] =	stream.linear.gather @!p0 [hbm4b:s6+s19], $0x4000, $0x38;
	[tilespmem:$0x14180] =	vst v63  }
0x44: {  	s24 =	simm.s32 @!p0 $0x13D80;
	s22 =	simm.s32 @!p0 $0x8  }
0x45: {  	[tilespmem:s24], [sflag:$0x5] =	stream.indirect.gather @!p0 [hbm4b:s0+s22], $0x80, s20, s22, $0xb8;
	[tilespmem:$0x14180] =	vst v63  }
0x46: {  	s20 =	simm.s32 @!p0 $0x9D80  }
0x47: {  	[tilespmem:s20], [sflag:$0x5] =	stream.linear.gather @!p0 [hbm4b:s7+s19], $0x400, $0x38;
	[tilespmem:$0x14180] =	vst v63  }
0x48: {  	_ =	swait.ge [sflag:s17], $0xC00  }
0x49: {  	[sflag:s17] =	ssyncset.done $0x0  }
0x4a: {  	[sflag:s17] =	ssyncadd.s32 $0xFFFFF400  }
0x4b: {  	_ =	swait.ge [sflag:s17], $0xC00  }
0x4c: {  	s25 =	simm.s32 $0xED80;
	[sflag:s17] =	ssyncset.done $0x0  }
0x4d: {  	s22 =	simm.s32 $0x80;
	s24 =	simm.s32 $0x98;
	[sflag:s17] =	ssyncadd.s32 $0xFFFFF400  }
0x4e: {  	[tilespmem:s25], [sflag:$0x3] =	stream.indirect.gather [hbm4b:s0+s22], $0x80, s24, s22, $0xb8;
	[tilespmem:$0x14180] =	vst v63  }
0x4f: {  	s19 =	simm.s32 $0x280  }
0x50: {  	[tilespmem:s21], [sflag:$0x3] =	stream.linear.gather [hbm4b:s8+s2], $0x4000, $0x38;
	[tilespmem:$0x14180] =	vst v63  }
0x51: {  	s26 =	simm.s32 $0xA280;
	v0 =	vld [tilespmem:s19+$0x80]  }
0x52: {  	v1 =	vld [tilespmem:s26+$0x80];
	_ =	sdelay $0x2  }
0x53: {  	v2 =	vld [tilespmem:s19+$0xFFFFFF80]  }
0x54: {  	v3 =	vld [tilespmem:s26+$0xFFFFFF80]  }
0x55: {  	v0 =	vmul.f32 $6.999999880e-01, v0;
	v1 =	vmul.f32 $3.000000120e-01, v1  }
0x56: {  	v4 =	vld [tilespmem:s26+$0xFFFFFF00]  }
0x57: {  	v5 =	vld [tilespmem:s19+$0x0];
	v0 =	vadd.f32 v1, v0  }
0x58: {  	v1 =	vld [tilespmem:s26+$0x0]  }
0x59: {  	v6 =	vld [tilespmem:s19+$0xFFFFFF00];
	[tilespmem:s19+$0x80] =	vst v0;
	v0 =	vmul.f32 $6.999999880e-01, v2;
	v2 =	vmul.f32 $3.000000120e-01, v3  }
0x5a: {  	v3 =	vld [tilespmem:s19+$0x90]  }
0x5b: {  	v7 =	vld [tilespmem:s26+$0x90];
	v0 =	vadd.f32 v2, v0;
	_ =	sdelay $0x1  }
0x5c: {  	v2 =	vmul.f32 $6.999999880e-01, v5;
	[tilespmem:s19+$0xFFFFFF80] =	vst v0;
	v0 =	vmul.f32 $3.000000120e-01, v1  }
0x5d: {  	v6 =	vmul.f32 $6.999999880e-01, v6;
	v5 =	vld [tilespmem:s19+$0xFFFFFF10];
	v1 =	vmul.f32 $3.000000120e-01, v4  }
0x5e: {  	v4 =	vld [tilespmem:s19+$0xFFFFFF90];
	v0 =	vadd.f32 v0, v2  }
0x5f: {  	v8 =	vld [tilespmem:s26+$0xFFFFFF90];
	v2 =	vmul.f32 $6.999999880e-01, v3;
	v3 =	vmul.f32 $3.000000120e-01, v7;
	v1 =	vadd.f32 v1, v6  }
0x60: {  	v7 =	vld [tilespmem:s19+$0x10];
	[tilespmem:s19+$0x0] =	vst v0  }
0x61: {  	v0 =	vadd.f32 v3, v2;
	[tilespmem:s19+$0xFFFFFF00] =	vst v1;
	v1 =	vld [tilespmem:s26+$0x10]  }
0x62: {  	v2 =	vld [tilespmem:s26+$0xFFFFFF10]  }
0x63: {  	[tilespmem:s19+$0x90] =	vst v0;
	v0 =	vld [tilespmem:s19+$0xA0]  }
0x64: {  	v3 =	vmul.f32 $6.999999880e-01, v4;
	v4 =	vmul.f32 $3.000000120e-01, v8;
	v8 =	vld [tilespmem:s26+$0xA0]  }
0x65: {  	v9 =	vld [tilespmem:s19+$0xFFFFFFA0]  }
0x66: {  	v10 =	vld [tilespmem:s19+$0xFFFFFF30];
	v3 =	vadd.f32 v4, v3;
	v4 =	vmul.f32 $6.999999880e-01, v7;
	v1 =	vmul.f32 $3.000000120e-01, v1  }
0x67: {  	v11 =	vld [tilespmem:s19+$0xFFFFFFB0];
	v5 =	vmul.f32 $6.999999880e-01, v5;
	v2 =	vmul.f32 $3.000000120e-01, v2  }
0x68: {  	v6 =	vld [tilespmem:s19+$0xFFFFFF20];
	[tilespmem:s19+$0xFFFFFF90] =	vst v3;
	v1 =	vadd.f32 v1, v4  }
0x69: {  	v3 =	vld [tilespmem:s26+$0xFFFFFFA0];
	v0 =	vmul.f32 $6.999999880e-01, v0;
	v4 =	vmul.f32 $3.000000120e-01, v8;
	v2 =	vadd.f32 v2, v5  }
0x6a: {  	v7 =	vld [tilespmem:s19+$0x20];
	[tilespmem:s19+$0x10] =	vst v1  }
0x6b: {  	v0 =	vadd.f32 v4, v0;
	[tilespmem:s19+$0xFFFFFF10] =	vst v2;
	v1 =	vld [tilespmem:s26+$0x20]  }
0x6c: {  	v2 =	vld [tilespmem:s26+$0xFFFFFF20]  }
0x6d: {  	[tilespmem:s19+$0xA0] =	vst v0;
	v0 =	vld [tilespmem:s19+$0xB0]  }
0x6e: {  	v9 =	vmul.f32 $6.999999880e-01, v9;
	v3 =	vmul.f32 $3.000000120e-01, v3;
	v4 =	vld [tilespmem:s26+$0xB0]  }
0x6f: {  	s22 =	simm.s32 $0xA480;
	v13 =	vld [tilespmem:s19+$0xE0]  }
0x70: {  	v14 =	vld [tilespmem:s22+$0xFFFFFF80];
	v7 =	vmul.f32 $6.999999880e-01, v7;
	v3 =	vadd.f32 v3, v9;
	v1 =	vmul.f32 $3.000000120e-01, v1  }
0x71: {  	s20 =	simm.s32 $0x480;
	v15 =	vld [tilespmem:s22+$0xFFFFFF00];
	v6 =	vmul.f32 $6.999999880e-01, v6;
	v2 =	vmul.f32 $3.000000120e-01, v2  }
0x72: {  	v16 =	vld [tilespmem:s20+$0x0];
	[tilespmem:s19+$0xFFFFFFA0] =	vst v3;
	v1 =	vadd.f32 v1, v7  }
0x73: {  	v0 =	vmul.f32 $6.999999880e-01, v0;
	v12 =	vld [tilespmem:s26+$0xFFFFFFB0];
	v7 =	vmul.f32 $3.000000120e-01, v4;
	v2 =	vadd.f32 v2, v6  }
0x74: {  	v5 =	vld [tilespmem:s19+$0x30];
	[tilespmem:s19+$0x20] =	vst v1  }
0x75: {  	v0 =	vadd.f32 v7, v0;
	[tilespmem:s19+$0xFFFFFF20] =	vst v2;
	v1 =	vld [tilespmem:s26+$0x30]  }
0x76: {  	v2 =	vld [tilespmem:s26+$0xFFFFFF30]  }
0x77: {  	[tilespmem:s19+$0xB0] =	vst v0;
	v0 =	vld [tilespmem:s19+$0xC0]  }
0x78: {  	v6 =	vmul.f32 $6.999999880e-01, v11;
	v7 =	vmul.f32 $3.000000120e-01, v12;
	v11 =	vld [tilespmem:s26+$0xC0]  }
0x79: {  	v17 =	vld [tilespmem:s20+$0xFFFFFF00]  }
0x7a: {  	v20 =	vld [tilespmem:s20+$0xFFFFFF10];
	v6 =	vadd.f32 v7, v6;
	v7 =	vmul.f32 $6.999999880e-01, v5;
	v1 =	vmul.f32 $3.000000120e-01, v1  }
0x7b: {  	v42 =	vld [tilespmem:s20+$0x10];
	v10 =	vmul.f32 $6.999999880e-01, v10;
	v2 =	vmul.f32 $3.000000120e-01, v2  }
0x7c: {  	v9 =	vld [tilespmem:s19+$0xFFFFFFC0];
	v1 =	vadd.f32 v1, v7  }
0x7d: {  	v8 =	vld [tilespmem:s19+$0xFFFFFF40];
	v7 =	vmul.f32 $6.999999880e-01, v0;
	v11 =	vmul.f32 $3.000000120e-01, v11;
	v2 =	vadd.f32 v2, v10  }
0x7e: {  	v3 =	vld [tilespmem:s19+$0x40];
	[tilespmem:s19+$0x30] =	vst v1  }
0x7f: {  	v1 =	vadd.f32 v11, v7;
	[tilespmem:s19+$0xFFFFFF30] =	vst v2;
	v7 =	vld [tilespmem:s26+$0x40]  }
0x80: {  	v10 =	vld [tilespmem:s26+$0xFFFFFF40]  }
0x81: {  	[tilespmem:s19+$0xC0] =	vst v1;
	v1 =	vmul.f32 $6.999999880e-01, v9;
	v9 =	vld [tilespmem:s19+$0xD0]  }
0x82: {  	v11 =	vld [tilespmem:s26+$0xD0]  }
0x83: {  	v43 =	vld [tilespmem:s20+$0xFFFFFF20]  }
0x84: {  	v22 =	vld [tilespmem:s19+$0x70]  }
0x85: {  	v23 =	vld [tilespmem:s20+$0xFFFFFFA0];
	v3 =	vmul.f32 $6.999999880e-01, v3;
	v7 =	vmul.f32 $3.000000120e-01, v7  }
0x86: {  	v47 =	vld [tilespmem:s20+$0x20];
	v8 =	vmul.f32 $6.999999880e-01, v8;
	v10 =	vmul.f32 $3.000000120e-01, v10  }
0x87: {  	v24 =	vld [tilespmem:s20+$0xFFFFFF30];
	v9 =	vmul.f32 $6.999999880e-01, v9;
	v7 =	vadd.f32 v7, v3;
	v11 =	vmul.f32 $3.000000120e-01, v11  }
0x88: {  	v8 =	vadd.f32 v10, v8;
	v10 =	vld [tilespmem:s20+$0x80]  }
0x89: {  	[tilespmem:s19+$0x40] =	vst v7;
	v7 =	vadd.f32 v11, v9;
	v9 =	vld [tilespmem:s22+$0x80]  }
0x8a: {  	v49 =	vld [tilespmem:s20+$0x30]  }
0x8b: {  	v50 =	vld [tilespmem:s20+$0xFFFFFF40]  }
0x8c: {  	v51 =	vld [tilespmem:s19+$0xF0]  }
0x8d: {  	[tilespmem:s19+$0xD0] =	vst v7;
	v7 =	vld [tilespmem:s20+$0xFFFFFF80]  }
0x8e: {  	v25 =	vld [tilespmem:s20+$0xFFFFFFB0];
	v10 =	vmul.f32 $6.999999880e-01, v10;
	v9 =	vmul.f32 $3.000000120e-01, v9  }
0x8f: {  	v54 =	vld [tilespmem:s20+$0xFFFFFFC0]  }
0x90: {  	v59 =	vld [tilespmem:s20+$0xD0];
	v9 =	vadd.f32 v9, v10  }
0x91: {  	v10 =	vld [tilespmem:s22+$0x0]  }
0x92: {  	v60 =	vld [tilespmem:s20+$0xFFFFFFE0];
	v7 =	vmul.f32 $6.999999880e-01, v7;
	[tilespmem:s20+$0x80] =	vst v9;
	v9 =	vmul.f32 $3.000000120e-01, v14  }
0x93: {  	v14 =	vld [tilespmem:s20+$0x90]  }
0x94: {  	v18 =	vld [tilespmem:s22+$0x90];
	v9 =	vadd.f32 v9, v7  }
0x95: {  	v63 =	vld [tilespmem:s20+$0xFFFFFF70]  }
0x96: {  	v16 =	vmul.f32 $6.999999880e-01, v16;
	v4 =	vld [tilespmem:s19+$0xFFFFFF50];
	[tilespmem:s20+$0xFFFFFF80] =	vst v9;
	v9 =	vmul.f32 $3.000000120e-01, v10  }
0x97: {  	v17 =	vmul.f32 $6.999999880e-01, v17;
	v5 =	vld [tilespmem:s19+$0xFFFFFFD0];
	v10 =	vmul.f32 $3.000000120e-01, v15  }
0x98: {  	v15 =	vld [tilespmem:s20+$0xFFFFFF90];
	v9 =	vadd.f32 v9, v16  }
0x99: {  	[tilespmem:s19+$0xFFFFFFB0] =	vst v6;
	v21 =	vld [tilespmem:s22+$0xFFFFFF90];
	v14 =	vmul.f32 $6.999999880e-01, v14;
	v41 =	vmul.f32 $3.000000120e-01, v18;
	v10 =	vadd.f32 v10, v17  }
0x9a: {  	v12 =	vld [tilespmem:s26+$0xFFFFFFC0];
	[tilespmem:s20+$0x0] =	vst v9  }
0x9b: {  	v9 =	vadd.f32 v41, v14;
	[tilespmem:s20+$0xFFFFFF00] =	vst v10;
	v10 =	vld [tilespmem:s22+$0x10]  }
0x9c: {  	v14 =	vld [tilespmem:s22+$0xFFFFFF10]  }
0x9d: {  	[tilespmem:s20+$0x90] =	vst v9;
	v9 =	vld [tilespmem:s20+$0xA0]  }
0x9e: {  	v15 =	vmul.f32 $6.999999880e-01, v15;
	v44 =	vmul.f32 $3.000000120e-01, v21;
	v45 =	vld [tilespmem:s22+$0xA0]  }
0x9f: {  	v46 =	vmul.f32 $6.999999880e-01, v42;
	v19 =	vld [tilespmem:s26+$0xE0]  }
0xa0: {  	v6 =	vld [tilespmem:s19+$0x50];
	v2 =	vmul.f32 $3.000000120e-01, v12;
	v15 =	vadd.f32 v44, v15;
	v10 =	vmul.f32 $3.000000120e-01, v10  }
0xa1: {  	v20 =	vmul.f32 $6.999999880e-01, v20;
	v0 =	vld [tilespmem:s19+$0xFFFFFF60];
	v14 =	vmul.f32 $3.000000120e-01, v14  }
0xa2: {  	v12 =	vadd.f32 v2, v1;
	v2 =	vld [tilespmem:s19+$0xFFFFFFE0];
	[tilespmem:s20+$0xFFFFFF90] =	vst v15;
	v10 =	vadd.f32 v10, v46  }
0xa3: {  	v15 =	vld [tilespmem:s22+$0xFFFFFFA0];
	v9 =	vmul.f32 $6.999999880e-01, v9;
	v48 =	vmul.f32 $3.000000120e-01, v45;
	v14 =	vadd.f32 v14, v20  }
0xa4: {  	v13 =	vmul.f32 $6.999999880e-01, v13;
	v1 =	vld [tilespmem:s19+$0x60];
	v19 =	vmul.f32 $3.000000120e-01, v19;
	[tilespmem:s20+$0x10] =	vst v10  }
0xa5: {  	v9 =	vadd.f32 v48, v9;
	[tilespmem:s20+$0xFFFFFF10] =	vst v14;
	v10 =	vld [tilespmem:s22+$0x20]  }
0xa6: {  	[tilespmem:s19+$0xFFFFFFC0] =	vst v12;
	v13 =	vadd.f32 v19, v13;
	v14 =	vld [tilespmem:s22+$0xFFFFFF20]  }
0xa7: {  	[tilespmem:s20+$0xA0] =	vst v9;
	v9 =	vld [tilespmem:s20+$0xB0]  }
0xa8: {  	v52 =	vmul.f32 $6.999999880e-01, v23;
	[tilespmem:s19+$0xE0] =	vst v13;
	v15 =	vmul.f32 $3.000000120e-01, v15;
	v13 =	vld [tilespmem:s22+$0xB0]  }
0xa9: {  	v12 =	vld [tilespmem:s26+$0xFFFFFFD0]  }
0xaa: {  	v3 =	vld [tilespmem:s19+$0xFFFFFF70];
	[tilespmem:s19+$0xFFFFFF40] =	vst v8;
	v15 =	vadd.f32 v15, v52  }
0xab: {  	v11 =	vld [tilespmem:s26+$0xFFFFFF50];
	v18 =	vmul.f32 $6.999999880e-01, v47;
	v10 =	vmul.f32 $3.000000120e-01, v10  }
0xac: {  	v8 =	vld [tilespmem:s26+$0x50];
	v17 =	vmul.f32 $6.999999880e-01, v43;
	v14 =	vmul.f32 $3.000000120e-01, v14;
	[tilespmem:s20+$0xFFFFFFA0] =	vst v15  }
0xad: {  	v9 =	vmul.f32 $6.999999880e-01, v9;
	v55 =	vld [tilespmem:s22+$0xFFFFFFB0];
	v10 =	vadd.f32 v10, v18;
	v13 =	vmul.f32 $3.000000120e-01, v13  }
0xae: {  	v7 =	vld [tilespmem:s19+$0xFFFFFFF0];
	v14 =	vadd.f32 v14, v17  }
0xaf: {  	v53 =	vld [tilespmem:s26+$0xF0];
	[tilespmem:s20+$0x20] =	vst v10;
	v9 =	vadd.f32 v13, v9  }
0xb0: {  	v4 =	vmul.f32 $6.999999880e-01, v4;
	v11 =	vmul.f32 $3.000000120e-01, v11;
	[tilespmem:s20+$0xFFFFFF20] =	vst v14;
	v13 =	vld [tilespmem:s22+$0x30]  }
0xb1: {  	v5 =	vmul.f32 $6.999999880e-01, v5;
	v14 =	vld [tilespmem:s22+$0xFFFFFF30];
	[tilespmem:s20+$0xB0] =	vst v9;
	v9 =	vmul.f32 $3.000000120e-01, v12  }
0xb2: {  	v4 =	vadd.f32 v11, v4;
	v11 =	vmul.f32 $6.999999880e-01, v25;
	v12 =	vld [tilespmem:s20+$0xC0];
	v17 =	vmul.f32 $3.000000120e-01, v55  }
0xb3: {  	v6 =	vmul.f32 $6.999999880e-01, v6;
	v8 =	vmul.f32 $3.000000120e-01, v8;
	v56 =	vld [tilespmem:s22+$0xC0];
	v5 =	vadd.f32 v9, v5  }
0xb4: {  	[tilespmem:s19+$0xFFFFFF50] =	vst v4;
	v15 =	vld [tilespmem:s20+$0x40];
	v4 =	vadd.f32 v17, v11  }
0xb5: {  	v10 =	vld [tilespmem:s20+$0xFFFFFF50];
	[tilespmem:s19+$0xFFFFFFD0] =	vst v5;
	v5 =	vadd.f32 v8, v6;
	v6 =	vmul.f32 $6.999999880e-01, v49;
	v13 =	vmul.f32 $3.000000120e-01, v13  }
0xb6: {  	v8 =	vld [tilespmem:s26+$0xFFFFFF60];
	[tilespmem:s20+$0xFFFFFFB0] =	vst v4  }
0xb7: {  	v57 =	vmul.f32 $6.999999880e-01, v24;
	v14 =	vmul.f32 $3.000000120e-01, v14;
	[tilespmem:s19+$0x50] =	vst v5;
	v5 =	vadd.f32 v13, v6;
	v6 =	vld [tilespmem:s22+$0xFFFFFFC0]  }
0xb8: {  	v4 =	vld [tilespmem:s26+$0xFFFFFFE0];
	v12 =	vmul.f32 $6.999999880e-01, v12;
	v13 =	vmul.f32 $3.000000120e-01, v56  }
0xb9: {  	v14 =	vadd.f32 v14, v57;
	v58 =	vld [tilespmem:s26+$0x60]  }
0xba: {  	v9 =	vld [tilespmem:s20+$0xFFFFFFD0];
	[tilespmem:s20+$0x30] =	vst v5;
	v12 =	vadd.f32 v13, v12  }
0xbb: {  	v0 =	vmul.f32 $6.999999880e-01, v0;
	[tilespmem:s20+$0xFFFFFF30] =	vst v14;
	v13 =	vld [tilespmem:s22+$0x40];
	v8 =	vmul.f32 $3.000000120e-01, v8  }
0xbc: {  	v14 =	vld [tilespmem:s22+$0xFFFFFF40];
	[tilespmem:s20+$0xC0] =	vst v12;
	v12 =	vmul.f32 $6.999999880e-01, v54;
	v6 =	vmul.f32 $3.000000120e-01, v6  }
0xbd: {  	v2 =	vmul.f32 $6.999999880e-01, v2;
	v11 =	vld [tilespmem:s20+$0x50];
	v4 =	vmul.f32 $3.000000120e-01, v4;
	v0 =	vadd.f32 v8, v0  }
0xbe: {  	v1 =	vmul.f32 $6.999999880e-01, v1;
	v8 =	vld [tilespmem:s22+$0xD0];
	v6 =	vadd.f32 v6, v12;
	v12 =	vmul.f32 $3.000000120e-01, v58  }
0xbf: {  	v61 =	vmul.f32 $6.999999880e-01, v7;
	v5 =	vld [tilespmem:s20+$0xFFFFFF60];
	v2 =	vadd.f32 v4, v2;
	[tilespmem:s19+$0xFFFFFF60] =	vst v0  }
0xc0: {  	v4 =	vmul.f32 $6.999999880e-01, v15;
	v7 =	vld [tilespmem:s26+$0xFFFFFF70];
	v1 =	vadd.f32 v12, v1;
	[tilespmem:s20+$0xFFFFFFC0] =	vst v6;
	v6 =	vmul.f32 $3.000000120e-01, v13  }
0xc1: {  	[tilespmem:s19+$0xFFFFFFE0] =	vst v2;
	v2 =	vmul.f32 $3.000000120e-01, v14;
	v12 =	vmul.f32 $6.999999880e-01, v50;
	v13 =	vld [tilespmem:s22+$0xFFFFFFD0]  }
0xc2: {  	v3 =	vmul.f32 $6.999999880e-01, v3;
	v16 =	vmul.f32 $6.999999880e-01, v51;
	[tilespmem:s19+$0x60] =	vst v1;
	v1 =	vadd.f32 v6, v4;
	v4 =	vld [tilespmem:s26+$0xFFFFFFF0]  }
0xc3: {  	v14 =	vmul.f32 $6.999999880e-01, v59;
	v8 =	vmul.f32 $3.000000120e-01, v8;
	v2 =	vadd.f32 v2, v12;
	v62 =	vld [tilespmem:s26+$0x70]  }
0xc4: {  	v0 =	vld [tilespmem:s20+$0x60];
	v12 =	vmul.f32 $3.000000120e-01, v53;
	v6 =	vmul.f32 $6.999999880e-01, v10;
	[tilespmem:s20+$0x40] =	vst v1  }
0xc5: {  	v1 =	vadd.f32 v8, v14;
	v8 =	vmul.f32 $6.999999880e-01, v9;
	[tilespmem:s20+$0xFFFFFF40] =	vst v2;
	v14 =	vmul.f32 $3.000000120e-01, v7;
	v9 =	vld [tilespmem:s22+$0x50]  }
0xc6: {  	v16 =	vadd.f32 v12, v16;
	v7 =	vmul.f32 $6.999999880e-01, v11;
	v12 =	vld [tilespmem:s22+$0xFFFFFF50];
	v11 =	vmul.f32 $3.000000120e-01, v13  }
0xc7: {  	v10 =	vld [tilespmem:s20+$0xE0];
	v2 =	vmul.f32 $6.999999880e-01, v5;
	[tilespmem:s20+$0xD0] =	vst v1;
	v5 =	vadd.f32 v14, v3;
	v4 =	vmul.f32 $3.000000120e-01, v4  }
0xc8: {  	v15 =	vmul.f32 $6.999999880e-01, v22;
	[tilespmem:s19+$0xF0] =	vst v16;
	v13 =	vadd.f32 v11, v8;
	v11 =	vld [tilespmem:s22+$0xE0];
	v14 =	vmul.f32 $3.000000120e-01, v62  }
0xc9: {  	s24 =	simm.s32 $0xA480;
	s26 =	simm.s32 $0x680;
	v1 =	vmul.f32 $6.999999880e-01, v60;
	v3 =	vmul.f32 $6.999999880e-01, v0;
	v8 =	vld [tilespmem:s20+$0xFFFFFFF0];
	[tilespmem:s19+$0xFFFFFF70] =	vst v5;
	v5 =	vadd.f32 v4, v61  }
0xca: {  	s25 =	simm.s32 $0x4;
	v0 =	vmul.f32 $6.999999880e-01, v63;
	[tilespmem:s20+$0xFFFFFFD0] =	vst v13;
	v13 =	vmul.f32 $3.000000120e-01, v9;
	v9 =	vld [tilespmem:s20+$0x70];
	v4 =	vadd.f32 v14, v15  }
.LBB2_2:
0xcb: {  	v14 =	vld [tilespmem:s26+$0x80];
	v12 =	vmul.f32 $3.000000120e-01, v12;
	s22 =	sadd.s32 $0x200, s22;
	[tilespmem:s19+$0xFFFFFFF0] =	vst v5  }
0xcc: {  	s25 =	sadd.s32 $0x4, s25;
	v15 =	vld [tilespmem:s22+$0x80];
	v7 =	vadd.f32 v13, v7;
	[tilespmem:s19+$0x70] =	vst v4;
	s19 =	smov.u32 s20;
	s20 =	smov.u32 s26  }
0xcd: {  	p1 =	slt.u32 s25, $0x14;
	v13 =	vld [tilespmem:s22+$0xFFFFFF00];
	v4 =	vadd.f32 v12, v6;
	v6 =	vmul.f32 $6.999999880e-01, v10;
	v10 =	vmul.f32 $3.000000120e-01, v11  }
0xce: {  	v11 =	vld [tilespmem:s26+$0xFFFFFF80];
	v5 =	vmul.f32 $6.999999880e-01, v8;
	[tilespmem:s19+$0x50] =	vst v7  }
0xcf: {  	v7 =	vld [tilespmem:s22+$0xFFFFFF80];
	[tilespmem:s19+$0xFFFFFF50] =	vst v4;
	v4 =	vmul.f32 $6.999999880e-01, v9;
	v6 =	vadd.f32 v10, v6  }
0xd0: {  	v8 =	vld [tilespmem:s26+$0x0]  }
0xd1: {  	v9 =	vmul.f32 $6.999999880e-01, v14;
	v10 =	vmul.f32 $3.000000120e-01, v15;
	[tilespmem:s19+$0xE0] =	vst v6;
	v6 =	vld [tilespmem:s19+$0xF0]  }
0xd2: {  	v12 =	vmul.f32 $3.000000120e-01, v13;
	v13 =	vld [tilespmem:s24+$0xF0]  }
0xd3: {  	v11 =	vmul.f32 $6.999999880e-01, v11;
	v14 =	vld [tilespmem:s22+$0x0];
	v9 =	vadd.f32 v10, v9  }
0xd4: {  	v10 =	vld [tilespmem:s26+$0xFFFFFF00];
	v7 =	vmul.f32 $3.000000120e-01, v7  }
0xd5: {  	v8 =	vmul.f32 $6.999999880e-01, v8;
	[tilespmem:s26+$0x80] =	vst v9;
	v9 =	vld [tilespmem:s26+$0x90]  }
0xd6: {  	v7 =	vadd.f32 v7, v11;
	v11 =	vld [tilespmem:s22+$0x90]  }
0xd7: {  	v6 =	vmul.f32 $6.999999880e-01, v6;
	v15 =	vld [tilespmem:s26+$0xFFFFFF10];
	v13 =	vmul.f32 $3.000000120e-01, v13  }
0xd8: {  	[tilespmem:s26+$0xFFFFFF80] =	vst v7;
	v7 =	vld [tilespmem:s26+$0xFFFFFF90];
	v14 =	vmul.f32 $3.000000120e-01, v14  }
0xd9: {  	v10 =	vmul.f32 $6.999999880e-01, v10;
	v16 =	vld [tilespmem:s22+$0xFFFFFF90];
	v6 =	vadd.f32 v13, v6  }
0xda: {  	v8 =	vadd.f32 v14, v8;
	v13 =	vld [tilespmem:s26+$0x10]  }
0xdb: {  	v9 =	vmul.f32 $6.999999880e-01, v9;
	v10 =	vadd.f32 v12, v10;
	v12 =	vld [tilespmem:s26+$0xFFFFFF20];
	v11 =	vmul.f32 $3.000000120e-01, v11;
	[tilespmem:s19+$0xF0] =	vst v6  }
0xdc: {  	v6 =	vmul.f32 $6.999999880e-01, v15;
	v14 =	vld [tilespmem:s26+$0xFFFFFFA0];
	[tilespmem:s26+$0x0] =	vst v8  }
0xdd: {  	[tilespmem:s26+$0xFFFFFF00] =	vst v10;
	v7 =	vmul.f32 $6.999999880e-01, v7;
	v8 =	vld [tilespmem:s22+$0x10];
	v9 =	vadd.f32 v11, v9  }
0xde: {  	v10 =	vld [tilespmem:s22+$0xFFFFFF10];
	v11 =	vmul.f32 $3.000000120e-01, v16  }
0xdf: {  	v13 =	vmul.f32 $6.999999880e-01, v13;
	[tilespmem:s26+$0x90] =	vst v9;
	v9 =	vld [tilespmem:s26+$0xA0]  }
0xe0: {  	v12 =	vmul.f32 $6.999999880e-01, v12;
	v7 =	vadd.f32 v11, v7;
	v11 =	vld [tilespmem:s22+$0xA0]  }
0xe1: {  	v14 =	vmul.f32 $6.999999880e-01, v14;
	v15 =	vld [tilespmem:s26+$0x20]  }
0xe2: {  	v16 =	vld [tilespmem:s26+$0xFFFFFF30];
	[tilespmem:s26+$0xFFFFFF90] =	vst v7;
	v7 =	vmul.f32 $3.000000120e-01, v8  }
0xe3: {  	v8 =	vmul.f32 $3.000000120e-01, v10;
	v10 =	vld [tilespmem:s22+$0xFFFFFFA0]  }
0xe4: {  	v17 =	vld [tilespmem:s26+$0xFFFFFFB0];
	v7 =	vadd.f32 v7, v13  }
0xe5: {  	v9 =	vmul.f32 $6.999999880e-01, v9;
	v6 =	vadd.f32 v8, v6;
	v8 =	vld [tilespmem:s26+$0x30];
	v11 =	vmul.f32 $3.000000120e-01, v11  }
0xe6: {  	v13 =	vld [tilespmem:s26+$0xFFFFFF40];
	[tilespmem:s26+$0x10] =	vst v7;
	v7 =	vmul.f32 $6.999999880e-01, v15  }
0xe7: {  	[tilespmem:s26+$0xFFFFFF10] =	vst v6;
	v15 =	vmul.f32 $6.999999880e-01, v16;
	v6 =	vld [tilespmem:s22+$0x20];
	v9 =	vadd.f32 v11, v9  }
0xe8: {  	v11 =	vld [tilespmem:s22+$0xFFFFFF20];
	v10 =	vmul.f32 $3.000000120e-01, v10  }
0xe9: {  	v16 =	vmul.f32 $6.999999880e-01, v17;
	[tilespmem:s26+$0xA0] =	vst v9;
	v9 =	vld [tilespmem:s26+$0xB0]  }
0xea: {  	v10 =	vadd.f32 v10, v14;
	v8 =	vmul.f32 $6.999999880e-01, v8;
	v14 =	vld [tilespmem:s22+$0xB0]  }
0xeb: {  	v13 =	vmul.f32 $6.999999880e-01, v13;
	v17 =	vld [tilespmem:s26+$0xFFFFFFC0]  }
0xec: {  	[tilespmem:s26+$0xFFFFFFA0] =	vst v10;
	v6 =	vmul.f32 $3.000000120e-01, v6;
	v10 =	vld [tilespmem:s26+$0x40]  }
0xed: {  	v11 =	vmul.f32 $3.000000120e-01, v11;
	v18 =	vld [tilespmem:s22+$0xFFFFFFB0]  }
0xee: {  	v19 =	vld [tilespmem:s26+$0xFFFFFF50];
	v6 =	vadd.f32 v6, v7  }
0xef: {  	v9 =	vmul.f32 $6.999999880e-01, v9;
	v7 =	vadd.f32 v11, v12;
	v11 =	vld [tilespmem:s26+$0xFFFFFFD0];
	v12 =	vmul.f32 $3.000000120e-01, v14  }
0xf0: {  	v14 =	vmul.f32 $6.999999880e-01, v17;
	[tilespmem:s26+$0x20] =	vst v6;
	v17 =	vld [tilespmem:s26+$0x50]  }
0xf1: {  	[tilespmem:s26+$0xFFFFFF20] =	vst v7;
	v20 =	vld [tilespmem:s22+$0x30];
	v10 =	vmul.f32 $6.999999880e-01, v10;
	v7 =	vadd.f32 v12, v9  }
0xf2: {  	v9 =	vld [tilespmem:s22+$0xFFFFFF30];
	v12 =	vmul.f32 $3.000000120e-01, v18  }
0xf3: {  	v6 =	vmul.f32 $6.999999880e-01, v19;
	[tilespmem:s26+$0xB0] =	vst v7;
	v18 =	vld [tilespmem:s26+$0xC0]  }
0xf4: {  	v12 =	vadd.f32 v12, v16;
	v11 =	vmul.f32 $6.999999880e-01, v11;
	v16 =	vld [tilespmem:s22+$0xC0]  }
0xf5: {  	v7 =	vmul.f32 $6.999999880e-01, v17;
	v17 =	vld [tilespmem:s24+$0xFFFFFF60]  }
0xf6: {  	[tilespmem:s26+$0xFFFFFFB0] =	vst v12;
	v12 =	vmul.f32 $3.000000120e-01, v20;
	v19 =	vld [tilespmem:s24+$0xFFFFFFE0]  }
0xf7: {  	v9 =	vmul.f32 $3.000000120e-01, v9;
	v20 =	vld [tilespmem:s22+$0xFFFFFFC0]  }
0xf8: {  	v8 =	vadd.f32 v12, v8;
	v12 =	vld [tilespmem:s24+$0x60]  }
0xf9: {  	v18 =	vmul.f32 $6.999999880e-01, v18;
	v9 =	vadd.f32 v9, v15;
	v15 =	vld [tilespmem:s26+$0xFFFFFF60];
	v16 =	vmul.f32 $3.000000120e-01, v16  }
0xfa: {  	v21 =	vld [tilespmem:s26+$0xFFFFFFE0];
	[tilespmem:s26+$0x30] =	vst v8;
	v8 =	vmul.f32 $3.000000120e-01, v17  }
0xfb: {  	[tilespmem:s26+$0xFFFFFF30] =	vst v9;
	v9 =	vld [tilespmem:s22+$0x40];
	v16 =	vadd.f32 v16, v18;
	v17 =	vmul.f32 $3.000000120e-01, v19  }
0xfc: {  	v18 =	vld [tilespmem:s22+$0xFFFFFF40];
	v19 =	vmul.f32 $3.000000120e-01, v20;
	v8 =	vadd.f32 v8, v2  }
0xfd: {  	[tilespmem:s26+$0xC0] =	vst v16;
	v16 =	vld [tilespmem:s26+$0xD0];
	v17 =	vadd.f32 v17, v1;
	v12 =	vmul.f32 $3.000000120e-01, v12  }
0xfe: {  	v2 =	vmul.f32 $6.999999880e-01, v15;
	v14 =	vadd.f32 v19, v14;
	v15 =	vld [tilespmem:s22+$0xD0];
	[tilespmem:s19+$0xFFFFFF60] =	vst v8  }
0xff: {  	v1 =	vmul.f32 $6.999999880e-01, v21;
	v8 =	vld [tilespmem:s26+$0x60];
	[tilespmem:s19+$0xFFFFFFE0] =	vst v17;
	v3 =	vadd.f32 v12, v3  }
0x100: {  	[tilespmem:s26+$0xFFFFFFC0] =	vst v14;
	v9 =	vmul.f32 $3.000000120e-01, v9;
	v12 =	vld [tilespmem:s24+$0xFFFFFF70]  }
0x101: {  	v14 =	vmul.f32 $3.000000120e-01, v18;
	v17 =	vld [tilespmem:s22+$0xFFFFFFD0];
	[tilespmem:s19+$0x60] =	vst v3  }
0x102: {  	v3 =	vadd.f32 v9, v10;
	v9 =	vld [tilespmem:s24+$0xFFFFFFF0]  }
0x103: {  	v10 =	vadd.f32 v14, v13;
	v13 =	vmul.f32 $6.999999880e-01, v16;
	v14 =	vmul.f32 $3.000000120e-01, v15;
	v15 =	vld [tilespmem:s24+$0x70];
	s24 =	smov.u32 s22  }
0x104: {  	v16 =	vld [tilespmem:s26+$0xFFFFFF70];
	[tilespmem:s26+$0x40] =	vst v3;
	v3 =	vmul.f32 $6.999999880e-01, v8  }
0x105: {  	[tilespmem:s26+$0xFFFFFF40] =	vst v10;
	v18 =	vld [tilespmem:s22+$0x50];
	v8 =	vadd.f32 v14, v13;
	v13 =	vmul.f32 $3.000000120e-01, v12  }
.Ltmp2:
0x106: {  	v12 =	vld [tilespmem:s22+$0xFFFFFF50];
	v14 =	vmul.f32 $3.000000120e-01, v17;
	(pc) =	sbr.rel @p1 .LBB2_2-.Ltmp2, $4  }
0x107: {  	[tilespmem:s26+$0xD0] =	vst v8;
	v10 =	vld [tilespmem:s26+$0xE0];
	v13 =	vadd.f32 v13, v0;
	v9 =	vmul.f32 $3.000000120e-01, v9  }
0x108: {  	v14 =	vadd.f32 v14, v11;
	v11 =	vld [tilespmem:s22+$0xE0];
	v15 =	vmul.f32 $3.000000120e-01, v15  }
0x109: {  	v0 =	vmul.f32 $6.999999880e-01, v16;
	v8 =	vld [tilespmem:s26+$0xFFFFFFF0];
	[tilespmem:s19+$0xFFFFFF70] =	vst v13;
	v5 =	vadd.f32 v9, v5  }
0x10a: {  	s26 =	sadd.s32 $0x200, s26;
	[tilespmem:s20+$0xFFFFFFD0] =	vst v14;
	v13 =	vmul.f32 $3.000000120e-01, v18;
	v9 =	vld [tilespmem:s20+$0x70];
	v4 =	vadd.f32 v15, v4  }
0x10b: {  	v12 =	vmul.f32 $3.000000120e-01, v12;
	_ =	sdelay $0x1  }
0x10c: {  	v6 =	vadd.f32 v12, v6;
	_ =	sdelay $0x1  }
0x10d: {  	v7 =	vadd.f32 v13, v7;
	[tilespmem:s20+$0xFFFFFF50] =	vst v6  }
0x10e: {  	v6 =	vld [tilespmem:s24+$0xFFFFFF60]  }
0x10f: {  	[tilespmem:s20+$0x50] =	vst v7;
	v7 =	vld [tilespmem:s24+$0xFFFFFFE0]  }
0x110: {  	v12 =	vld [tilespmem:s24+$0x60];
	_ =	sdelay $0x1  }
0x111: {  	v10 =	vmul.f32 $6.999999880e-01, v10;
	v11 =	vmul.f32 $3.000000120e-01, v11  }
0x112: {  	v6 =	vmul.f32 $3.000000120e-01, v6  }
0x113: {  	v10 =	vadd.f32 v11, v10;
	v7 =	vmul.f32 $3.000000120e-01, v7  }
0x114: {  	v2 =	vadd.f32 v6, v2;
	v6 =	vmul.f32 $3.000000120e-01, v12  }
0x115: {  	[tilespmem:s20+$0xE0] =	vst v10;
	v10 =	vld [tilespmem:s20+$0xF0];
	v1 =	vadd.f32 v7, v1  }
0x116: {  	v7 =	vld [tilespmem:s24+$0xF0];
	[tilespmem:s20+$0xFFFFFF60] =	vst v2;
	v2 =	vadd.f32 v6, v3  }
0x117: {  	[tilespmem:s20+$0xFFFFFFE0] =	vst v1;
	v1 =	vld [tilespmem:s24+$0xFFFFFF70]  }
0x118: {  	[tilespmem:s20+$0x60] =	vst v2;
	v2 =	vld [tilespmem:s24+$0xFFFFFFF0]  }
0x119: {  	v3 =	vld [tilespmem:s24+$0x70];
	_ =	sdelay $0x1  }
0x11a: {  	v6 =	vmul.f32 $6.999999880e-01, v10;
	v7 =	vmul.f32 $3.000000120e-01, v7  }
0x11b: {  	v1 =	vmul.f32 $3.000000120e-01, v1  }
0x11c: {  	[tilespmem:s19+$0xFFFFFFF0] =	vst v5;
	v5 =	vmul.f32 $6.999999880e-01, v8;
	v6 =	vadd.f32 v7, v6;
	v2 =	vmul.f32 $3.000000120e-01, v2  }
0x11d: {  	[tilespmem:s19+$0x70] =	vst v4;
	v4 =	vmul.f32 $6.999999880e-01, v9;
	v0 =	vadd.f32 v1, v0;
	v1 =	vmul.f32 $3.000000120e-01, v3  }
0x11e: {  	[tilespmem:s20+$0xF0] =	vst v6;
	v2 =	vadd.f32 v2, v5  }
0x11f: {  	[tilespmem:s20+$0xFFFFFF70] =	vst v0;
	v0 =	vadd.f32 v1, v4  }
0x120: {  	[tilespmem:s20+$0xFFFFFFF0] =	vst v2  }
0x121: {  	s22 =	simm.s32 $0x180;
	[tilespmem:s20+$0x70] =	vst v0  }
0x122: {  	[hbm4b:s9+s2] =	stream.linear.scatter [tilespmem:s22], [sflag:$0x6], $0xC00, $0x38;
	[tilespmem:$0x14180] =	vst v63  }
0x123: {  	_ =	swait.ge [sflag:s23], $0x4000  }
0x124: {  	[sflag:s23] =	ssyncset.done $0x0  }
0x125: {  	[sflag:s23] =	ssyncadd.s32 $0xFFFFC000  }
0x126: {  	_ =	swait.ge [sflag:s23], $0x4000  }
0x127: {  	s25 =	simm.s32 $0x118;
	[sflag:s23] =	ssyncset.done $0x0  }
0x128: {  	s24 =	simm.s32 $0x20;
	s22 =	simm.s32 $0x12D80;
	[sflag:s23] =	ssyncadd.s32 $0xFFFFC000  }
0x129: {  	[tilespmem:s22], [sflag:$0x4] =	stream.indirect.gather [hbm4b:s0+s24], $0x80, s25, s24, $0xb8;
	[tilespmem:$0x14180] =	vst v63  }
0x12a: {  	s19 =	simm.s32 $0xF70  }
0x12b: {  	[tilespmem:s28], [sflag:$0x4] =	stream.linear.gather [hbm4b:s10+s2], $0x1000, $0x38;
	[tilespmem:$0x14180] =	vst v63  }
0x12c: {  	s26 =	simm.s32 $0xAF70;
	v0 =	vld [tilespmem:s19+$0xFFFFFF90]  }
0x12d: {  	v1 =	vld [tilespmem:s26+$0xFFFFFF90];
	_ =	sdelay $0x2  }
0x12e: {  	v2 =	vld [tilespmem:s19+$0xFFFFFE90]  }
0x12f: {  	v3 =	vld [tilespmem:s26+$0xFFFFFE90]  }
0x130: {  	v0 =	vmul.f32 $6.999999880e-01, v0;
	v1 =	vmul.f32 $3.000000120e-01, v1  }
0x131: {  	v4 =	vld [tilespmem:s26+$0xFFFFFE10]  }
0x132: {  	v5 =	vld [tilespmem:s19+$0xFFFFFF10];
	v0 =	vadd.f32 v1, v0  }
0x133: {  	v1 =	vld [tilespmem:s26+$0xFFFFFF10]  }
0x134: {  	v6 =	vld [tilespmem:s19+$0xFFFFFE10];
	[tilespmem:s19+$0xFFFFFF90] =	vst v0;
	v0 =	vmul.f32 $6.999999880e-01, v2;
	v2 =	vmul.f32 $3.000000120e-01, v3  }
0x135: {  	v3 =	vld [tilespmem:s19+$0xFFFFFFA0]  }
0x136: {  	v7 =	vld [tilespmem:s26+$0xFFFFFFA0];
	v0 =	vadd.f32 v2, v0;
	_ =	sdelay $0x1  }
0x137: {  	v2 =	vmul.f32 $6.999999880e-01, v5;
	[tilespmem:s19+$0xFFFFFE90] =	vst v0;
	v0 =	vmul.f32 $3.000000120e-01, v1  }
0x138: {  	v6 =	vmul.f32 $6.999999880e-01, v6;
	v5 =	vld [tilespmem:s19+$0xFFFFFE20];
	v1 =	vmul.f32 $3.000000120e-01, v4  }
0x139: {  	v4 =	vld [tilespmem:s19+$0xFFFFFEA0];
	v0 =	vadd.f32 v0, v2  }
0x13a: {  	v8 =	vld [tilespmem:s26+$0xFFFFFEA0];
	v2 =	vmul.f32 $6.999999880e-01, v3;
	v3 =	vmul.f32 $3.000000120e-01, v7;
	v1 =	vadd.f32 v1, v6  }
0x13b: {  	v7 =	vld [tilespmem:s19+$0xFFFFFF20];
	[tilespmem:s19+$0xFFFFFF10] =	vst v0  }
0x13c: {  	v0 =	vadd.f32 v3, v2;
	[tilespmem:s19+$0xFFFFFE10] =	vst v1;
	v1 =	vld [tilespmem:s26+$0xFFFFFF20]  }
0x13d: {  	v2 =	vld [tilespmem:s26+$0xFFFFFE20]  }
0x13e: {  	[tilespmem:s19+$0xFFFFFFA0] =	vst v0;
	v0 =	vld [tilespmem:s19+$0xFFFFFFB0]  }
0x13f: {  	v3 =	vmul.f32 $6.999999880e-01, v4;
	v4 =	vmul.f32 $3.000000120e-01, v8;
	v8 =	vld [tilespmem:s26+$0xFFFFFFB0]  }
0x140: {  	v9 =	vld [tilespmem:s19+$0xFFFFFEB0]  }
0x141: {  	v10 =	vld [tilespmem:s19+$0xFFFFFE40];
	v3 =	vadd.f32 v4, v3;
	v4 =	vmul.f32 $6.999999880e-01, v7;
	v1 =	vmul.f32 $3.000000120e-01, v1  }
0x142: {  	v11 =	vld [tilespmem:s19+$0xFFFFFEC0];
	v5 =	vmul.f32 $6.999999880e-01, v5;
	v2 =	vmul.f32 $3.000000120e-01, v2  }
0x143: {  	v6 =	vld [tilespmem:s19+$0xFFFFFE30];
	[tilespmem:s19+$0xFFFFFEA0] =	vst v3;
	v1 =	vadd.f32 v1, v4  }
0x144: {  	v3 =	vld [tilespmem:s26+$0xFFFFFEB0];
	v0 =	vmul.f32 $6.999999880e-01, v0;
	v4 =	vmul.f32 $3.000000120e-01, v8;
	v2 =	vadd.f32 v2, v5  }
0x145: {  	v7 =	vld [tilespmem:s19+$0xFFFFFF30];
	[tilespmem:s19+$0xFFFFFF20] =	vst v1  }
0x146: {  	v0 =	vadd.f32 v4, v0;
	[tilespmem:s19+$0xFFFFFE20] =	vst v2;
	v1 =	vld [tilespmem:s26+$0xFFFFFF30]  }
0x147: {  	v2 =	vld [tilespmem:s26+$0xFFFFFE30]  }
0x148: {  	[tilespmem:s19+$0xFFFFFFB0] =	vst v0;
	v0 =	vld [tilespmem:s19+$0xFFFFFFC0]  }
0x149: {  	v9 =	vmul.f32 $6.999999880e-01, v9;
	v3 =	vmul.f32 $3.000000120e-01, v3;
	v4 =	vld [tilespmem:s26+$0xFFFFFFC0]  }
0x14a: {  	s22 =	simm.s32 $0xB170;
	v13 =	vld [tilespmem:s19+$0xFFFFFFF0]  }
0x14b: {  	v14 =	vld [tilespmem:s22+$0xFFFFFE90];
	v7 =	vmul.f32 $6.999999880e-01, v7;
	v3 =	vadd.f32 v3, v9;
	v1 =	vmul.f32 $3.000000120e-01, v1  }
0x14c: {  	s20 =	simm.s32 $0x1170;
	v15 =	vld [tilespmem:s22+$0xFFFFFE10];
	v6 =	vmul.f32 $6.999999880e-01, v6;
	v2 =	vmul.f32 $3.000000120e-01, v2  }
0x14d: {  	v16 =	vld [tilespmem:s20+$0xFFFFFF10];
	[tilespmem:s19+$0xFFFFFEB0] =	vst v3;
	v1 =	vadd.f32 v1, v7  }
0x14e: {  	v0 =	vmul.f32 $6.999999880e-01, v0;
	v12 =	vld [tilespmem:s26+$0xFFFFFEC0];
	v7 =	vmul.f32 $3.000000120e-01, v4;
	v2 =	vadd.f32 v2, v6  }
0x14f: {  	v5 =	vld [tilespmem:s19+$0xFFFFFF40];
	[tilespmem:s19+$0xFFFFFF30] =	vst v1  }
0x150: {  	v0 =	vadd.f32 v7, v0;
	[tilespmem:s19+$0xFFFFFE30] =	vst v2;
	v1 =	vld [tilespmem:s26+$0xFFFFFF40]  }
0x151: {  	v2 =	vld [tilespmem:s26+$0xFFFFFE40]  }
0x152: {  	[tilespmem:s19+$0xFFFFFFC0] =	vst v0;
	v0 =	vld [tilespmem:s19+$0xFFFFFFD0]  }
0x153: {  	v6 =	vmul.f32 $6.999999880e-01, v11;
	v7 =	vmul.f32 $3.000000120e-01, v12;
	v11 =	vld [tilespmem:s26+$0xFFFFFFD0]  }
0x154: {  	v17 =	vld [tilespmem:s20+$0xFFFFFE10]  }
0x155: {  	v20 =	vld [tilespmem:s20+$0xFFFFFE20];
	v6 =	vadd.f32 v7, v6;
	v7 =	vmul.f32 $6.999999880e-01, v5;
	v1 =	vmul.f32 $3.000000120e-01, v1  }
0x156: {  	v42 =	vld [tilespmem:s20+$0xFFFFFF20];
	v10 =	vmul.f32 $6.999999880e-01, v10;
	v2 =	vmul.f32 $3.000000120e-01, v2  }
0x157: {  	v9 =	vld [tilespmem:s19+$0xFFFFFED0];
	v1 =	vadd.f32 v1, v7  }
0x158: {  	v8 =	vld [tilespmem:s19+$0xFFFFFE50];
	v7 =	vmul.f32 $6.999999880e-01, v0;
	v11 =	vmul.f32 $3.000000120e-01, v11;
	v2 =	vadd.f32 v2, v10  }
0x159: {  	v3 =	vld [tilespmem:s19+$0xFFFFFF50];
	[tilespmem:s19+$0xFFFFFF40] =	vst v1  }
0x15a: {  	v1 =	vadd.f32 v11, v7;
	[tilespmem:s19+$0xFFFFFE40] =	vst v2;
	v7 =	vld [tilespmem:s26+$0xFFFFFF50]  }
0x15b: {  	v10 =	vld [tilespmem:s26+$0xFFFFFE50]  }
0x15c: {  	[tilespmem:s19+$0xFFFFFFD0] =	vst v1;
	v1 =	vmul.f32 $6.999999880e-01, v9;
	v9 =	vld [tilespmem:s19+$0xFFFFFFE0]  }
0x15d: {  	v11 =	vld [tilespmem:s26+$0xFFFFFFE0]  }
0x15e: {  	v43 =	vld [tilespmem:s20+$0xFFFFFE30]  }
0x15f: {  	v22 =	vld [tilespmem:s19+$0xFFFFFF80]  }
0x160: {  	v23 =	vld [tilespmem:s20+$0xFFFFFEB0];
	v3 =	vmul.f32 $6.999999880e-01, v3;
	v7 =	vmul.f32 $3.000000120e-01, v7  }
0x161: {  	v47 =	vld [tilespmem:s20+$0xFFFFFF30];
	v8 =	vmul.f32 $6.999999880e-01, v8;
	v10 =	vmul.f32 $3.000000120e-01, v10  }
0x162: {  	v24 =	vld [tilespmem:s20+$0xFFFFFE40];
	v9 =	vmul.f32 $6.999999880e-01, v9;
	v7 =	vadd.f32 v7, v3;
	v11 =	vmul.f32 $3.000000120e-01, v11  }
0x163: {  	v8 =	vadd.f32 v10, v8;
	v10 =	vld [tilespmem:s20+$0xFFFFFF90]  }
0x164: {  	[tilespmem:s19+$0xFFFFFF50] =	vst v7;
	v7 =	vadd.f32 v11, v9;
	v9 =	vld [tilespmem:s22+$0xFFFFFF90]  }
0x165: {  	v49 =	vld [tilespmem:s20+$0xFFFFFF40]  }
0x166: {  	v50 =	vld [tilespmem:s20+$0xFFFFFE50]  }
0x167: {  	v51 =	vld [tilespmem:s19+$0x0]  }
0x168: {  	[tilespmem:s19+$0xFFFFFFE0] =	vst v7;
	v7 =	vld [tilespmem:s20+$0xFFFFFE90]  }
0x169: {  	v25 =	vld [tilespmem:s20+$0xFFFFFEC0];
	v10 =	vmul.f32 $6.999999880e-01, v10;
	v9 =	vmul.f32 $3.000000120e-01, v9  }
0x16a: {  	v54 =	vld [tilespmem:s20+$0xFFFFFED0]  }
0x16b: {  	v59 =	vld [tilespmem:s20+$0xFFFFFFE0];
	v9 =	vadd.f32 v9, v10  }
0x16c: {  	v10 =	vld [tilespmem:s22+$0xFFFFFF10]  }
0x16d: {  	v60 =	vld [tilespmem:s20+$0xFFFFFEF0];
	v7 =	vmul.f32 $6.999999880e-01, v7;
	[tilespmem:s20+$0xFFFFFF90] =	vst v9;
	v9 =	vmul.f32 $3.000000120e-01, v14  }
0x16e: {  	v14 =	vld [tilespmem:s20+$0xFFFFFFA0]  }
0x16f: {  	v18 =	vld [tilespmem:s22+$0xFFFFFFA0];
	v9 =	vadd.f32 v9, v7  }
0x170: {  	v63 =	vld [tilespmem:s20+$0xFFFFFE80]  }
0x171: {  	v16 =	vmul.f32 $6.999999880e-01, v16;
	v4 =	vld [tilespmem:s19+$0xFFFFFE60];
	[tilespmem:s20+$0xFFFFFE90] =	vst v9;
	v9 =	vmul.f32 $3.000000120e-01, v10  }
0x172: {  	v17 =	vmul.f32 $6.999999880e-01, v17;
	v5 =	vld [tilespmem:s19+$0xFFFFFEE0];
	v10 =	vmul.f32 $3.000000120e-01, v15  }
0x173: {  	v15 =	vld [tilespmem:s20+$0xFFFFFEA0];
	v9 =	vadd.f32 v9, v16  }
0x174: {  	[tilespmem:s19+$0xFFFFFEC0] =	vst v6;
	v21 =	vld [tilespmem:s22+$0xFFFFFEA0];
	v14 =	vmul.f32 $6.999999880e-01, v14;
	v41 =	vmul.f32 $3.000000120e-01, v18;
	v10 =	vadd.f32 v10, v17  }
0x175: {  	v12 =	vld [tilespmem:s26+$0xFFFFFED0];
	[tilespmem:s20+$0xFFFFFF10] =	vst v9  }
0x176: {  	v9 =	vadd.f32 v41, v14;
	[tilespmem:s20+$0xFFFFFE10] =	vst v10;
	v10 =	vld [tilespmem:s22+$0xFFFFFF20]  }
0x177: {  	v14 =	vld [tilespmem:s22+$0xFFFFFE20]  }
0x178: {  	[tilespmem:s20+$0xFFFFFFA0] =	vst v9;
	v9 =	vld [tilespmem:s20+$0xFFFFFFB0]  }
0x179: {  	v15 =	vmul.f32 $6.999999880e-01, v15;
	v44 =	vmul.f32 $3.000000120e-01, v21;
	v45 =	vld [tilespmem:s22+$0xFFFFFFB0]  }
0x17a: {  	v46 =	vmul.f32 $6.999999880e-01, v42;
	v19 =	vld [tilespmem:s26+$0xFFFFFFF0]  }
0x17b: {  	v6 =	vld [tilespmem:s19+$0xFFFFFF60];
	v2 =	vmul.f32 $3.000000120e-01, v12;
	v15 =	vadd.f32 v44, v15;
	v10 =	vmul.f32 $3.000000120e-01, v10  }
0x17c: {  	v20 =	vmul.f32 $6.999999880e-01, v20;
	v0 =	vld [tilespmem:s19+$0xFFFFFE70];
	v14 =	vmul.f32 $3.000000120e-01, v14  }
0x17d: {  	v12 =	vadd.f32 v2, v1;
	v2 =	vld [tilespmem:s19+$0xFFFFFEF0];
	[tilespmem:s20+$0xFFFFFEA0] =	vst v15;
	v10 =	vadd.f32 v10, v46  }
0x17e: {  	v15 =	vld [tilespmem:s22+$0xFFFFFEB0];
	v9 =	vmul.f32 $6.999999880e-01, v9;
	v48 =	vmul.f32 $3.000000120e-01, v45;
	v14 =	vadd.f32 v14, v20  }
0x17f: {  	v13 =	vmul.f32 $6.999999880e-01, v13;
	v1 =	vld [tilespmem:s19+$0xFFFFFF70];
	v19 =	vmul.f32 $3.000000120e-01, v19;
	[tilespmem:s20+$0xFFFFFF20] =	vst v10  }
0x180: {  	v9 =	vadd.f32 v48, v9;
	[tilespmem:s20+$0xFFFFFE20] =	vst v14;
	v10 =	vld [tilespmem:s22+$0xFFFFFF30]  }
0x181: {  	[tilespmem:s19+$0xFFFFFED0] =	vst v12;
	v13 =	vadd.f32 v19, v13;
	v14 =	vld [tilespmem:s22+$0xFFFFFE30]  }
0x182: {  	[tilespmem:s20+$0xFFFFFFB0] =	vst v9;
	v9 =	vld [tilespmem:s20+$0xFFFFFFC0]  }
0x183: {  	v52 =	vmul.f32 $6.999999880e-01, v23;
	[tilespmem:s19+$0xFFFFFFF0] =	vst v13;
	v15 =	vmul.f32 $3.000000120e-01, v15;
	v13 =	vld [tilespmem:s22+$0xFFFFFFC0]  }
0x184: {  	v12 =	vld [tilespmem:s26+$0xFFFFFEE0]  }
0x185: {  	v3 =	vld [tilespmem:s19+$0xFFFFFE80];
	[tilespmem:s19+$0xFFFFFE50] =	vst v8;
	v15 =	vadd.f32 v15, v52  }
0x186: {  	v11 =	vld [tilespmem:s26+$0xFFFFFE60];
	v18 =	vmul.f32 $6.999999880e-01, v47;
	v10 =	vmul.f32 $3.000000120e-01, v10  }
0x187: {  	v8 =	vld [tilespmem:s26+$0xFFFFFF60];
	v17 =	vmul.f32 $6.999999880e-01, v43;
	v14 =	vmul.f32 $3.000000120e-01, v14;
	[tilespmem:s20+$0xFFFFFEB0] =	vst v15  }
0x188: {  	v9 =	vmul.f32 $6.999999880e-01, v9;
	v55 =	vld [tilespmem:s22+$0xFFFFFEC0];
	v10 =	vadd.f32 v10, v18;
	v13 =	vmul.f32 $3.000000120e-01, v13  }
0x189: {  	v7 =	vld [tilespmem:s19+$0xFFFFFF00];
	v14 =	vadd.f32 v14, v17  }
0x18a: {  	v53 =	vld [tilespmem:s26+$0x0];
	[tilespmem:s20+$0xFFFFFF30] =	vst v10;
	v9 =	vadd.f32 v13, v9  }
0x18b: {  	v4 =	vmul.f32 $6.999999880e-01, v4;
	v11 =	vmul.f32 $3.000000120e-01, v11;
	[tilespmem:s20+$0xFFFFFE30] =	vst v14;
	v13 =	vld [tilespmem:s22+$0xFFFFFF40]  }
0x18c: {  	v5 =	vmul.f32 $6.999999880e-01, v5;
	v14 =	vld [tilespmem:s22+$0xFFFFFE40];
	[tilespmem:s20+$0xFFFFFFC0] =	vst v9;
	v9 =	vmul.f32 $3.000000120e-01, v12  }
0x18d: {  	v4 =	vadd.f32 v11, v4;
	v11 =	vmul.f32 $6.999999880e-01, v25;
	v12 =	vld [tilespmem:s20+$0xFFFFFFD0];
	v17 =	vmul.f32 $3.000000120e-01, v55  }
0x18e: {  	v6 =	vmul.f32 $6.999999880e-01, v6;
	v8 =	vmul.f32 $3.000000120e-01, v8;
	v56 =	vld [tilespmem:s22+$0xFFFFFFD0];
	v5 =	vadd.f32 v9, v5  }
0x18f: {  	[tilespmem:s19+$0xFFFFFE60] =	vst v4;
	v15 =	vld [tilespmem:s20+$0xFFFFFF50];
	v4 =	vadd.f32 v17, v11  }
0x190: {  	v10 =	vld [tilespmem:s20+$0xFFFFFE60];
	[tilespmem:s19+$0xFFFFFEE0] =	vst v5;
	v5 =	vadd.f32 v8, v6;
	v6 =	vmul.f32 $6.999999880e-01, v49;
	v13 =	vmul.f32 $3.000000120e-01, v13  }
0x191: {  	v8 =	vld [tilespmem:s26+$0xFFFFFE70];
	[tilespmem:s20+$0xFFFFFEC0] =	vst v4  }
0x192: {  	v57 =	vmul.f32 $6.999999880e-01, v24;
	v14 =	vmul.f32 $3.000000120e-01, v14;
	[tilespmem:s19+$0xFFFFFF60] =	vst v5;
	v5 =	vadd.f32 v13, v6;
	v6 =	vld [tilespmem:s22+$0xFFFFFED0]  }
0x193: {  	v4 =	vld [tilespmem:s26+$0xFFFFFEF0];
	v12 =	vmul.f32 $6.999999880e-01, v12;
	v13 =	vmul.f32 $3.000000120e-01, v56  }
0x194: {  	v14 =	vadd.f32 v14, v57;
	v58 =	vld [tilespmem:s26+$0xFFFFFF70]  }
0x195: {  	v9 =	vld [tilespmem:s20+$0xFFFFFEE0];
	[tilespmem:s20+$0xFFFFFF40] =	vst v5;
	v12 =	vadd.f32 v13, v12  }
0x196: {  	v0 =	vmul.f32 $6.999999880e-01, v0;
	[tilespmem:s20+$0xFFFFFE40] =	vst v14;
	v13 =	vld [tilespmem:s22+$0xFFFFFF50];
	v8 =	vmul.f32 $3.000000120e-01, v8  }
0x197: {  	v14 =	vld [tilespmem:s22+$0xFFFFFE50];
	[tilespmem:s20+$0xFFFFFFD0] =	vst v12;
	v12 =	vmul.f32 $6.999999880e-01, v54;
	v6 =	vmul.f32 $3.000000120e-01, v6  }
0x198: {  	v2 =	vmul.f32 $6.999999880e-01, v2;
	v11 =	vld [tilespmem:s20+$0xFFFFFF60];
	v4 =	vmul.f32 $3.000000120e-01, v4;
	v0 =	vadd.f32 v8, v0  }
0x199: {  	v1 =	vmul.f32 $6.999999880e-01, v1;
	v8 =	vld [tilespmem:s22+$0xFFFFFFE0];
	v6 =	vadd.f32 v6, v12;
	v12 =	vmul.f32 $3.000000120e-01, v58  }
0x19a: {  	v61 =	vmul.f32 $6.999999880e-01, v7;
	v5 =	vld [tilespmem:s20+$0xFFFFFE70];
	v2 =	vadd.f32 v4, v2;
	[tilespmem:s19+$0xFFFFFE70] =	vst v0  }
0x19b: {  	v4 =	vmul.f32 $6.999999880e-01, v15;
	v7 =	vld [tilespmem:s26+$0xFFFFFE80];
	v1 =	vadd.f32 v12, v1;
	[tilespmem:s20+$0xFFFFFED0] =	vst v6;
	v6 =	vmul.f32 $3.000000120e-01, v13  }
0x19c: {  	[tilespmem:s19+$0xFFFFFEF0] =	vst v2;
	v2 =	vmul.f32 $3.000000120e-01, v14;
	v12 =	vmul.f32 $6.999999880e-01, v50;
	v13 =	vld [tilespmem:s22+$0xFFFFFEE0]  }
0x19d: {  	v3 =	vmul.f32 $6.999999880e-01, v3;
	v16 =	vmul.f32 $6.999999880e-01, v51;
	[tilespmem:s19+$0xFFFFFF70] =	vst v1;
	v1 =	vadd.f32 v6, v4;
	v4 =	vld [tilespmem:s26+$0xFFFFFF00]  }
0x19e: {  	v14 =	vmul.f32 $6.999999880e-01, v59;
	v8 =	vmul.f32 $3.000000120e-01, v8;
	v2 =	vadd.f32 v2, v12;
	v62 =	vld [tilespmem:s26+$0xFFFFFF80]  }
0x19f: {  	v0 =	vld [tilespmem:s20+$0xFFFFFF70];
	v12 =	vmul.f32 $3.000000120e-01, v53;
	v6 =	vmul.f32 $6.999999880e-01, v10;
	[tilespmem:s20+$0xFFFFFF50] =	vst v1  }
0x1a0: {  	v1 =	vadd.f32 v8, v14;
	v8 =	vmul.f32 $6.999999880e-01, v9;
	[tilespmem:s20+$0xFFFFFE50] =	vst v2;
	v14 =	vmul.f32 $3.000000120e-01, v7;
	v9 =	vld [tilespmem:s22+$0xFFFFFF60]  }
0x1a1: {  	v16 =	vadd.f32 v12, v16;
	v7 =	vmul.f32 $6.999999880e-01, v11;
	v12 =	vld [tilespmem:s22+$0xFFFFFE60];
	v11 =	vmul.f32 $3.000000120e-01, v13  }
0x1a2: {  	v10 =	vld [tilespmem:s20+$0xFFFFFFF0];
	v2 =	vmul.f32 $6.999999880e-01, v5;
	[tilespmem:s20+$0xFFFFFFE0] =	vst v1;
	v5 =	vadd.f32 v14, v3;
	v4 =	vmul.f32 $3.000000120e-01, v4  }
0x1a3: {  	s25 =	simm.s32 $0x1C;
	v15 =	vmul.f32 $6.999999880e-01, v22;
	[tilespmem:s19+$0x0] =	vst v16;
	v13 =	vadd.f32 v11, v8;
	v11 =	vld [tilespmem:s22+$0xFFFFFFF0];
	v14 =	vmul.f32 $3.000000120e-01, v62  }
0x1a4: {  	s24 =	simm.s32 $0xB170;
	s26 =	simm.s32 $0x1370;
	v1 =	vmul.f32 $6.999999880e-01, v60;
	v3 =	vmul.f32 $6.999999880e-01, v0;
	v8 =	vld [tilespmem:s20+$0xFFFFFF00];
	[tilespmem:s19+$0xFFFFFE80] =	vst v5;
	v5 =	vadd.f32 v4, v61  }
0x1a5: {  	v0 =	vmul.f32 $6.999999880e-01, v63;
	[tilespmem:s20+$0xFFFFFEE0] =	vst v13;
	v13 =	vmul.f32 $3.000000120e-01, v9;
	v9 =	vld [tilespmem:s20+$0xFFFFFF80];
	v4 =	vadd.f32 v14, v15  }
.LBB2_4:
0x1a6: {  	v14 =	vld [tilespmem:s26+$0xFFFFFF90];
	v12 =	vmul.f32 $3.000000120e-01, v12;
	s22 =	sadd.s32 $0x200, s22;
	[tilespmem:s19+$0xFFFFFF00] =	vst v5  }
0x1a7: {  	s25 =	sadd.s32 $0x4, s25;
	v15 =	vld [tilespmem:s22+$0xFFFFFF90];
	v7 =	vadd.f32 v13, v7;
	[tilespmem:s19+$0xFFFFFF80] =	vst v4;
	s19 =	smov.u32 s20;
	s20 =	smov.u32 s26  }
0x1a8: {  	p1 =	slt.u32 s25, $0x94;
	v13 =	vld [tilespmem:s22+$0xFFFFFE10];
	v4 =	vadd.f32 v12, v6;
	v6 =	vmul.f32 $6.999999880e-01, v10;
	v10 =	vmul.f32 $3.000000120e-01, v11  }
0x1a9: {  	v11 =	vld [tilespmem:s26+$0xFFFFFE90];
	v5 =	vmul.f32 $6.999999880e-01, v8;
	[tilespmem:s19+$0xFFFFFF60] =	vst v7  }
0x1aa: {  	v7 =	vld [tilespmem:s22+$0xFFFFFE90];
	[tilespmem:s19+$0xFFFFFE60] =	vst v4;
	v4 =	vmul.f32 $6.999999880e-01, v9;
	v6 =	vadd.f32 v10, v6  }
0x1ab: {  	v8 =	vld [tilespmem:s26+$0xFFFFFF10]  }
0x1ac: {  	v9 =	vmul.f32 $6.999999880e-01, v14;
	v10 =	vmul.f32 $3.000000120e-01, v15;
	[tilespmem:s19+$0xFFFFFFF0] =	vst v6;
	v6 =	vld [tilespmem:s19+$0x0]  }
0x1ad: {  	v12 =	vmul.f32 $3.000000120e-01, v13;
	v13 =	vld [tilespmem:s24+$0x0]  }
0x1ae: {  	v11 =	vmul.f32 $6.999999880e-01, v11;
	v14 =	vld [tilespmem:s22+$0xFFFFFF10];
	v9 =	vadd.f32 v10, v9  }
0x1af: {  	v10 =	vld [tilespmem:s26+$0xFFFFFE10];
	v7 =	vmul.f32 $3.000000120e-01, v7  }
0x1b0: {  	v8 =	vmul.f32 $6.999999880e-01, v8;
	[tilespmem:s26+$0xFFFFFF90] =	vst v9;
	v9 =	vld [tilespmem:s26+$0xFFFFFFA0]  }
0x1b1: {  	v7 =	vadd.f32 v7, v11;
	v11 =	vld [tilespmem:s22+$0xFFFFFFA0]  }
0x1b2: {  	v6 =	vmul.f32 $6.999999880e-01, v6;
	v15 =	vld [tilespmem:s26+$0xFFFFFE20];
	v13 =	vmul.f32 $3.000000120e-01, v13  }
0x1b3: {  	[tilespmem:s26+$0xFFFFFE90] =	vst v7;
	v7 =	vld [tilespmem:s26+$0xFFFFFEA0];
	v14 =	vmul.f32 $3.000000120e-01, v14  }
0x1b4: {  	v10 =	vmul.f32 $6.999999880e-01, v10;
	v16 =	vld [tilespmem:s22+$0xFFFFFEA0];
	v6 =	vadd.f32 v13, v6  }
0x1b5: {  	v8 =	vadd.f32 v14, v8;
	v13 =	vld [tilespmem:s26+$0xFFFFFF20]  }
0x1b6: {  	v9 =	vmul.f32 $6.999999880e-01, v9;
	v10 =	vadd.f32 v12, v10;
	v12 =	vld [tilespmem:s26+$0xFFFFFE30];
	v11 =	vmul.f32 $3.000000120e-01, v11;
	[tilespmem:s19+$0x0] =	vst v6  }
0x1b7: {  	v6 =	vmul.f32 $6.999999880e-01, v15;
	v14 =	vld [tilespmem:s26+$0xFFFFFEB0];
	[tilespmem:s26+$0xFFFFFF10] =	vst v8  }
0x1b8: {  	[tilespmem:s26+$0xFFFFFE10] =	vst v10;
	v7 =	vmul.f32 $6.999999880e-01, v7;
	v8 =	vld [tilespmem:s22+$0xFFFFFF20];
	v9 =	vadd.f32 v11, v9  }
0x1b9: {  	v10 =	vld [tilespmem:s22+$0xFFFFFE20];
	v11 =	vmul.f32 $3.000000120e-01, v16  }
0x1ba: {  	v13 =	vmul.f32 $6.999999880e-01, v13;
	[tilespmem:s26+$0xFFFFFFA0] =	vst v9;
	v9 =	vld [tilespmem:s26+$0xFFFFFFB0]  }
0x1bb: {  	v12 =	vmul.f32 $6.999999880e-01, v12;
	v7 =	vadd.f32 v11, v7;
	v11 =	vld [tilespmem:s22+$0xFFFFFFB0]  }
0x1bc: {  	v14 =	vmul.f32 $6.999999880e-01, v14;
	v15 =	vld [tilespmem:s26+$0xFFFFFF30]  }
0x1bd: {  	v16 =	vld [tilespmem:s26+$0xFFFFFE40];
	[tilespmem:s26+$0xFFFFFEA0] =	vst v7;
	v7 =	vmul.f32 $3.000000120e-01, v8  }
0x1be: {  	v8 =	vmul.f32 $3.000000120e-01, v10;
	v10 =	vld [tilespmem:s22+$0xFFFFFEB0]  }
0x1bf: {  	v17 =	vld [tilespmem:s26+$0xFFFFFEC0];
	v7 =	vadd.f32 v7, v13  }
0x1c0: {  	v9 =	vmul.f32 $6.999999880e-01, v9;
	v6 =	vadd.f32 v8, v6;
	v8 =	vld [tilespmem:s26+$0xFFFFFF40];
	v11 =	vmul.f32 $3.000000120e-01, v11  }
0x1c1: {  	v13 =	vld [tilespmem:s26+$0xFFFFFE50];
	[tilespmem:s26+$0xFFFFFF20] =	vst v7;
	v7 =	vmul.f32 $6.999999880e-01, v15  }
0x1c2: {  	[tilespmem:s26+$0xFFFFFE20] =	vst v6;
	v15 =	vmul.f32 $6.999999880e-01, v16;
	v6 =	vld [tilespmem:s22+$0xFFFFFF30];
	v9 =	vadd.f32 v11, v9  }
0x1c3: {  	v11 =	vld [tilespmem:s22+$0xFFFFFE30];
	v10 =	vmul.f32 $3.000000120e-01, v10  }
0x1c4: {  	v16 =	vmul.f32 $6.999999880e-01, v17;
	[tilespmem:s26+$0xFFFFFFB0] =	vst v9;
	v9 =	vld [tilespmem:s26+$0xFFFFFFC0]  }
0x1c5: {  	v10 =	vadd.f32 v10, v14;
	v8 =	vmul.f32 $6.999999880e-01, v8;
	v14 =	vld [tilespmem:s22+$0xFFFFFFC0]  }
0x1c6: {  	v13 =	vmul.f32 $6.999999880e-01, v13;
	v17 =	vld [tilespmem:s26+$0xFFFFFED0]  }
0x1c7: {  	[tilespmem:s26+$0xFFFFFEB0] =	vst v10;
	v6 =	vmul.f32 $3.000000120e-01, v6;
	v10 =	vld [tilespmem:s26+$0xFFFFFF50]  }
0x1c8: {  	v11 =	vmul.f32 $3.000000120e-01, v11;
	v18 =	vld [tilespmem:s22+$0xFFFFFEC0]  }
0x1c9: {  	v19 =	vld [tilespmem:s26+$0xFFFFFE60];
	v6 =	vadd.f32 v6, v7  }
0x1ca: {  	v9 =	vmul.f32 $6.999999880e-01, v9;
	v7 =	vadd.f32 v11, v12;
	v11 =	vld [tilespmem:s26+$0xFFFFFEE0];
	v12 =	vmul.f32 $3.000000120e-01, v14  }
0x1cb: {  	v14 =	vmul.f32 $6.999999880e-01, v17;
	[tilespmem:s26+$0xFFFFFF30] =	vst v6;
	v17 =	vld [tilespmem:s26+$0xFFFFFF60]  }
0x1cc: {  	[tilespmem:s26+$0xFFFFFE30] =	vst v7;
	v20 =	vld [tilespmem:s22+$0xFFFFFF40];
	v10 =	vmul.f32 $6.999999880e-01, v10;
	v7 =	vadd.f32 v12, v9  }
0x1cd: {  	v9 =	vld [tilespmem:s22+$0xFFFFFE40];
	v12 =	vmul.f32 $3.000000120e-01, v18  }
0x1ce: {  	v6 =	vmul.f32 $6.999999880e-01, v19;
	[tilespmem:s26+$0xFFFFFFC0] =	vst v7;
	v18 =	vld [tilespmem:s26+$0xFFFFFFD0]  }
0x1cf: {  	v12 =	vadd.f32 v12, v16;
	v11 =	vmul.f32 $6.999999880e-01, v11;
	v16 =	vld [tilespmem:s22+$0xFFFFFFD0]  }
0x1d0: {  	v7 =	vmul.f32 $6.999999880e-01, v17;
	v17 =	vld [tilespmem:s24+$0xFFFFFE70]  }
0x1d1: {  	[tilespmem:s26+$0xFFFFFEC0] =	vst v12;
	v12 =	vmul.f32 $3.000000120e-01, v20;
	v19 =	vld [tilespmem:s24+$0xFFFFFEF0]  }
0x1d2: {  	v9 =	vmul.f32 $3.000000120e-01, v9;
	v20 =	vld [tilespmem:s22+$0xFFFFFED0]  }
0x1d3: {  	v8 =	vadd.f32 v12, v8;
	v12 =	vld [tilespmem:s24+$0xFFFFFF70]  }
0x1d4: {  	v18 =	vmul.f32 $6.999999880e-01, v18;
	v9 =	vadd.f32 v9, v15;
	v15 =	vld [tilespmem:s26+$0xFFFFFE70];
	v16 =	vmul.f32 $3.000000120e-01, v16  }
0x1d5: {  	v21 =	vld [tilespmem:s26+$0xFFFFFEF0];
	[tilespmem:s26+$0xFFFFFF40] =	vst v8;
	v8 =	vmul.f32 $3.000000120e-01, v17  }
0x1d6: {  	[tilespmem:s26+$0xFFFFFE40] =	vst v9;
	v9 =	vld [tilespmem:s22+$0xFFFFFF50];
	v16 =	vadd.f32 v16, v18;
	v17 =	vmul.f32 $3.000000120e-01, v19  }
0x1d7: {  	v18 =	vld [tilespmem:s22+$0xFFFFFE50];
	v19 =	vmul.f32 $3.000000120e-01, v20;
	v8 =	vadd.f32 v8, v2  }
0x1d8: {  	[tilespmem:s26+$0xFFFFFFD0] =	vst v16;
	v16 =	vld [tilespmem:s26+$0xFFFFFFE0];
	v17 =	vadd.f32 v17, v1;
	v12 =	vmul.f32 $3.000000120e-01, v12  }
0x1d9: {  	v2 =	vmul.f32 $6.999999880e-01, v15;
	v14 =	vadd.f32 v19, v14;
	v15 =	vld [tilespmem:s22+$0xFFFFFFE0];
	[tilespmem:s19+$0xFFFFFE70] =	vst v8  }
0x1da: {  	v1 =	vmul.f32 $6.999999880e-01, v21;
	v8 =	vld [tilespmem:s26+$0xFFFFFF70];
	[tilespmem:s19+$0xFFFFFEF0] =	vst v17;
	v3 =	vadd.f32 v12, v3  }
0x1db: {  	[tilespmem:s26+$0xFFFFFED0] =	vst v14;
	v9 =	vmul.f32 $3.000000120e-01, v9;
	v12 =	vld [tilespmem:s24+$0xFFFFFE80]  }
0x1dc: {  	v14 =	vmul.f32 $3.000000120e-01, v18;
	v17 =	vld [tilespmem:s22+$0xFFFFFEE0];
	[tilespmem:s19+$0xFFFFFF70] =	vst v3  }
0x1dd: {  	v3 =	vadd.f32 v9, v10;
	v9 =	vld [tilespmem:s24+$0xFFFFFF00]  }
0x1de: {  	v10 =	vadd.f32 v14, v13;
	v13 =	vmul.f32 $6.999999880e-01, v16;
	v14 =	vmul.f32 $3.000000120e-01, v15;
	v15 =	vld [tilespmem:s24+$0xFFFFFF80];
	s24 =	smov.u32 s22  }
0x1df: {  	v16 =	vld [tilespmem:s26+$0xFFFFFE80];
	[tilespmem:s26+$0xFFFFFF50] =	vst v3;
	v3 =	vmul.f32 $6.999999880e-01, v8  }
0x1e0: {  	[tilespmem:s26+$0xFFFFFE50] =	vst v10;
	v18 =	vld [tilespmem:s22+$0xFFFFFF60];
	v8 =	vadd.f32 v14, v13;
	v13 =	vmul.f32 $3.000000120e-01, v12  }
.Ltmp3:
0x1e1: {  	v12 =	vld [tilespmem:s22+$0xFFFFFE60];
	v14 =	vmul.f32 $3.000000120e-01, v17;
	(pc) =	sbr.rel @p1 .LBB2_4-.Ltmp3, $4  }
0x1e2: {  	[tilespmem:s26+$0xFFFFFFE0] =	vst v8;
	v10 =	vld [tilespmem:s26+$0xFFFFFFF0];
	v13 =	vadd.f32 v13, v0;
	v9 =	vmul.f32 $3.000000120e-01, v9  }
0x1e3: {  	v14 =	vadd.f32 v14, v11;
	v11 =	vld [tilespmem:s22+$0xFFFFFFF0];
	v15 =	vmul.f32 $3.000000120e-01, v15  }
0x1e4: {  	v0 =	vmul.f32 $6.999999880e-01, v16;
	v8 =	vld [tilespmem:s26+$0xFFFFFF00];
	[tilespmem:s19+$0xFFFFFE80] =	vst v13;
	v5 =	vadd.f32 v9, v5  }
0x1e5: {  	s26 =	sadd.s32 $0x200, s26;
	[tilespmem:s20+$0xFFFFFEE0] =	vst v14;
	v13 =	vmul.f32 $3.000000120e-01, v18;
	v9 =	vld [tilespmem:s20+$0xFFFFFF80];
	v4 =	vadd.f32 v15, v4  }
0x1e6: {  	v12 =	vmul.f32 $3.000000120e-01, v12;
	_ =	sdelay $0x1  }
0x1e7: {  	v6 =	vadd.f32 v12, v6;
	_ =	sdelay $0x1  }
0x1e8: {  	v7 =	vadd.f32 v13, v7;
	[tilespmem:s20+$0xFFFFFE60] =	vst v6  }
0x1e9: {  	v6 =	vld [tilespmem:s24+$0xFFFFFE70]  }
0x1ea: {  	[tilespmem:s20+$0xFFFFFF60] =	vst v7;
	v7 =	vld [tilespmem:s24+$0xFFFFFEF0]  }
0x1eb: {  	v32 =	vld [tilespmem:s24+$0xFFFFFF70];
	_ =	sdelay $0x1  }
0x1ec: {  	v10 =	vmul.f32 $6.999999880e-01, v10;
	v11 =	vmul.f32 $3.000000120e-01, v11  }
0x1ed: {  	v6 =	vmul.f32 $3.000000120e-01, v6  }
0x1ee: {  	v10 =	vadd.f32 v11, v10;
	v7 =	vmul.f32 $3.000000120e-01, v7  }
0x1ef: {  	v2 =	vadd.f32 v6, v2;
	v6 =	vmul.f32 $3.000000120e-01, v32  }
0x1f0: {  	v33 =	vld [tilespmem:s20+$0x0];
	[tilespmem:s20+$0xFFFFFFF0] =	vst v10;
	v1 =	vadd.f32 v7, v1  }
0x1f1: {  	v7 =	vld [tilespmem:s24+$0x0];
	[tilespmem:s20+$0xFFFFFE70] =	vst v2;
	v2 =	vadd.f32 v6, v3  }
0x1f2: {  	[tilespmem:s20+$0xFFFFFEF0] =	vst v1;
	v1 =	vld [tilespmem:s24+$0xFFFFFE80]  }
0x1f3: {  	[tilespmem:s20+$0xFFFFFF70] =	vst v2;
	v2 =	vld [tilespmem:s24+$0xFFFFFF00]  }
0x1f4: {  	v3 =	vld [tilespmem:s24+$0xFFFFFF80];
	_ =	sdelay $0x1  }
0x1f5: {  	v6 =	vmul.f32 $6.999999880e-01, v33;
	v7 =	vmul.f32 $3.000000120e-01, v7  }
0x1f6: {  	v1 =	vmul.f32 $3.000000120e-01, v1  }
0x1f7: {  	[tilespmem:s19+$0xFFFFFF00] =	vst v5;
	v5 =	vmul.f32 $6.999999880e-01, v8;
	v6 =	vadd.f32 v7, v6;
	v2 =	vmul.f32 $3.000000120e-01, v2  }
0x1f8: {  	[tilespmem:s19+$0xFFFFFF80] =	vst v4;
	v4 =	vmul.f32 $6.999999880e-01, v9;
	v0 =	vadd.f32 v1, v0;
	v1 =	vmul.f32 $3.000000120e-01, v3  }
0x1f9: {  	[tilespmem:s20+$0x0] =	vst v6;
	v2 =	vadd.f32 v2, v5  }
0x1fa: {  	[tilespmem:s20+$0xFFFFFE80] =	vst v0;
	v0 =	vadd.f32 v1, v4  }
0x1fb: {  	[tilespmem:s20+$0xFFFFFF00] =	vst v2  }
0x1fc: {  	s26 =	simm.s32 $0x0;
	[tilespmem:s20+$0xFFFFFF80] =	vst v0  }
0x1fd: {  	[hbm4b:s11+s26] =	stream.linear.scatter [tilespmem:s29], [sflag:$0x6], $0x4000, $0x38;
	[tilespmem:$0x14180] =	vst v63  }
0x1fe: {  	_ =	swait.ge [sflag:s30], $0x4000  }
0x1ff: {  	[sflag:s30] =	ssyncset.done $0x0  }
0x200: {  	[sflag:s30] =	ssyncadd.s32 $0xFFFFC000  }
0x201: {  	_ =	swait.ge [sflag:s30], $0x4000  }
0x202: {  	[sflag:s30] =	ssyncset.done $0x0  }
0x203: {  	s19 =	simm.s32 $0x0;
	[sflag:s30] =	ssyncadd.s32 $0xFFFFC000  }
0x204: {  	v0 =	vld [tilespmem:s19+$0x4D80]  }
0x205: {  	v1 =	vld [tilespmem:s19+$0xED80]  }
0x206: {  	v2 =	vld [tilespmem:s19+$0x4D90]  }
0x207: {  	v3 =	vld [tilespmem:s19+$0xED90]  }
0x208: {  	v4 =	vld [tilespmem:s19+$0x4DA0]  }
0x209: {  	v5 =	vld [tilespmem:s19+$0xEDA0]  }
0x20a: {  	v6 =	vld [tilespmem:s19+$0x4DB0]  }
0x20b: {  	v7 =	vld [tilespmem:s19+$0xEDB0]  }
0x20c: {  	v8 =	vld [tilespmem:s19+$0xEDC0]  }
0x20d: {  	v34 =	vld [tilespmem:s19+$0x4F70]  }
0x20e: {  	v35 =	vld [tilespmem:s19+$0xEF70]  }
0x20f: {  	v36 =	vld [tilespmem:s19+$0xEDE0]  }
0x210: {  	v37 =	vld [tilespmem:s19+$0x4E00]  }
0x211: {  	v38 =	vld [tilespmem:s19+$0xEE00]  }
0x212: {  	v14 =	vld [tilespmem:s19+$0x4E10]  }
0x213: {  	v15 =	vld [tilespmem:s19+$0xEE10]  }
0x214: {  	v16 =	vld [tilespmem:s19+$0x4E20]  }
0x215: {  	v17 =	vld [tilespmem:s19+$0xEE20]  }
0x216: {  	v18 =	vld [tilespmem:s19+$0x4E30]  }
0x217: {  	v39 =	vld [tilespmem:s19+$0x4E40]  }
0x218: {  	v41 =	vld [tilespmem:s19+$0xEE40]  }
0x219: {  	v19 =	vld [tilespmem:s19+$0x4DF0]  }
0x21a: {  	v42 =	vld [tilespmem:s19+$0x4E50]  }
0x21b: {  	v43 =	vld [tilespmem:s19+$0xEE50]  }
0x21c: {  	v20 =	vld [tilespmem:s19+$0xEDF0]  }
0x21d: {  	v21 =	vld [tilespmem:s19+$0x4E80]  }
0x21e: {  	v22 =	vld [tilespmem:s19+$0xEE80]  }
0x21f: {  	v23 =	vld [tilespmem:s19+$0x4E90]  }
0x220: {  	v24 =	vld [tilespmem:s19+$0xEE90]  }
0x221: {  	v25 =	vld [tilespmem:s19+$0x4EA0]  }
0x222: {  	v26 =	vld [tilespmem:s19+$0xEEA0]  }
0x223: {  	v27 =	vld [tilespmem:s19+$0x4EB0]  }
0x224: {  	v28 =	vld [tilespmem:s19+$0xEEB0];
	v0 =	vmul.f32 $6.999999880e-01, v0;
	v1 =	vmul.f32 $3.000000120e-01, v1  }
0x225: {  	v44 =	vld [tilespmem:s19+$0x4EC0];
	v4 =	vmul.f32 $6.999999880e-01, v4;
	v5 =	vmul.f32 $3.000000120e-01, v5  }
0x226: {  	v29 =	vld [tilespmem:s19+$0xEEC0];
	v12 =	vmul.f32 $6.999999880e-01, v37;
	v13 =	vmul.f32 $3.000000120e-01, v38;
	v0 =	vadd.f32 v1, v0  }
0x227: {  	v45 =	vld [tilespmem:s19+$0xEE60];
	v21 =	vmul.f32 $6.999999880e-01, v21;
	v22 =	vmul.f32 $3.000000120e-01, v22;
	v4 =	vadd.f32 v5, v4  }
0x228: {  	v47 =	vld [tilespmem:s19+$0x4ED0];
	v2 =	vmul.f32 $6.999999880e-01, v2;
	v3 =	vmul.f32 $3.000000120e-01, v3;
	v12 =	vadd.f32 v13, v12;
	[tilespmem:s19+$0x4D80] =	vst v0  }
0x229: {  	v16 =	vmul.f32 $6.999999880e-01, v16;
	v17 =	vmul.f32 $3.000000120e-01, v17;
	v1 =	vld [tilespmem:s19+$0x4DC0];
	v21 =	vadd.f32 v22, v21;
	[tilespmem:s19+$0x4DA0] =	vst v4  }
0x22a: {  	v23 =	vmul.f32 $6.999999880e-01, v23;
	v24 =	vmul.f32 $3.000000120e-01, v24;
	v0 =	vadd.f32 v3, v2;
	v2 =	vld [tilespmem:s19+$0x4DD0];
	[tilespmem:s19+$0x4E00] =	vst v12  }
0x22b: {  	v9 =	vmul.f32 $6.999999880e-01, v34;
	v10 =	vmul.f32 $3.000000120e-01, v35;
	v16 =	vadd.f32 v17, v16;
	v3 =	vld [tilespmem:s19+$0xEDD0];
	[tilespmem:s19+$0x4E80] =	vst v21  }
0x22c: {  	v6 =	vmul.f32 $6.999999880e-01, v6;
	v7 =	vmul.f32 $3.000000120e-01, v7;
	v46 =	vadd.f32 v24, v23;
	[tilespmem:s19+$0x4D90] =	vst v0;
	v0 =	vld [tilespmem:s19+$0x4DE0]  }
0x22d: {  	v50 =	vld [tilespmem:s19+$0xEED0];
	v40 =	vmul.f32 $3.000000120e-01, v15;
	v9 =	vadd.f32 v10, v9;
	v4 =	vmul.f32 $6.999999880e-01, v14;
	[tilespmem:s19+$0x4E20] =	vst v16  }
0x22e: {  	v48 =	vmul.f32 $6.999999880e-01, v25;
	v49 =	vmul.f32 $3.000000120e-01, v26;
	v5 =	vld [tilespmem:s19+$0xEE30];
	v6 =	vadd.f32 v7, v6;
	[tilespmem:s19+$0x4E90] =	vst v46  }
0x22f: {  	v51 =	vld [tilespmem:s19+$0x4E70];
	v8 =	vmul.f32 $3.000000120e-01, v8;
	[tilespmem:s19+$0x4F70] =	vst v9;
	v4 =	vadd.f32 v40, v4;
	v1 =	vmul.f32 $6.999999880e-01, v1  }
0x230: {  	v52 =	vld [tilespmem:s19+$0x4EE0];
	v16 =	vadd.f32 v49, v48;
	[tilespmem:s19+$0x4DB0] =	vst v6;
	v2 =	vmul.f32 $6.999999880e-01, v2;
	v3 =	vmul.f32 $3.000000120e-01, v3  }
0x231: {  	[tilespmem:s19+$0x4E10] =	vst v4;
	v4 =	vld [tilespmem:s19+$0x4E60];
	v1 =	vadd.f32 v8, v1;
	v8 =	vmul.f32 $3.000000120e-01, v36;
	v0 =	vmul.f32 $6.999999880e-01, v0  }
0x232: {  	v53 =	vld [tilespmem:s19+$0xEE70];
	v6 =	vmul.f32 $3.000000120e-01, v20;
	[tilespmem:s19+$0x4EA0] =	vst v16;
	v2 =	vadd.f32 v3, v2;
	v3 =	vmul.f32 $6.999999880e-01, v19  }
0x233: {  	v54 =	vld [tilespmem:s19+$0x4EF0];
	v5 =	vmul.f32 $3.000000120e-01, v5;
	[tilespmem:s19+$0x4DC0] =	vst v1;
	v1 =	vmul.f32 $6.999999880e-01, v18;
	v0 =	vadd.f32 v8, v0  }
0x234: {  	v55 =	vld [tilespmem:s19+$0x4F00];
	[tilespmem:s19+$0x4DD0] =	vst v2;
	v2 =	vadd.f32 v6, v3;
	v3 =	vmul.f32 $6.999999880e-01, v39;
	v6 =	vmul.f32 $3.000000120e-01, v41  }
0x235: {  	v56 =	vld [tilespmem:s19+$0xEF00];
	[tilespmem:s19+$0x4DE0] =	vst v0;
	v0 =	vadd.f32 v5, v1;
	v1 =	vmul.f32 $6.999999880e-01, v42;
	v5 =	vmul.f32 $3.000000120e-01, v43  }
0x236: {  	v57 =	vld [tilespmem:s19+$0xEF10];
	[tilespmem:s19+$0x4DF0] =	vst v2;
	v2 =	vadd.f32 v6, v3;
	v3 =	vmul.f32 $6.999999880e-01, v4;
	v4 =	vmul.f32 $3.000000120e-01, v45  }
0x237: {  	v7 =	vld [tilespmem:s19+$0xEEE0];
	[tilespmem:s19+$0x4E30] =	vst v0;
	v0 =	vadd.f32 v5, v1;
	v1 =	vmul.f32 $6.999999880e-01, v51;
	v5 =	vmul.f32 $3.000000120e-01, v53  }
0x238: {  	v6 =	vld [tilespmem:s19+$0x4F10];
	[tilespmem:s19+$0x4E40] =	vst v2;
	v2 =	vadd.f32 v4, v3;
	v3 =	vmul.f32 $6.999999880e-01, v27;
	v4 =	vmul.f32 $3.000000120e-01, v28  }
0x239: {  	v8 =	vld [tilespmem:s19+$0xEEF0];
	[tilespmem:s19+$0x4E50] =	vst v0;
	v0 =	vadd.f32 v5, v1;
	v1 =	vmul.f32 $6.999999880e-01, v44;
	v5 =	vmul.f32 $3.000000120e-01, v29  }
0x23a: {  	v58 =	vld [tilespmem:s19+$0x4F20];
	[tilespmem:s19+$0x4E60] =	vst v2;
	v2 =	vadd.f32 v4, v3;
	v3 =	vmul.f32 $6.999999880e-01, v55;
	v4 =	vmul.f32 $3.000000120e-01, v56  }
0x23b: {  	v59 =	vld [tilespmem:s19+$0xEF20];
	v61 =	vmul.f32 $6.999999880e-01, v47;
	[tilespmem:s19+$0x4E70] =	vst v0;
	v1 =	vadd.f32 v5, v1;
	v5 =	vmul.f32 $3.000000120e-01, v50  }
0x23c: {  	v60 =	vld [tilespmem:s19+$0x4F30];
	v7 =	vmul.f32 $3.000000120e-01, v7;
	[tilespmem:s19+$0x4EB0] =	vst v2;
	v2 =	vmul.f32 $6.999999880e-01, v52;
	v3 =	vadd.f32 v4, v3  }
0x23d: {  	v62 =	vld [tilespmem:s19+$0xEF30];
	[tilespmem:s19+$0x4EC0] =	vst v1;
	v4 =	vadd.f32 v5, v61;
	v5 =	vmul.f32 $6.999999880e-01, v6;
	v6 =	vmul.f32 $3.000000120e-01, v57  }
0x23e: {  	v63 =	vmul.f32 $6.999999880e-01, v54;
	v8 =	vmul.f32 $3.000000120e-01, v8;
	v0 =	vld [tilespmem:s19+$0x4F40];
	v7 =	vadd.f32 v7, v2;
	[tilespmem:s19+$0x4F00] =	vst v3  }
0x23f: {  	v1 =	vld [tilespmem:s19+$0xEF40];
	[tilespmem:s19+$0x4ED0] =	vst v4;
	v4 =	vadd.f32 v6, v5  }
0x240: {  	v2 =	vld [tilespmem:s19+$0x4F50];
	[tilespmem:s19+$0x4EE0] =	vst v7;
	v6 =	vadd.f32 v8, v63;
	v7 =	vmul.f32 $6.999999880e-01, v58;
	v8 =	vmul.f32 $3.000000120e-01, v59  }
0x241: {  	s22 =	simm.s32 $0x800;
	s20 =	simm.s32 $0x98;
	v3 =	vld [tilespmem:s19+$0xEF50];
	[tilespmem:s19+$0x4F10] =	vst v4  }
0x242: {  	v5 =	vmul.f32 $6.999999880e-01, v60;
	[tilespmem:s19+$0x4EF0] =	vst v6;
	v6 =	vadd.f32 v8, v7;
	v7 =	vmul.f32 $3.000000120e-01, v62;
	v4 =	vld [tilespmem:s19+$0x4F60]  }
.LBB2_6:
0x243: {  	s24 =	sshra.s32 s22, $0x2;
	v0 =	vmul.f32 $6.999999880e-01, v0;
	v8 =	vld [tilespmem:s19+$0xEF60]  }
0x244: {  	s20 =	sadd.s32 $0x4, s20;
	v9 =	vld [tilespmem:s24+$0x4F70];
	[tilespmem:s19+$0x4F20] =	vst v6;
	v5 =	vadd.f32 v7, v5;
	v1 =	vmul.f32 $3.000000120e-01, v1  }
0x245: {  	p1 =	slt.u32 s20, $0x114;
	v6 =	vld [tilespmem:s24+$0xEF70];
	v2 =	vmul.f32 $6.999999880e-01, v2  }
0x246: {  	v7 =	vld [tilespmem:s24+$0x4D80];
	[tilespmem:s19+$0x4F30] =	vst v5;
	v0 =	vadd.f32 v1, v0;
	v1 =	vmul.f32 $3.000000120e-01, v3  }
0x247: {  	v3 =	vld [tilespmem:s24+$0xED80];
	v4 =	vmul.f32 $6.999999880e-01, v4  }
0x248: {  	v5 =	vld [tilespmem:s24+$0x4D90];
	[tilespmem:s19+$0x4F40] =	vst v0;
	v0 =	vadd.f32 v1, v2;
	v1 =	vmul.f32 $3.000000120e-01, v8  }
0x249: {  	v2 =	vld [tilespmem:s24+$0xED90]  }
0x24a: {  	v9 =	vmul.f32 $6.999999880e-01, v9;
	v8 =	vld [tilespmem:s24+$0x4DA0];
	v6 =	vmul.f32 $3.000000120e-01, v6;
	[tilespmem:s19+$0x4F50] =	vst v0;
	v0 =	vadd.f32 v1, v4  }
0x24b: {  	v1 =	vmul.f32 $6.999999880e-01, v7;
	v4 =	vld [tilespmem:s24+$0xEDA0]  }
0x24c: {  	v3 =	vmul.f32 $3.000000120e-01, v3;
	v7 =	vld [tilespmem:s24+$0x4DB0];
	v6 =	vadd.f32 v6, v9;
	[tilespmem:s19+$0x4F60] =	vst v0;
	s19 =	smov.u32 s24  }
0x24d: {  	v0 =	vmul.f32 $6.999999880e-01, v5;
	v5 =	vld [tilespmem:s19+$0xEDB0]  }
0x24e: {  	v1 =	vadd.f32 v3, v1;
	v2 =	vmul.f32 $3.000000120e-01, v2;
	v3 =	vld [tilespmem:s19+$0x4DC0];
	[tilespmem:s19+$0x4F70] =	vst v6  }
0x24f: {  	v6 =	vmul.f32 $6.999999880e-01, v8;
	v8 =	vld [tilespmem:s19+$0xEDC0]  }
0x250: {  	[tilespmem:s19+$0x4D80] =	vst v1;
	v0 =	vadd.f32 v2, v0;
	v1 =	vmul.f32 $3.000000120e-01, v4;
	v2 =	vld [tilespmem:s19+$0x4DD0]  }
0x251: {  	v4 =	vmul.f32 $6.999999880e-01, v7;
	v7 =	vld [tilespmem:s19+$0xEDD0]  }
0x252: {  	[tilespmem:s19+$0x4D90] =	vst v0;
	v0 =	vadd.f32 v1, v6;
	v1 =	vmul.f32 $3.000000120e-01, v5;
	v5 =	vld [tilespmem:s19+$0x4DE0]  }
0x253: {  	v3 =	vmul.f32 $6.999999880e-01, v3;
	v6 =	vld [tilespmem:s19+$0xEDE0]  }
0x254: {  	[tilespmem:s19+$0x4DA0] =	vst v0;
	v0 =	vadd.f32 v1, v4;
	v1 =	vmul.f32 $3.000000120e-01, v8;
	v4 =	vld [tilespmem:s19+$0x4DF0]  }
0x255: {  	v2 =	vmul.f32 $6.999999880e-01, v2;
	v8 =	vld [tilespmem:s19+$0xEDF0]  }
0x256: {  	[tilespmem:s19+$0x4DB0] =	vst v0;
	v0 =	vadd.f32 v1, v3;
	v1 =	vmul.f32 $3.000000120e-01, v7;
	v3 =	vld [tilespmem:s19+$0x4E00]  }
0x257: {  	v5 =	vmul.f32 $6.999999880e-01, v5;
	v7 =	vld [tilespmem:s19+$0xEE00]  }
0x258: {  	[tilespmem:s19+$0x4DC0] =	vst v0;
	v0 =	vadd.f32 v1, v2;
	v1 =	vmul.f32 $3.000000120e-01, v6;
	v2 =	vld [tilespmem:s19+$0x4E10]  }
0x259: {  	v4 =	vmul.f32 $6.999999880e-01, v4;
	v6 =	vld [tilespmem:s19+$0xEE10]  }
0x25a: {  	[tilespmem:s19+$0x4DD0] =	vst v0;
	v0 =	vadd.f32 v1, v5;
	v1 =	vmul.f32 $3.000000120e-01, v8;
	v5 =	vld [tilespmem:s19+$0x4E20]  }
0x25b: {  	v3 =	vmul.f32 $6.999999880e-01, v3;
	v8 =	vld [tilespmem:s19+$0xEE20]  }
0x25c: {  	[tilespmem:s19+$0x4DE0] =	vst v0;
	v0 =	vadd.f32 v1, v4;
	v1 =	vmul.f32 $3.000000120e-01, v7;
	v4 =	vld [tilespmem:s19+$0x4E30]  }
0x25d: {  	v2 =	vmul.f32 $6.999999880e-01, v2;
	v7 =	vld [tilespmem:s19+$0xEE30]  }
0x25e: {  	[tilespmem:s19+$0x4DF0] =	vst v0;
	v0 =	vadd.f32 v1, v3;
	v1 =	vmul.f32 $3.000000120e-01, v6;
	v3 =	vld [tilespmem:s19+$0x4E40]  }
0x25f: {  	v5 =	vmul.f32 $6.999999880e-01, v5;
	v6 =	vld [tilespmem:s19+$0xEE40]  }
0x260: {  	[tilespmem:s19+$0x4E00] =	vst v0;
	v0 =	vadd.f32 v1, v2;
	v1 =	vmul.f32 $3.000000120e-01, v8;
	v2 =	vld [tilespmem:s19+$0x4E50]  }
0x261: {  	v4 =	vmul.f32 $6.999999880e-01, v4;
	v8 =	vld [tilespmem:s19+$0xEE50]  }
0x262: {  	[tilespmem:s19+$0x4E10] =	vst v0;
	v0 =	vadd.f32 v1, v5;
	v1 =	vmul.f32 $3.000000120e-01, v7;
	v5 =	vld [tilespmem:s19+$0x4E60]  }
0x263: {  	v3 =	vmul.f32 $6.999999880e-01, v3;
	v7 =	vld [tilespmem:s19+$0xEE60]  }
0x264: {  	[tilespmem:s19+$0x4E20] =	vst v0;
	v0 =	vadd.f32 v1, v4;
	v1 =	vmul.f32 $3.000000120e-01, v6;
	v4 =	vld [tilespmem:s19+$0x4E70]  }
0x265: {  	v2 =	vmul.f32 $6.999999880e-01, v2;
	v6 =	vld [tilespmem:s19+$0xEE70]  }
0x266: {  	[tilespmem:s19+$0x4E30] =	vst v0;
	v0 =	vadd.f32 v1, v3;
	v1 =	vmul.f32 $3.000000120e-01, v8;
	v3 =	vld [tilespmem:s19+$0x4E80]  }
0x267: {  	v5 =	vmul.f32 $6.999999880e-01, v5;
	v8 =	vld [tilespmem:s19+$0xEE80]  }
0x268: {  	[tilespmem:s19+$0x4E40] =	vst v0;
	v0 =	vadd.f32 v1, v2;
	v1 =	vmul.f32 $3.000000120e-01, v7;
	v2 =	vld [tilespmem:s19+$0x4E90]  }
0x269: {  	v4 =	vmul.f32 $6.999999880e-01, v4;
	v7 =	vld [tilespmem:s19+$0xEE90]  }
0x26a: {  	[tilespmem:s19+$0x4E50] =	vst v0;
	v0 =	vadd.f32 v1, v5;
	v1 =	vmul.f32 $3.000000120e-01, v6;
	v5 =	vld [tilespmem:s19+$0x4EA0]  }
0x26b: {  	v3 =	vmul.f32 $6.999999880e-01, v3;
	v6 =	vld [tilespmem:s19+$0xEEA0]  }
0x26c: {  	[tilespmem:s19+$0x4E60] =	vst v0;
	v0 =	vadd.f32 v1, v4;
	v1 =	vmul.f32 $3.000000120e-01, v8;
	v4 =	vld [tilespmem:s19+$0x4EB0]  }
0x26d: {  	v2 =	vmul.f32 $6.999999880e-01, v2;
	v8 =	vld [tilespmem:s19+$0xEEB0]  }
0x26e: {  	[tilespmem:s19+$0x4E70] =	vst v0;
	v0 =	vadd.f32 v1, v3;
	v1 =	vmul.f32 $3.000000120e-01, v7;
	v3 =	vld [tilespmem:s19+$0x4EC0]  }
0x26f: {  	v5 =	vmul.f32 $6.999999880e-01, v5;
	v7 =	vld [tilespmem:s19+$0xEEC0]  }
0x270: {  	[tilespmem:s19+$0x4E80] =	vst v0;
	v0 =	vadd.f32 v1, v2;
	v1 =	vmul.f32 $3.000000120e-01, v6;
	v2 =	vld [tilespmem:s19+$0x4ED0]  }
0x271: {  	v4 =	vmul.f32 $6.999999880e-01, v4;
	v6 =	vld [tilespmem:s19+$0xEED0]  }
0x272: {  	[tilespmem:s19+$0x4E90] =	vst v0;
	v0 =	vadd.f32 v1, v5;
	v1 =	vmul.f32 $3.000000120e-01, v8;
	v5 =	vld [tilespmem:s19+$0x4EE0]  }
0x273: {  	v3 =	vmul.f32 $6.999999880e-01, v3;
	v8 =	vld [tilespmem:s19+$0xEEE0]  }
0x274: {  	[tilespmem:s19+$0x4EA0] =	vst v0;
	v0 =	vadd.f32 v1, v4;
	v1 =	vmul.f32 $3.000000120e-01, v7;
	v4 =	vld [tilespmem:s19+$0x4EF0]  }
0x275: {  	v2 =	vmul.f32 $6.999999880e-01, v2;
	v7 =	vld [tilespmem:s19+$0xEEF0]  }
0x276: {  	[tilespmem:s19+$0x4EB0] =	vst v0;
	v0 =	vadd.f32 v1, v3;
	v1 =	vmul.f32 $3.000000120e-01, v6;
	v3 =	vld [tilespmem:s19+$0x4F00]  }
0x277: {  	v5 =	vmul.f32 $6.999999880e-01, v5;
	v6 =	vld [tilespmem:s19+$0xEF00]  }
0x278: {  	[tilespmem:s19+$0x4EC0] =	vst v0;
	v0 =	vadd.f32 v1, v2;
	v1 =	vmul.f32 $3.000000120e-01, v8;
	v2 =	vld [tilespmem:s19+$0x4F10]  }
0x279: {  	v4 =	vmul.f32 $6.999999880e-01, v4;
	v8 =	vld [tilespmem:s19+$0xEF10]  }
0x27a: {  	[tilespmem:s19+$0x4ED0] =	vst v0;
	v0 =	vadd.f32 v1, v5;
	v1 =	vmul.f32 $3.000000120e-01, v7;
	v5 =	vld [tilespmem:s19+$0x4F20]  }
0x27b: {  	v3 =	vmul.f32 $6.999999880e-01, v3;
	v7 =	vld [tilespmem:s19+$0xEF20]  }
0x27c: {  	[tilespmem:s19+$0x4EE0] =	vst v0;
	v0 =	vadd.f32 v1, v4;
	v1 =	vmul.f32 $3.000000120e-01, v6;
	v4 =	vld [tilespmem:s19+$0x4F30]  }
0x27d: {  	v2 =	vmul.f32 $6.999999880e-01, v2;
	v9 =	vld [tilespmem:s19+$0xEF30]  }
.Ltmp4:
0x27e: {  	[tilespmem:s19+$0x4EF0] =	vst v0;
	v3 =	vadd.f32 v1, v3;
	v6 =	vmul.f32 $3.000000120e-01, v8;
	v0 =	vld [tilespmem:s19+$0x4F40];
	(pc) =	sbr.rel @p1 .LBB2_6-.Ltmp4, $4  }
0x27f: {  	v8 =	vmul.f32 $6.999999880e-01, v5;
	v1 =	vld [tilespmem:s19+$0xEF40]  }
0x280: {  	[tilespmem:s19+$0x4F00] =	vst v3;
	v6 =	vadd.f32 v6, v2;
	v7 =	vmul.f32 $3.000000120e-01, v7;
	v2 =	vld [tilespmem:s19+$0x4F50]  }
0x281: {  	v5 =	vmul.f32 $6.999999880e-01, v4;
	v3 =	vld [tilespmem:s19+$0xEF50]  }
0x282: {  	s22 =	sadd.s32 $0x800, s22;
	[tilespmem:s19+$0x4F10] =	vst v6;
	v6 =	vadd.f32 v7, v8;
	v7 =	vmul.f32 $3.000000120e-01, v9;
	v4 =	vld [tilespmem:s19+$0x4F60]  }
0x283: {  	v8 =	vld [tilespmem:s19+$0xEF60];
	_ =	sdelay $0x2  }
0x284: {  	v0 =	vmul.f32 $6.999999880e-01, v0;
	v1 =	vmul.f32 $3.000000120e-01, v1  }
0x285: {  	v5 =	vadd.f32 v7, v5;
	v2 =	vmul.f32 $6.999999880e-01, v2;
	v3 =	vmul.f32 $3.000000120e-01, v3  }
0x286: {  	[tilespmem:s19+$0x4F20] =	vst v6;
	v0 =	vadd.f32 v1, v0;
	v1 =	vmul.f32 $6.999999880e-01, v4;
	v4 =	vmul.f32 $3.000000120e-01, v8  }
0x287: {  	[tilespmem:s19+$0x4F30] =	vst v5;
	v2 =	vadd.f32 v3, v2  }
0x288: {  	[tilespmem:s19+$0x4F40] =	vst v0;
	v0 =	vadd.f32 v4, v1  }
0x289: {  	[tilespmem:s19+$0x4F50] =	vst v2  }
0x28a: {  	s26 =	simm.s32 $0x0;
	[tilespmem:s19+$0x4F60] =	vst v0  }
0x28b: {  	[hbm4b:s12+s26] =	stream.linear.scatter [tilespmem:s21], [sflag:$0x6], $0x4000, $0x38;
	[tilespmem:$0x14180] =	vst v63  }
0x28c: {  	_ =	swait.ge [sflag:s31], $0x1000  }
0x28d: {  	[sflag:s31] =	ssyncset.done $0x0  }
0x28e: {  	[sflag:s31] =	ssyncadd.s32 $0xFFFFF000  }
0x28f: {  	_ =	swait.ge [sflag:s31], $0x1000  }
0x290: {  	[sflag:s31] =	ssyncset.done $0x0  }
0x291: {  	s19 =	simm.s32 $0x0;
	[sflag:s31] =	ssyncadd.s32 $0xFFFFF000  }
0x292: {  	v0 =	vld [tilespmem:s19+$0x8D80]  }
0x293: {  	v1 =	vld [tilespmem:s19+$0x12D80]  }
0x294: {  	v2 =	vld [tilespmem:s19+$0x8D90]  }
0x295: {  	v3 =	vld [tilespmem:s19+$0x12D90]  }
0x296: {  	v4 =	vld [tilespmem:s19+$0x8DA0]  }
0x297: {  	v5 =	vld [tilespmem:s19+$0x12DA0]  }
0x298: {  	v6 =	vld [tilespmem:s19+$0x8DB0]  }
0x299: {  	v7 =	vld [tilespmem:s19+$0x12DB0]  }
0x29a: {  	v8 =	vld [tilespmem:s19+$0x12DC0]  }
0x29b: {  	v9 =	vld [tilespmem:s19+$0x8F70]  }
0x29c: {  	v10 =	vld [tilespmem:s19+$0x12F70]  }
0x29d: {  	v11 =	vld [tilespmem:s19+$0x12DE0]  }
0x29e: {  	v12 =	vld [tilespmem:s19+$0x8E00]  }
0x29f: {  	v13 =	vld [tilespmem:s19+$0x12E00]  }
0x2a0: {  	v14 =	vld [tilespmem:s19+$0x8E10]  }
0x2a1: {  	v15 =	vld [tilespmem:s19+$0x12E10]  }
0x2a2: {  	v16 =	vld [tilespmem:s19+$0x8E20]  }
0x2a3: {  	v17 =	vld [tilespmem:s19+$0x12E20]  }
0x2a4: {  	v18 =	vld [tilespmem:s19+$0x8E30]  }
0x2a5: {  	v40 =	vld [tilespmem:s19+$0x8E40]  }
0x2a6: {  	v42 =	vld [tilespmem:s19+$0x12E40]  }
0x2a7: {  	v19 =	vld [tilespmem:s19+$0x8DF0]  }
0x2a8: {  	v43 =	vld [tilespmem:s19+$0x8E50]  }
0x2a9: {  	v44 =	vld [tilespmem:s19+$0x12E50]  }
0x2aa: {  	v20 =	vld [tilespmem:s19+$0x12DF0]  }
0x2ab: {  	v21 =	vld [tilespmem:s19+$0x8E80]  }
0x2ac: {  	v22 =	vld [tilespmem:s19+$0x12E80]  }
0x2ad: {  	v23 =	vld [tilespmem:s19+$0x8E90]  }
0x2ae: {  	v24 =	vld [tilespmem:s19+$0x12E90]  }
0x2af: {  	v25 =	vld [tilespmem:s19+$0x8EA0]  }
0x2b0: {  	v26 =	vld [tilespmem:s19+$0x12EA0]  }
0x2b1: {  	v27 =	vld [tilespmem:s19+$0x8EB0]  }
0x2b2: {  	v28 =	vld [tilespmem:s19+$0x12EB0];
	v0 =	vmul.f32 $6.999999880e-01, v0;
	v1 =	vmul.f32 $3.000000120e-01, v1  }
0x2b3: {  	v45 =	vld [tilespmem:s19+$0x8EC0];
	v4 =	vmul.f32 $6.999999880e-01, v4;
	v5 =	vmul.f32 $3.000000120e-01, v5  }
0x2b4: {  	v29 =	vld [tilespmem:s19+$0x12EC0];
	v12 =	vmul.f32 $6.999999880e-01, v12;
	v13 =	vmul.f32 $3.000000120e-01, v13;
	v0 =	vadd.f32 v1, v0  }
0x2b5: {  	v46 =	vld [tilespmem:s19+$0x12E60];
	v21 =	vmul.f32 $6.999999880e-01, v21;
	v22 =	vmul.f32 $3.000000120e-01, v22;
	v4 =	vadd.f32 v5, v4  }
0x2b6: {  	v48 =	vld [tilespmem:s19+$0x8ED0];
	v2 =	vmul.f32 $6.999999880e-01, v2;
	v3 =	vmul.f32 $3.000000120e-01, v3;
	v12 =	vadd.f32 v13, v12;
	[tilespmem:s19+$0x8D80] =	vst v0  }
0x2b7: {  	v16 =	vmul.f32 $6.999999880e-01, v16;
	v17 =	vmul.f32 $3.000000120e-01, v17;
	v1 =	vld [tilespmem:s19+$0x8DC0];
	v21 =	vadd.f32 v22, v21;
	[tilespmem:s19+$0x8DA0] =	vst v4  }
0x2b8: {  	v23 =	vmul.f32 $6.999999880e-01, v23;
	v24 =	vmul.f32 $3.000000120e-01, v24;
	v0 =	vadd.f32 v3, v2;
	v2 =	vld [tilespmem:s19+$0x8DD0];
	[tilespmem:s19+$0x8E00] =	vst v12  }
0x2b9: {  	v9 =	vmul.f32 $6.999999880e-01, v9;
	v10 =	vmul.f32 $3.000000120e-01, v10;
	v16 =	vadd.f32 v17, v16;
	v3 =	vld [tilespmem:s19+$0x12DD0];
	[tilespmem:s19+$0x8E80] =	vst v21  }
0x2ba: {  	v6 =	vmul.f32 $6.999999880e-01, v6;
	v7 =	vmul.f32 $3.000000120e-01, v7;
	v47 =	vadd.f32 v24, v23;
	[tilespmem:s19+$0x8D90] =	vst v0;
	v0 =	vld [tilespmem:s19+$0x8DE0]  }
0x2bb: {  	v51 =	vld [tilespmem:s19+$0x12ED0];
	v41 =	vmul.f32 $3.000000120e-01, v15;
	v9 =	vadd.f32 v10, v9;
	v4 =	vmul.f32 $6.999999880e-01, v14;
	[tilespmem:s19+$0x8E20] =	vst v16  }
0x2bc: {  	v49 =	vmul.f32 $6.999999880e-01, v25;
	v50 =	vmul.f32 $3.000000120e-01, v26;
	v5 =	vld [tilespmem:s19+$0x12E30];
	v6 =	vadd.f32 v7, v6;
	[tilespmem:s19+$0x8E90] =	vst v47  }
0x2bd: {  	v52 =	vld [tilespmem:s19+$0x8E70];
	v8 =	vmul.f32 $3.000000120e-01, v8;
	[tilespmem:s19+$0x8F70] =	vst v9;
	v4 =	vadd.f32 v41, v4;
	v1 =	vmul.f32 $6.999999880e-01, v1  }
0x2be: {  	v53 =	vld [tilespmem:s19+$0x8EE0];
	v16 =	vadd.f32 v50, v49;
	[tilespmem:s19+$0x8DB0] =	vst v6;
	v2 =	vmul.f32 $6.999999880e-01, v2;
	v3 =	vmul.f32 $3.000000120e-01, v3  }
0x2bf: {  	[tilespmem:s19+$0x8E10] =	vst v4;
	v4 =	vld [tilespmem:s19+$0x8E60];
	v1 =	vadd.f32 v8, v1;
	v8 =	vmul.f32 $3.000000120e-01, v11;
	v0 =	vmul.f32 $6.999999880e-01, v0  }
0x2c0: {  	v54 =	vld [tilespmem:s19+$0x12E70];
	v6 =	vmul.f32 $3.000000120e-01, v20;
	[tilespmem:s19+$0x8EA0] =	vst v16;
	v2 =	vadd.f32 v3, v2;
	v3 =	vmul.f32 $6.999999880e-01, v19  }
0x2c1: {  	v55 =	vld [tilespmem:s19+$0x8EF0];
	v5 =	vmul.f32 $3.000000120e-01, v5;
	[tilespmem:s19+$0x8DC0] =	vst v1;
	v1 =	vmul.f32 $6.999999880e-01, v18;
	v0 =	vadd.f32 v8, v0  }
0x2c2: {  	v56 =	vld [tilespmem:s19+$0x8F00];
	[tilespmem:s19+$0x8DD0] =	vst v2;
	v2 =	vadd.f32 v6, v3;
	v3 =	vmul.f32 $6.999999880e-01, v40;
	v6 =	vmul.f32 $3.000000120e-01, v42  }
0x2c3: {  	v57 =	vld [tilespmem:s19+$0x12F00];
	[tilespmem:s19+$0x8DE0] =	vst v0;
	v0 =	vadd.f32 v5, v1;
	v1 =	vmul.f32 $6.999999880e-01, v43;
	v5 =	vmul.f32 $3.000000120e-01, v44  }
0x2c4: {  	v58 =	vld [tilespmem:s19+$0x12F10];
	[tilespmem:s19+$0x8DF0] =	vst v2;
	v2 =	vadd.f32 v6, v3;
	v3 =	vmul.f32 $6.999999880e-01, v4;
	v4 =	vmul.f32 $3.000000120e-01, v46  }
0x2c5: {  	v7 =	vld [tilespmem:s19+$0x12EE0];
	[tilespmem:s19+$0x8E30] =	vst v0;
	v0 =	vadd.f32 v5, v1;
	v1 =	vmul.f32 $6.999999880e-01, v52;
	v5 =	vmul.f32 $3.000000120e-01, v54  }
0x2c6: {  	v6 =	vld [tilespmem:s19+$0x8F10];
	[tilespmem:s19+$0x8E40] =	vst v2;
	v2 =	vadd.f32 v4, v3;
	v3 =	vmul.f32 $6.999999880e-01, v27;
	v4 =	vmul.f32 $3.000000120e-01, v28  }
0x2c7: {  	v8 =	vld [tilespmem:s19+$0x12EF0];
	[tilespmem:s19+$0x8E50] =	vst v0;
	v0 =	vadd.f32 v5, v1;
	v1 =	vmul.f32 $6.999999880e-01, v45;
	v5 =	vmul.f32 $3.000000120e-01, v29  }
0x2c8: {  	v59 =	vld [tilespmem:s19+$0x8F20];
	[tilespmem:s19+$0x8E60] =	vst v2;
	v2 =	vadd.f32 v4, v3;
	v3 =	vmul.f32 $6.999999880e-01, v56;
	v4 =	vmul.f32 $3.000000120e-01, v57  }
0x2c9: {  	v60 =	vld [tilespmem:s19+$0x12F20];
	v62 =	vmul.f32 $6.999999880e-01, v48;
	[tilespmem:s19+$0x8E70] =	vst v0;
	v1 =	vadd.f32 v5, v1;
	v5 =	vmul.f32 $3.000000120e-01, v51  }
0x2ca: {  	v61 =	vld [tilespmem:s19+$0x8F30];
	v7 =	vmul.f32 $3.000000120e-01, v7;
	[tilespmem:s19+$0x8EB0] =	vst v2;
	v2 =	vmul.f32 $6.999999880e-01, v53;
	v3 =	vadd.f32 v4, v3  }
0x2cb: {  	v63 =	vld [tilespmem:s19+$0x12F30];
	[tilespmem:s19+$0x8EC0] =	vst v1;
	v4 =	vadd.f32 v5, v62;
	v5 =	vmul.f32 $6.999999880e-01, v6;
	v6 =	vmul.f32 $3.000000120e-01, v58  }
0x2cc: {  	v8 =	vmul.f32 $3.000000120e-01, v8;
	v0 =	vld [tilespmem:s19+$0x8F40];
	v7 =	vadd.f32 v7, v2;
	[tilespmem:s19+$0x8F00] =	vst v3;
	v3 =	vmul.f32 $6.999999880e-01, v55  }
0x2cd: {  	v1 =	vld [tilespmem:s19+$0x12F40];
	[tilespmem:s19+$0x8ED0] =	vst v4;
	v4 =	vadd.f32 v6, v5  }
0x2ce: {  	v2 =	vld [tilespmem:s19+$0x8F50];
	[tilespmem:s19+$0x8EE0] =	vst v7;
	v6 =	vadd.f32 v8, v3;
	v7 =	vmul.f32 $6.999999880e-01, v59;
	v8 =	vmul.f32 $3.000000120e-01, v60  }
0x2cf: {  	s20 =	simm.s32 $0x118;
	s22 =	simm.s32 $0x800;
	v3 =	vld [tilespmem:s19+$0x12F50];
	[tilespmem:s19+$0x8F10] =	vst v4  }
0x2d0: {  	v5 =	vmul.f32 $6.999999880e-01, v61;
	[tilespmem:s19+$0x8EF0] =	vst v6;
	v6 =	vadd.f32 v8, v7;
	v7 =	vmul.f32 $3.000000120e-01, v63;
	v4 =	vld [tilespmem:s19+$0x8F60]  }
.LBB2_8:
0x2d1: {  	s24 =	sshra.s32 s22, $0x2;
	v0 =	vmul.f32 $6.999999880e-01, v0;
	v8 =	vld [tilespmem:s19+$0x12F60]  }
0x2d2: {  	s20 =	sadd.s32 $0x4, s20;
	v9 =	vld [tilespmem:s24+$0x8F70];
	[tilespmem:s19+$0x8F20] =	vst v6;
	v5 =	vadd.f32 v7, v5;
	v1 =	vmul.f32 $3.000000120e-01, v1  }
0x2d3: {  	p1 =	slt.u32 s20, $0x134;
	v6 =	vld [tilespmem:s24+$0x12F70];
	v2 =	vmul.f32 $6.999999880e-01, v2  }
0x2d4: {  	v7 =	vld [tilespmem:s24+$0x8D80];
	[tilespmem:s19+$0x8F30] =	vst v5;
	v0 =	vadd.f32 v1, v0;
	v1 =	vmul.f32 $3.000000120e-01, v3  }
0x2d5: {  	v3 =	vld [tilespmem:s24+$0x12D80];
	v4 =	vmul.f32 $6.999999880e-01, v4  }
0x2d6: {  	v5 =	vld [tilespmem:s24+$0x8D90];
	[tilespmem:s19+$0x8F40] =	vst v0;
	v0 =	vadd.f32 v1, v2;
	v1 =	vmul.f32 $3.000000120e-01, v8  }
0x2d7: {  	v2 =	vld [tilespmem:s24+$0x12D90]  }
0x2d8: {  	v9 =	vmul.f32 $6.999999880e-01, v9;
	v8 =	vld [tilespmem:s24+$0x8DA0];
	v6 =	vmul.f32 $3.000000120e-01, v6;
	[tilespmem:s19+$0x8F50] =	vst v0;
	v0 =	vadd.f32 v1, v4  }
0x2d9: {  	v1 =	vmul.f32 $6.999999880e-01, v7;
	v4 =	vld [tilespmem:s24+$0x12DA0]  }
0x2da: {  	v3 =	vmul.f32 $3.000000120e-01, v3;
	v7 =	vld [tilespmem:s24+$0x8DB0];
	v6 =	vadd.f32 v6, v9;
	[tilespmem:s19+$0x8F60] =	vst v0;
	s19 =	smov.u32 s24  }
0x2db: {  	v0 =	vmul.f32 $6.999999880e-01, v5;
	v5 =	vld [tilespmem:s19+$0x12DB0]  }
0x2dc: {  	v1 =	vadd.f32 v3, v1;
	v2 =	vmul.f32 $3.000000120e-01, v2;
	v3 =	vld [tilespmem:s19+$0x8DC0];
	[tilespmem:s19+$0x8F70] =	vst v6  }
0x2dd: {  	v6 =	vmul.f32 $6.999999880e-01, v8;
	v8 =	vld [tilespmem:s19+$0x12DC0]  }
0x2de: {  	[tilespmem:s19+$0x8D80] =	vst v1;
	v0 =	vadd.f32 v2, v0;
	v1 =	vmul.f32 $3.000000120e-01, v4;
	v2 =	vld [tilespmem:s19+$0x8DD0]  }
0x2df: {  	v4 =	vmul.f32 $6.999999880e-01, v7;
	v7 =	vld [tilespmem:s19+$0x12DD0]  }
0x2e0: {  	[tilespmem:s19+$0x8D90] =	vst v0;
	v0 =	vadd.f32 v1, v6;
	v1 =	vmul.f32 $3.000000120e-01, v5;
	v5 =	vld [tilespmem:s19+$0x8DE0]  }
0x2e1: {  	v3 =	vmul.f32 $6.999999880e-01, v3;
	v6 =	vld [tilespmem:s19+$0x12DE0]  }
0x2e2: {  	[tilespmem:s19+$0x8DA0] =	vst v0;
	v0 =	vadd.f32 v1, v4;
	v1 =	vmul.f32 $3.000000120e-01, v8;
	v4 =	vld [tilespmem:s19+$0x8DF0]  }
0x2e3: {  	v2 =	vmul.f32 $6.999999880e-01, v2;
	v8 =	vld [tilespmem:s19+$0x12DF0]  }
0x2e4: {  	[tilespmem:s19+$0x8DB0] =	vst v0;
	v0 =	vadd.f32 v1, v3;
	v1 =	vmul.f32 $3.000000120e-01, v7;
	v3 =	vld [tilespmem:s19+$0x8E00]  }
0x2e5: {  	v5 =	vmul.f32 $6.999999880e-01, v5;
	v7 =	vld [tilespmem:s19+$0x12E00]  }
0x2e6: {  	[tilespmem:s19+$0x8DC0] =	vst v0;
	v0 =	vadd.f32 v1, v2;
	v1 =	vmul.f32 $3.000000120e-01, v6;
	v2 =	vld [tilespmem:s19+$0x8E10]  }
0x2e7: {  	v4 =	vmul.f32 $6.999999880e-01, v4;
	v6 =	vld [tilespmem:s19+$0x12E10]  }
0x2e8: {  	[tilespmem:s19+$0x8DD0] =	vst v0;
	v0 =	vadd.f32 v1, v5;
	v1 =	vmul.f32 $3.000000120e-01, v8;
	v5 =	vld [tilespmem:s19+$0x8E20]  }
0x2e9: {  	v3 =	vmul.f32 $6.999999880e-01, v3;
	v8 =	vld [tilespmem:s19+$0x12E20]  }
0x2ea: {  	[tilespmem:s19+$0x8DE0] =	vst v0;
	v0 =	vadd.f32 v1, v4;
	v1 =	vmul.f32 $3.000000120e-01, v7;
	v4 =	vld [tilespmem:s19+$0x8E30]  }
0x2eb: {  	v2 =	vmul.f32 $6.999999880e-01, v2;
	v7 =	vld [tilespmem:s19+$0x12E30]  }
0x2ec: {  	[tilespmem:s19+$0x8DF0] =	vst v0;
	v0 =	vadd.f32 v1, v3;
	v1 =	vmul.f32 $3.000000120e-01, v6;
	v3 =	vld [tilespmem:s19+$0x8E40]  }
0x2ed: {  	v5 =	vmul.f32 $6.999999880e-01, v5;
	v6 =	vld [tilespmem:s19+$0x12E40]  }
0x2ee: {  	[tilespmem:s19+$0x8E00] =	vst v0;
	v0 =	vadd.f32 v1, v2;
	v1 =	vmul.f32 $3.000000120e-01, v8;
	v2 =	vld [tilespmem:s19+$0x8E50]  }
0x2ef: {  	v4 =	vmul.f32 $6.999999880e-01, v4;
	v8 =	vld [tilespmem:s19+$0x12E50]  }
0x2f0: {  	[tilespmem:s19+$0x8E10] =	vst v0;
	v0 =	vadd.f32 v1, v5;
	v1 =	vmul.f32 $3.000000120e-01, v7;
	v5 =	vld [tilespmem:s19+$0x8E60]  }
0x2f1: {  	v3 =	vmul.f32 $6.999999880e-01, v3;
	v7 =	vld [tilespmem:s19+$0x12E60]  }
0x2f2: {  	[tilespmem:s19+$0x8E20] =	vst v0;
	v0 =	vadd.f32 v1, v4;
	v1 =	vmul.f32 $3.000000120e-01, v6;
	v4 =	vld [tilespmem:s19+$0x8E70]  }
0x2f3: {  	v2 =	vmul.f32 $6.999999880e-01, v2;
	v6 =	vld [tilespmem:s19+$0x12E70]  }
0x2f4: {  	[tilespmem:s19+$0x8E30] =	vst v0;
	v0 =	vadd.f32 v1, v3;
	v1 =	vmul.f32 $3.000000120e-01, v8;
	v3 =	vld [tilespmem:s19+$0x8E80]  }
0x2f5: {  	v5 =	vmul.f32 $6.999999880e-01, v5;
	v8 =	vld [tilespmem:s19+$0x12E80]  }
0x2f6: {  	[tilespmem:s19+$0x8E40] =	vst v0;
	v0 =	vadd.f32 v1, v2;
	v1 =	vmul.f32 $3.000000120e-01, v7;
	v2 =	vld [tilespmem:s19+$0x8E90]  }
0x2f7: {  	v4 =	vmul.f32 $6.999999880e-01, v4;
	v7 =	vld [tilespmem:s19+$0x12E90]  }
0x2f8: {  	[tilespmem:s19+$0x8E50] =	vst v0;
	v0 =	vadd.f32 v1, v5;
	v1 =	vmul.f32 $3.000000120e-01, v6;
	v5 =	vld [tilespmem:s19+$0x8EA0]  }
0x2f9: {  	v3 =	vmul.f32 $6.999999880e-01, v3;
	v6 =	vld [tilespmem:s19+$0x12EA0]  }
0x2fa: {  	[tilespmem:s19+$0x8E60] =	vst v0;
	v0 =	vadd.f32 v1, v4;
	v1 =	vmul.f32 $3.000000120e-01, v8;
	v4 =	vld [tilespmem:s19+$0x8EB0]  }
0x2fb: {  	v2 =	vmul.f32 $6.999999880e-01, v2;
	v8 =	vld [tilespmem:s19+$0x12EB0]  }
0x2fc: {  	[tilespmem:s19+$0x8E70] =	vst v0;
	v0 =	vadd.f32 v1, v3;
	v1 =	vmul.f32 $3.000000120e-01, v7;
	v3 =	vld [tilespmem:s19+$0x8EC0]  }
0x2fd: {  	v5 =	vmul.f32 $6.999999880e-01, v5;
	v7 =	vld [tilespmem:s19+$0x12EC0]  }
0x2fe: {  	[tilespmem:s19+$0x8E80] =	vst v0;
	v0 =	vadd.f32 v1, v2;
	v1 =	vmul.f32 $3.000000120e-01, v6;
	v2 =	vld [tilespmem:s19+$0x8ED0]  }
0x2ff: {  	v4 =	vmul.f32 $6.999999880e-01, v4;
	v6 =	vld [tilespmem:s19+$0x12ED0]  }
0x300: {  	[tilespmem:s19+$0x8E90] =	vst v0;
	v0 =	vadd.f32 v1, v5;
	v1 =	vmul.f32 $3.000000120e-01, v8;
	v5 =	vld [tilespmem:s19+$0x8EE0]  }
0x301: {  	v3 =	vmul.f32 $6.999999880e-01, v3;
	v8 =	vld [tilespmem:s19+$0x12EE0]  }
0x302: {  	[tilespmem:s19+$0x8EA0] =	vst v0;
	v0 =	vadd.f32 v1, v4;
	v1 =	vmul.f32 $3.000000120e-01, v7;
	v4 =	vld [tilespmem:s19+$0x8EF0]  }
0x303: {  	v2 =	vmul.f32 $6.999999880e-01, v2;
	v7 =	vld [tilespmem:s19+$0x12EF0]  }
0x304: {  	[tilespmem:s19+$0x8EB0] =	vst v0;
	v0 =	vadd.f32 v1, v3;
	v1 =	vmul.f32 $3.000000120e-01, v6;
	v3 =	vld [tilespmem:s19+$0x8F00]  }
0x305: {  	v5 =	vmul.f32 $6.999999880e-01, v5;
	v6 =	vld [tilespmem:s19+$0x12F00]  }
0x306: {  	[tilespmem:s19+$0x8EC0] =	vst v0;
	v0 =	vadd.f32 v1, v2;
	v1 =	vmul.f32 $3.000000120e-01, v8;
	v2 =	vld [tilespmem:s19+$0x8F10]  }
0x307: {  	v4 =	vmul.f32 $6.999999880e-01, v4;
	v8 =	vld [tilespmem:s19+$0x12F10]  }
0x308: {  	[tilespmem:s19+$0x8ED0] =	vst v0;
	v0 =	vadd.f32 v1, v5;
	v1 =	vmul.f32 $3.000000120e-01, v7;
	v5 =	vld [tilespmem:s19+$0x8F20]  }
0x309: {  	v3 =	vmul.f32 $6.999999880e-01, v3;
	v7 =	vld [tilespmem:s19+$0x12F20]  }
0x30a: {  	[tilespmem:s19+$0x8EE0] =	vst v0;
	v0 =	vadd.f32 v1, v4;
	v1 =	vmul.f32 $3.000000120e-01, v6;
	v4 =	vld [tilespmem:s19+$0x8F30]  }
0x30b: {  	v2 =	vmul.f32 $6.999999880e-01, v2;
	v9 =	vld [tilespmem:s19+$0x12F30]  }
.Ltmp5:
0x30c: {  	[tilespmem:s19+$0x8EF0] =	vst v0;
	v3 =	vadd.f32 v1, v3;
	v6 =	vmul.f32 $3.000000120e-01, v8;
	v0 =	vld [tilespmem:s19+$0x8F40];
	(pc) =	sbr.rel @p1 .LBB2_8-.Ltmp5, $4  }
0x30d: {  	v8 =	vmul.f32 $6.999999880e-01, v5;
	v1 =	vld [tilespmem:s19+$0x12F40]  }
0x30e: {  	[tilespmem:s19+$0x8F00] =	vst v3;
	v6 =	vadd.f32 v6, v2;
	v7 =	vmul.f32 $3.000000120e-01, v7;
	v2 =	vld [tilespmem:s19+$0x8F50]  }
0x30f: {  	v5 =	vmul.f32 $6.999999880e-01, v4;
	v3 =	vld [tilespmem:s19+$0x12F50]  }
0x310: {  	s22 =	sadd.s32 $0x800, s22;
	[tilespmem:s19+$0x8F10] =	vst v6;
	v6 =	vadd.f32 v7, v8;
	v7 =	vmul.f32 $3.000000120e-01, v9;
	v4 =	vld [tilespmem:s19+$0x8F60]  }
0x311: {  	v8 =	vld [tilespmem:s19+$0x12F60];
	_ =	sdelay $0x2  }
0x312: {  	v0 =	vmul.f32 $6.999999880e-01, v0;
	v1 =	vmul.f32 $3.000000120e-01, v1  }
0x313: {  	v5 =	vadd.f32 v7, v5;
	v2 =	vmul.f32 $6.999999880e-01, v2;
	v3 =	vmul.f32 $3.000000120e-01, v3  }
0x314: {  	[tilespmem:s19+$0x8F20] =	vst v6;
	v0 =	vadd.f32 v1, v0;
	v61 =	vmul.f32 $6.999999880e-01, v4;
	v62 =	vmul.f32 $3.000000120e-01, v8  }
.Ltmp6:
0x315: {  	[tilespmem:s19+$0x8F30] =	vst v5;
	v2 =	vadd.f32 v3, v2;
	(pc) =	sbr.rel @p0 .LBB2_13-.Ltmp6, $4  }
0x316: {  	[tilespmem:s19+$0x8F40] =	vst v0;
	v63 =	vadd.f32 v62, v61  }
0x317: {  	[tilespmem:s19+$0x8F50] =	vst v2  }
0x318: {  	[tilespmem:s19+$0x8F60] =	vst v63  }
0x319: {  	[hbm4b:s13+s2] =	stream.linear.scatter [tilespmem:s28], [sflag:$0x6], $0x1000, $0x38;
	[tilespmem:$0x14180] =	vst v63  }
0x31a: {  	_ =	swait.ge [sflag:s1], $0x400  }
0x31b: {  	[sflag:s1] =	ssyncset.done $0x0  }
0x31c: {  	[sflag:s1] =	ssyncadd.s32 $0xFFFFFC00  }
0x31d: {  	_ =	swait.ge [sflag:s1], $0x400  }
0x31e: {  	[sflag:s1] =	ssyncset.done $0x0  }
0x31f: {  	s19 =	simm.s32 $0x0;
	[sflag:s1] =	ssyncadd.s32 $0xFFFFFC00  }
0x320: {  	v0 =	vld [tilespmem:s19+$0x9D80]  }
0x321: {  	v1 =	vld [tilespmem:s19+$0x13D80]  }
0x322: {  	v2 =	vld [tilespmem:s19+$0x9D90]  }
0x323: {  	v3 =	vld [tilespmem:s19+$0x13D90]  }
0x324: {  	v4 =	vld [tilespmem:s19+$0x9DA0]  }
0x325: {  	v5 =	vld [tilespmem:s19+$0x13DA0]  }
0x326: {  	v6 =	vld [tilespmem:s19+$0x9DB0]  }
0x327: {  	v7 =	vld [tilespmem:s19+$0x13DB0]  }
0x328: {  	v8 =	vld [tilespmem:s19+$0x13DC0]  }
0x329: {  	v9 =	vld [tilespmem:s19+$0x9F70]  }
0x32a: {  	v10 =	vld [tilespmem:s19+$0x13F70]  }
0x32b: {  	v11 =	vld [tilespmem:s19+$0x13DE0]  }
0x32c: {  	v12 =	vld [tilespmem:s19+$0x9E00]  }
0x32d: {  	v13 =	vld [tilespmem:s19+$0x13E00]  }
0x32e: {  	v14 =	vld [tilespmem:s19+$0x9E10]  }
0x32f: {  	v15 =	vld [tilespmem:s19+$0x13E10]  }
0x330: {  	v16 =	vld [tilespmem:s19+$0x9E20]  }
0x331: {  	v17 =	vld [tilespmem:s19+$0x13E20]  }
0x332: {  	v18 =	vld [tilespmem:s19+$0x9E30]  }
0x333: {  	v40 =	vld [tilespmem:s19+$0x9E40]  }
0x334: {  	v42 =	vld [tilespmem:s19+$0x13E40]  }
0x335: {  	v19 =	vld [tilespmem:s19+$0x9DF0]  }
0x336: {  	v43 =	vld [tilespmem:s19+$0x9E50]  }
0x337: {  	v44 =	vld [tilespmem:s19+$0x13E50]  }
0x338: {  	v20 =	vld [tilespmem:s19+$0x13DF0]  }
0x339: {  	v21 =	vld [tilespmem:s19+$0x9E80]  }
0x33a: {  	v22 =	vld [tilespmem:s19+$0x13E80]  }
0x33b: {  	v23 =	vld [tilespmem:s19+$0x9E90]  }
0x33c: {  	v24 =	vld [tilespmem:s19+$0x13E90]  }
0x33d: {  	v25 =	vld [tilespmem:s19+$0x9EA0]  }
0x33e: {  	v26 =	vld [tilespmem:s19+$0x13EA0]  }
0x33f: {  	v27 =	vld [tilespmem:s19+$0x9EB0]  }
0x340: {  	v28 =	vld [tilespmem:s19+$0x13EB0];
	v0 =	vmul.f32 $6.999999880e-01, v0;
	v1 =	vmul.f32 $3.000000120e-01, v1  }
0x341: {  	v45 =	vld [tilespmem:s19+$0x9EC0];
	v4 =	vmul.f32 $6.999999880e-01, v4;
	v5 =	vmul.f32 $3.000000120e-01, v5  }
0x342: {  	v29 =	vld [tilespmem:s19+$0x13EC0];
	v12 =	vmul.f32 $6.999999880e-01, v12;
	v13 =	vmul.f32 $3.000000120e-01, v13;
	v0 =	vadd.f32 v1, v0  }
0x343: {  	v46 =	vld [tilespmem:s19+$0x13E60];
	v21 =	vmul.f32 $6.999999880e-01, v21;
	v22 =	vmul.f32 $3.000000120e-01, v22;
	v4 =	vadd.f32 v5, v4  }
0x344: {  	v48 =	vld [tilespmem:s19+$0x9ED0];
	v2 =	vmul.f32 $6.999999880e-01, v2;
	v3 =	vmul.f32 $3.000000120e-01, v3;
	v12 =	vadd.f32 v13, v12;
	[tilespmem:s19+$0x9D80] =	vst v0  }
0x345: {  	v16 =	vmul.f32 $6.999999880e-01, v16;
	v17 =	vmul.f32 $3.000000120e-01, v17;
	v1 =	vld [tilespmem:s19+$0x9DC0];
	v21 =	vadd.f32 v22, v21;
	[tilespmem:s19+$0x9DA0] =	vst v4  }
0x346: {  	v23 =	vmul.f32 $6.999999880e-01, v23;
	v24 =	vmul.f32 $3.000000120e-01, v24;
	v0 =	vadd.f32 v3, v2;
	v2 =	vld [tilespmem:s19+$0x9DD0];
	[tilespmem:s19+$0x9E00] =	vst v12  }
0x347: {  	v9 =	vmul.f32 $6.999999880e-01, v9;
	v10 =	vmul.f32 $3.000000120e-01, v10;
	v16 =	vadd.f32 v17, v16;
	v3 =	vld [tilespmem:s19+$0x13DD0];
	[tilespmem:s19+$0x9E80] =	vst v21  }
0x348: {  	v6 =	vmul.f32 $6.999999880e-01, v6;
	v7 =	vmul.f32 $3.000000120e-01, v7;
	v47 =	vadd.f32 v24, v23;
	[tilespmem:s19+$0x9D90] =	vst v0;
	v0 =	vld [tilespmem:s19+$0x9DE0]  }
0x349: {  	v51 =	vld [tilespmem:s19+$0x13ED0];
	v41 =	vmul.f32 $3.000000120e-01, v15;
	v9 =	vadd.f32 v10, v9;
	v4 =	vmul.f32 $6.999999880e-01, v14;
	[tilespmem:s19+$0x9E20] =	vst v16  }
0x34a: {  	v49 =	vmul.f32 $6.999999880e-01, v25;
	v50 =	vmul.f32 $3.000000120e-01, v26;
	v5 =	vld [tilespmem:s19+$0x13E30];
	v6 =	vadd.f32 v7, v6;
	[tilespmem:s19+$0x9E90] =	vst v47  }
0x34b: {  	v52 =	vld [tilespmem:s19+$0x9E70];
	v8 =	vmul.f32 $3.000000120e-01, v8;
	[tilespmem:s19+$0x9F70] =	vst v9;
	v4 =	vadd.f32 v41, v4;
	v1 =	vmul.f32 $6.999999880e-01, v1  }
0x34c: {  	v53 =	vld [tilespmem:s19+$0x9EE0];
	v16 =	vadd.f32 v50, v49;
	[tilespmem:s19+$0x9DB0] =	vst v6;
	v2 =	vmul.f32 $6.999999880e-01, v2;
	v3 =	vmul.f32 $3.000000120e-01, v3  }
0x34d: {  	[tilespmem:s19+$0x9E10] =	vst v4;
	v4 =	vld [tilespmem:s19+$0x9E60];
	v1 =	vadd.f32 v8, v1;
	v8 =	vmul.f32 $3.000000120e-01, v11;
	v0 =	vmul.f32 $6.999999880e-01, v0  }
0x34e: {  	v54 =	vld [tilespmem:s19+$0x13E70];
	v6 =	vmul.f32 $3.000000120e-01, v20;
	[tilespmem:s19+$0x9EA0] =	vst v16;
	v2 =	vadd.f32 v3, v2;
	v3 =	vmul.f32 $6.999999880e-01, v19  }
0x34f: {  	v55 =	vld [tilespmem:s19+$0x9EF0];
	v5 =	vmul.f32 $3.000000120e-01, v5;
	[tilespmem:s19+$0x9DC0] =	vst v1;
	v1 =	vmul.f32 $6.999999880e-01, v18;
	v0 =	vadd.f32 v8, v0  }
0x350: {  	v56 =	vld [tilespmem:s19+$0x9F00];
	[tilespmem:s19+$0x9DD0] =	vst v2;
	v2 =	vadd.f32 v6, v3;
	v3 =	vmul.f32 $6.999999880e-01, v40;
	v6 =	vmul.f32 $3.000000120e-01, v42  }
0x351: {  	v57 =	vld [tilespmem:s19+$0x13F00];
	[tilespmem:s19+$0x9DE0] =	vst v0;
	v0 =	vadd.f32 v5, v1;
	v1 =	vmul.f32 $6.999999880e-01, v43;
	v5 =	vmul.f32 $3.000000120e-01, v44  }
0x352: {  	v58 =	vld [tilespmem:s19+$0x13F10];
	[tilespmem:s19+$0x9DF0] =	vst v2;
	v2 =	vadd.f32 v6, v3;
	v3 =	vmul.f32 $6.999999880e-01, v4;
	v4 =	vmul.f32 $3.000000120e-01, v46  }
0x353: {  	v7 =	vld [tilespmem:s19+$0x13EE0];
	[tilespmem:s19+$0x9E30] =	vst v0;
	v0 =	vadd.f32 v5, v1;
	v1 =	vmul.f32 $6.999999880e-01, v52;
	v5 =	vmul.f32 $3.000000120e-01, v54  }
0x354: {  	v6 =	vld [tilespmem:s19+$0x9F10];
	[tilespmem:s19+$0x9E40] =	vst v2;
	v2 =	vadd.f32 v4, v3;
	v3 =	vmul.f32 $6.999999880e-01, v27;
	v4 =	vmul.f32 $3.000000120e-01, v28  }
0x355: {  	v8 =	vld [tilespmem:s19+$0x13EF0];
	[tilespmem:s19+$0x9E50] =	vst v0;
	v0 =	vadd.f32 v5, v1;
	v1 =	vmul.f32 $6.999999880e-01, v45;
	v5 =	vmul.f32 $3.000000120e-01, v29  }
0x356: {  	v59 =	vld [tilespmem:s19+$0x9F20];
	[tilespmem:s19+$0x9E60] =	vst v2;
	v2 =	vadd.f32 v4, v3;
	v3 =	vmul.f32 $6.999999880e-01, v56;
	v4 =	vmul.f32 $3.000000120e-01, v57  }
0x357: {  	v60 =	vld [tilespmem:s19+$0x13F20];
	v62 =	vmul.f32 $6.999999880e-01, v48;
	[tilespmem:s19+$0x9E70] =	vst v0;
	v1 =	vadd.f32 v5, v1;
	v5 =	vmul.f32 $3.000000120e-01, v51  }
0x358: {  	v61 =	vld [tilespmem:s19+$0x9F30];
	v7 =	vmul.f32 $3.000000120e-01, v7;
	[tilespmem:s19+$0x9EB0] =	vst v2;
	v2 =	vmul.f32 $6.999999880e-01, v53;
	v3 =	vadd.f32 v4, v3  }
0x359: {  	v63 =	vld [tilespmem:s19+$0x13F30];
	[tilespmem:s19+$0x9EC0] =	vst v1;
	v4 =	vadd.f32 v5, v62;
	v5 =	vmul.f32 $6.999999880e-01, v6;
	v6 =	vmul.f32 $3.000000120e-01, v58  }
0x35a: {  	v8 =	vmul.f32 $3.000000120e-01, v8;
	v0 =	vld [tilespmem:s19+$0x9F40];
	v7 =	vadd.f32 v7, v2;
	[tilespmem:s19+$0x9F00] =	vst v3;
	v3 =	vmul.f32 $6.999999880e-01, v55  }
0x35b: {  	v1 =	vld [tilespmem:s19+$0x13F40];
	[tilespmem:s19+$0x9ED0] =	vst v4;
	v4 =	vadd.f32 v6, v5  }
0x35c: {  	v2 =	vld [tilespmem:s19+$0x9F50];
	[tilespmem:s19+$0x9EE0] =	vst v7;
	v6 =	vadd.f32 v8, v3;
	v7 =	vmul.f32 $6.999999880e-01, v59;
	v8 =	vmul.f32 $3.000000120e-01, v60  }
0x35d: {  	s20 =	simm.s32 $0x138;
	s22 =	simm.s32 $0x800;
	v3 =	vld [tilespmem:s19+$0x13F50];
	[tilespmem:s19+$0x9F10] =	vst v4  }
0x35e: {  	v5 =	vmul.f32 $6.999999880e-01, v61;
	[tilespmem:s19+$0x9EF0] =	vst v6;
	v6 =	vadd.f32 v8, v7;
	v7 =	vmul.f32 $3.000000120e-01, v63;
	v4 =	vld [tilespmem:s19+$0x9F60]  }
.LBB2_11:
0x35f: {  	s24 =	sshra.s32 s22, $0x2;
	v0 =	vmul.f32 $6.999999880e-01, v0;
	v8 =	vld [tilespmem:s19+$0x13F60]  }
0x360: {  	s20 =	sadd.s32 $0x4, s20;
	v5 =	vadd.f32 v7, v5;
	v1 =	vmul.f32 $3.000000120e-01, v1;
	v9 =	vld [tilespmem:s24+$0x9F70];
	[tilespmem:s19+$0x9F20] =	vst v6  }
0x361: {  	v2 =	vmul.f32 $6.999999880e-01, v2;
	p1 =	slt.u32 s20, $0x13C;
	v6 =	vld [tilespmem:s24+$0x13F70]  }
0x362: {  	v0 =	vadd.f32 v1, v0;
	v1 =	vmul.f32 $3.000000120e-01, v3;
	v7 =	vld [tilespmem:s24+$0x9D80];
	[tilespmem:s19+$0x9F30] =	vst v5  }
0x363: {  	v4 =	vmul.f32 $6.999999880e-01, v4;
	v3 =	vld [tilespmem:s24+$0x13D80]  }
0x364: {  	v5 =	vld [tilespmem:s24+$0x9D90];
	[tilespmem:s19+$0x9F40] =	vst v0;
	v0 =	vadd.f32 v1, v2;
	v1 =	vmul.f32 $3.000000120e-01, v8  }
0x365: {  	v2 =	vld [tilespmem:s24+$0x13D90]  }
0x366: {  	v9 =	vmul.f32 $6.999999880e-01, v9;
	v8 =	vld [tilespmem:s24+$0x9DA0];
	v6 =	vmul.f32 $3.000000120e-01, v6;
	[tilespmem:s19+$0x9F50] =	vst v0;
	v0 =	vadd.f32 v1, v4  }
0x367: {  	v1 =	vmul.f32 $6.999999880e-01, v7;
	v4 =	vld [tilespmem:s24+$0x13DA0]  }
0x368: {  	v3 =	vmul.f32 $3.000000120e-01, v3;
	v7 =	vld [tilespmem:s24+$0x9DB0];
	v6 =	vadd.f32 v6, v9;
	[tilespmem:s19+$0x9F60] =	vst v0;
	s19 =	smov.u32 s24  }
0x369: {  	v0 =	vmul.f32 $6.999999880e-01, v5;
	v5 =	vld [tilespmem:s19+$0x13DB0]  }
0x36a: {  	v1 =	vadd.f32 v3, v1;
	v2 =	vmul.f32 $3.000000120e-01, v2;
	v3 =	vld [tilespmem:s19+$0x9DC0];
	[tilespmem:s19+$0x9F70] =	vst v6  }
0x36b: {  	v6 =	vmul.f32 $6.999999880e-01, v8;
	v8 =	vld [tilespmem:s19+$0x13DC0]  }
0x36c: {  	[tilespmem:s19+$0x9D80] =	vst v1;
	v0 =	vadd.f32 v2, v0;
	v1 =	vmul.f32 $3.000000120e-01, v4;
	v2 =	vld [tilespmem:s19+$0x9DD0]  }
0x36d: {  	v4 =	vmul.f32 $6.999999880e-01, v7;
	v7 =	vld [tilespmem:s19+$0x13DD0]  }
0x36e: {  	[tilespmem:s19+$0x9D90] =	vst v0;
	v0 =	vadd.f32 v1, v6;
	v1 =	vmul.f32 $3.000000120e-01, v5;
	v5 =	vld [tilespmem:s19+$0x9DE0]  }
0x36f: {  	v3 =	vmul.f32 $6.999999880e-01, v3;
	v6 =	vld [tilespmem:s19+$0x13DE0]  }
0x370: {  	[tilespmem:s19+$0x9DA0] =	vst v0;
	v0 =	vadd.f32 v1, v4;
	v1 =	vmul.f32 $3.000000120e-01, v8;
	v4 =	vld [tilespmem:s19+$0x9DF0]  }
0x371: {  	v2 =	vmul.f32 $6.999999880e-01, v2;
	v8 =	vld [tilespmem:s19+$0x13DF0]  }
0x372: {  	[tilespmem:s19+$0x9DB0] =	vst v0;
	v0 =	vadd.f32 v1, v3;
	v1 =	vmul.f32 $3.000000120e-01, v7;
	v3 =	vld [tilespmem:s19+$0x9E00]  }
0x373: {  	v5 =	vmul.f32 $6.999999880e-01, v5;
	v7 =	vld [tilespmem:s19+$0x13E00]  }
0x374: {  	[tilespmem:s19+$0x9DC0] =	vst v0;
	v0 =	vadd.f32 v1, v2;
	v1 =	vmul.f32 $3.000000120e-01, v6;
	v2 =	vld [tilespmem:s19+$0x9E10]  }
0x375: {  	v4 =	vmul.f32 $6.999999880e-01, v4;
	v6 =	vld [tilespmem:s19+$0x13E10]  }
0x376: {  	[tilespmem:s19+$0x9DD0] =	vst v0;
	v0 =	vadd.f32 v1, v5;
	v1 =	vmul.f32 $3.000000120e-01, v8;
	v5 =	vld [tilespmem:s19+$0x9E20]  }
0x377: {  	v3 =	vmul.f32 $6.999999880e-01, v3;
	v8 =	vld [tilespmem:s19+$0x13E20]  }
0x378: {  	[tilespmem:s19+$0x9DE0] =	vst v0;
	v0 =	vadd.f32 v1, v4;
	v1 =	vmul.f32 $3.000000120e-01, v7;
	v4 =	vld [tilespmem:s19+$0x9E30]  }
0x379: {  	v2 =	vmul.f32 $6.999999880e-01, v2;
	v7 =	vld [tilespmem:s19+$0x13E30]  }
0x37a: {  	[tilespmem:s19+$0x9DF0] =	vst v0;
	v0 =	vadd.f32 v1, v3;
	v1 =	vmul.f32 $3.000000120e-01, v6;
	v3 =	vld [tilespmem:s19+$0x9E40]  }
0x37b: {  	v5 =	vmul.f32 $6.999999880e-01, v5;
	v6 =	vld [tilespmem:s19+$0x13E40]  }
0x37c: {  	[tilespmem:s19+$0x9E00] =	vst v0;
	v0 =	vadd.f32 v1, v2;
	v1 =	vmul.f32 $3.000000120e-01, v8;
	v2 =	vld [tilespmem:s19+$0x9E50]  }
0x37d: {  	v4 =	vmul.f32 $6.999999880e-01, v4;
	v8 =	vld [tilespmem:s19+$0x13E50]  }
0x37e: {  	[tilespmem:s19+$0x9E10] =	vst v0;
	v0 =	vadd.f32 v1, v5;
	v1 =	vmul.f32 $3.000000120e-01, v7;
	v5 =	vld [tilespmem:s19+$0x9E60]  }
0x37f: {  	v3 =	vmul.f32 $6.999999880e-01, v3;
	v7 =	vld [tilespmem:s19+$0x13E60]  }
0x380: {  	[tilespmem:s19+$0x9E20] =	vst v0;
	v0 =	vadd.f32 v1, v4;
	v1 =	vmul.f32 $3.000000120e-01, v6;
	v4 =	vld [tilespmem:s19+$0x9E70]  }
0x381: {  	v2 =	vmul.f32 $6.999999880e-01, v2;
	v6 =	vld [tilespmem:s19+$0x13E70]  }
0x382: {  	[tilespmem:s19+$0x9E30] =	vst v0;
	v0 =	vadd.f32 v1, v3;
	v1 =	vmul.f32 $3.000000120e-01, v8;
	v3 =	vld [tilespmem:s19+$0x9E80]  }
0x383: {  	v5 =	vmul.f32 $6.999999880e-01, v5;
	v8 =	vld [tilespmem:s19+$0x13E80]  }
0x384: {  	[tilespmem:s19+$0x9E40] =	vst v0;
	v0 =	vadd.f32 v1, v2;
	v1 =	vmul.f32 $3.000000120e-01, v7;
	v2 =	vld [tilespmem:s19+$0x9E90]  }
0x385: {  	v4 =	vmul.f32 $6.999999880e-01, v4;
	v7 =	vld [tilespmem:s19+$0x13E90]  }
0x386: {  	[tilespmem:s19+$0x9E50] =	vst v0;
	v0 =	vadd.f32 v1, v5;
	v1 =	vmul.f32 $3.000000120e-01, v6;
	v5 =	vld [tilespmem:s19+$0x9EA0]  }
0x387: {  	v3 =	vmul.f32 $6.999999880e-01, v3;
	v6 =	vld [tilespmem:s19+$0x13EA0]  }
0x388: {  	[tilespmem:s19+$0x9E60] =	vst v0;
	v0 =	vadd.f32 v1, v4;
	v1 =	vmul.f32 $3.000000120e-01, v8;
	v4 =	vld [tilespmem:s19+$0x9EB0]  }
0x389: {  	v2 =	vmul.f32 $6.999999880e-01, v2;
	v8 =	vld [tilespmem:s19+$0x13EB0]  }
0x38a: {  	[tilespmem:s19+$0x9E70] =	vst v0;
	v0 =	vadd.f32 v1, v3;
	v1 =	vmul.f32 $3.000000120e-01, v7;
	v3 =	vld [tilespmem:s19+$0x9EC0]  }
0x38b: {  	v5 =	vmul.f32 $6.999999880e-01, v5;
	v7 =	vld [tilespmem:s19+$0x13EC0]  }
0x38c: {  	[tilespmem:s19+$0x9E80] =	vst v0;
	v0 =	vadd.f32 v1, v2;
	v1 =	vmul.f32 $3.000000120e-01, v6;
	v2 =	vld [tilespmem:s19+$0x9ED0]  }
0x38d: {  	v4 =	vmul.f32 $6.999999880e-01, v4;
	v6 =	vld [tilespmem:s19+$0x13ED0]  }
0x38e: {  	[tilespmem:s19+$0x9E90] =	vst v0;
	v0 =	vadd.f32 v1, v5;
	v1 =	vmul.f32 $3.000000120e-01, v8;
	v5 =	vld [tilespmem:s19+$0x9EE0]  }
0x38f: {  	v3 =	vmul.f32 $6.999999880e-01, v3;
	v8 =	vld [tilespmem:s19+$0x13EE0]  }
0x390: {  	[tilespmem:s19+$0x9EA0] =	vst v0;
	v0 =	vadd.f32 v1, v4;
	v1 =	vmul.f32 $3.000000120e-01, v7;
	v4 =	vld [tilespmem:s19+$0x9EF0]  }
0x391: {  	v2 =	vmul.f32 $6.999999880e-01, v2;
	v7 =	vld [tilespmem:s19+$0x13EF0]  }
0x392: {  	[tilespmem:s19+$0x9EB0] =	vst v0;
	v0 =	vadd.f32 v1, v3;
	v1 =	vmul.f32 $3.000000120e-01, v6;
	v3 =	vld [tilespmem:s19+$0x9F00]  }
0x393: {  	v5 =	vmul.f32 $6.999999880e-01, v5;
	v6 =	vld [tilespmem:s19+$0x13F00]  }
0x394: {  	[tilespmem:s19+$0x9EC0] =	vst v0;
	v0 =	vadd.f32 v1, v2;
	v1 =	vmul.f32 $3.000000120e-01, v8;
	v2 =	vld [tilespmem:s19+$0x9F10]  }
0x395: {  	v4 =	vmul.f32 $6.999999880e-01, v4;
	v8 =	vld [tilespmem:s19+$0x13F10]  }
0x396: {  	[tilespmem:s19+$0x9ED0] =	vst v0;
	v0 =	vadd.f32 v1, v5;
	v1 =	vmul.f32 $3.000000120e-01, v7;
	v5 =	vld [tilespmem:s19+$0x9F20]  }
0x397: {  	v3 =	vmul.f32 $6.999999880e-01, v3;
	v7 =	vld [tilespmem:s19+$0x13F20]  }
0x398: {  	[tilespmem:s19+$0x9EE0] =	vst v0;
	v0 =	vadd.f32 v1, v4;
	v1 =	vmul.f32 $3.000000120e-01, v6;
	v4 =	vld [tilespmem:s19+$0x9F30]  }
0x399: {  	v2 =	vmul.f32 $6.999999880e-01, v2;
	v9 =	vld [tilespmem:s19+$0x13F30]  }
.Ltmp7:
0x39a: {  	[tilespmem:s19+$0x9EF0] =	vst v0;
	v3 =	vadd.f32 v1, v3;
	v6 =	vmul.f32 $3.000000120e-01, v8;
	v0 =	vld [tilespmem:s19+$0x9F40];
	(pc) =	sbr.rel @p1 .LBB2_11-.Ltmp7, $4  }
0x39b: {  	v8 =	vmul.f32 $6.999999880e-01, v5;
	v1 =	vld [tilespmem:s19+$0x13F40]  }
0x39c: {  	[tilespmem:s19+$0x9F00] =	vst v3;
	v6 =	vadd.f32 v6, v2;
	v7 =	vmul.f32 $3.000000120e-01, v7;
	v2 =	vld [tilespmem:s19+$0x9F50]  }
0x39d: {  	v5 =	vmul.f32 $6.999999880e-01, v4;
	v3 =	vld [tilespmem:s19+$0x13F50]  }
0x39e: {  	s22 =	sadd.s32 $0x800, s22;
	[tilespmem:s19+$0x9F10] =	vst v6;
	v6 =	vadd.f32 v7, v8;
	v7 =	vmul.f32 $3.000000120e-01, v9;
	v4 =	vld [tilespmem:s19+$0x9F60]  }
.Ltmp8:
0x39f: {  	_ = 	snop;
	(pc) =	sbr.rel .LBB2_12-.Ltmp8, $1  }
0x3a0: {  	_ =	sdelay $0x3  }
.LBB2_14:
0x3a1: {  	_ =	sfence.sel $0x180000  }
0x3a2: {  	[bflag:$0x0] =	sbarrier.arrive $0xFFFF  }
0x3a3: {  	_ =	strace $0x90000047  }
0x3a4: {  	[bflag:$0x2] =	sbarrier.arrive $0xFFFF  }
0x3a5: {  	s0 =	rddreg [dreg:$0x3]  }
0x3a6: {  	s0 =	sadd.s32 @!p0 $0x100000, s0  }
0x3a7: {  	[sflag:s0] =	ssyncadd.tile.s32 @!p0 $0x1;
	_ =	shalt  }
.Lfunc_end2:
_tile_overlayer_lowered:
.L_overlay_start_2:
0x3a8: {  	(tag) =	ssettag $0x2  }
0x3a9: {  	s0 =	rddreg [dreg:$0x0];
	s2 =	stileid.u32  }
0x3aa: {  	s1 =	rddreg [dreg:$0x1];
	p0 =	sne.s32 s2, $0x0  }
0x3ab: {  	s3 =	rddreg [dreg:$0x2];
	[bflag:$0x3] =	sbarrier.arrive $0xFFFF;
	s2 =	simm.s32 @!p0 $0x1C07  }
0x3ac: {  	[timem:s3], [sflag:s2] =	dma.local @!p0 [hbm:s0], s1  }
0x3ad: {  	s0 =	simm.s32 @!p0 $0x7  }
0x3ae: {  	_ =	swait.ge @!p0 [sflag:s0], s1  }
0x3af: {  	s1 =	ssub.s32 @!p0 $0x0, s1;
	[sflag:s0] =	ssyncset.done @!p0 $0x0  }
0x3b0: {  	[sflag:s0] =	ssyncadd.s32 @!p0 s1  }
0x3b1: {  	[bflag:$0x3] =	sbarrier.arrive $0xFFFF  }
0x3b2: {  	_ =	shalt  }

</sc_bundles>
